<compile_context>
chip_gen: v7x
topology: tpu7x:2x2x1
jax: 0.10.2.dev20260603
libtpu: 0.0.44.dev20260713+nightly
codegen_flags: <defaults>
</compile_context>

<pallas_src>
import functools

import jax
import jax.numpy as jnp
import numpy as np
from jax.experimental import pallas as pl
from jax.experimental.pallas import tpu as pltpu
from jax.experimental.pallas import tpu_sc as plsc

_N = 10000; _K = 32; _D = 128; _P = 64; _A = 4; _H = 8; _DH = 16
_NCH = 512; _NBA = 128; _DEPTH = 2
_NK = _N * _K
_BN = 200
_BE = _BN * _K
_GRID = _N // _BN
_CH = 80
_BNP = 400

_SEQ = pltpu.CompilerParams(dimension_semantics=("arbitrary",))


def _ln(x, g, b):
    m = jnp.mean(x, axis=-1, keepdims=True)
    v = jnp.mean((x - m) * (x - m), axis=-1, keepdims=True)
    return (x - m) * jax.lax.rsqrt(v + 1e-5) * g + b


def _expand(a, bn=_BN):
    return jnp.broadcast_to(a[:, None, :], (bn, _K, a.shape[-1])).reshape(bn * _K, a.shape[-1])



def _sc_gather(table, idx, width, dtype):
    nk = idx.shape[0]
    info = plsc.get_sparse_core_info()
    nc, ns = info.num_cores, info.num_subcores
    nw = nc * ns
    per = nk // nw
    steps = per // _CH
    mesh = plsc.VectorSubcoreMesh(core_axis_name="c", subcore_axis_name="s")

    @functools.partial(
        pl.kernel, mesh=mesh,
        compiler_params=pltpu.CompilerParams(use_tc_tiling_on_sc=False),
        out_type=jax.ShapeDtypeStruct((nk, width), dtype),
        scratch_types=[
            pltpu.VMEM((per,), jnp.int32),
            pltpu.VMEM((2, _CH, width), dtype),
            pltpu.SemaphoreType.DMA,
            pltpu.SemaphoreType.DMA,
        ],
    )
    def gather_k(tab_h, idx_h, out_h, idx_v, rows_v, g0, g1):
        wid = jax.lax.axis_index("s") * nc + jax.lax.axis_index("c")
        base = wid * per
        pltpu.sync_copy(idx_h.at[pl.ds(base, per)], idx_v)
        gsem = (g0, g1)

        def gath(c, b):
            return pltpu.make_async_copy(
                tab_h.at[idx_v.at[pl.ds(c * _CH, _CH)]],
                rows_v.at[b], gsem[b])

        def pair(g, carry):
            c0 = 2 * g
            for b in (0, 1):
                gath(c0 + b, b).start()
            for b in (0, 1):
                gath(0, b).wait()
                pltpu.sync_copy(rows_v.at[b],
                                out_h.at[pl.ds(base + (c0 + b) * _CH, _CH)])
            return carry

        jax.lax.fori_loop(0, steps // 2, pair, 0)
        if steps % 2:
            c = steps - 1
            gath(c, 0).start()
            gath(0, 0).wait()
            pltpu.sync_copy(rows_v.at[0], out_h.at[pl.ds(base + c * _CH, _CH)])

    return gather_k(table, idx)


def _pair_body(geo_e, geo_d,
               wrel, wdist, wdir, gp, bp, wp1, bp1, wp2, bp2, wb,
               scat, g3, r16, r3, sm8, s_re, s_ch, s_ba, cc, i66,
               bias_o, pm_o):
    ge = geo_e[...]
    gd = geo_d[...]
    delta = ge - _expand(gd, _BNP)
    rel24 = jnp.clip(delta, -32.0, 32.0) + 32.0
    same24 = (delta == 0.0).astype(jnp.float32)
    relc = rel24 @ s_re[...]
    same = (same24 @ s_ch[...]) * (same24 @ s_ba[...])
    rel = jnp.where(same > 0.5, relc, 65.0)
    oh = (rel == i66[...]).astype(jnp.float32)
    pair = oh @ wrel[...]

    pos_e = ge[:, 0:12]
    ca12 = _expand(gd @ scat[...], _BNP)
    diff = pos_e - ca12
    d2 = (diff * diff) @ g3[...]
    dist = jnp.sqrt(d2)
    dist16 = dist @ r16[...]
    s = 22.0 / 16.0
    rbf = jnp.exp(-((dist16 - cc[...]) ** 2) * (1.0 / (2.0 * s * s)))
    pair = pair + rbf @ wdist[...]
    dirs = diff * ((1.0 / (dist + 1e-6)) @ r3[...])
    pair = pair + dirs @ wdir[...]

    pair = _ln(pair, gp[...], bp[...])
    pair = jax.nn.gelu(pair @ wp1[...] + bp1[...]) @ wp2[...] + bp2[...]
    bias_o[...] = pair @ wb[...]
    pm_o[...] = (ge @ sm8[...]) * _expand(gd @ sm8[...], _BNP)


def _qkv_body(x, gln1, bln1, wqkv, q_o, kv_o):
    h = _ln(x[...], gln1[...], bln1[...])
    qkv = h @ wqkv[...]
    q_o[...] = qkv[:, 0:128]
    kv_o[...] = qkv[:, 128:384].astype(jnp.bfloat16)


def _attn_upd_body(q, kvn, bias_e, pm_e, x, mf2, ch2, ba2,
                   wo, gh, ght, gln2, bln2, w4,
                   x_o, out4_o, sb_o, sc_o):
    qe = _expand(q[...])
    ke = kvn[:, 0:128].astype(jnp.float32)
    ve = kvn[:, 128:256].astype(jnp.float32)
    lg8 = ((qe * ke) @ gh[...]) * (1.0 / np.sqrt(_DH)) + bias_e[...]
    pm8 = pm_e[...]
    lg8 = jnp.where(pm8 > 0.0, lg8, -1e9)
    l3 = lg8.reshape(_BN, _K, _H)
    m3 = jnp.max(l3, axis=1, keepdims=True)
    e3 = jnp.exp(l3 - m3)
    s3 = jnp.sum(e3, axis=1, keepdims=True)
    att = (e3 / s3).reshape(_BE, _H) * pm8
    w = (att @ ght[...]) * ve
    o = w.reshape(_BN, _K, _D).sum(axis=1)
    mf = mf2[...]
    xn = x[...] + (o @ wo[...]) * mf
    x_o[...] = xn

    i = pl.program_id(0)
    h = _ln(xn, gln2[...], bln2[...])
    big = h @ w4[...]
    u = big[:, 0:256]
    gat = jax.nn.gelu(big[:, 256:1024])
    out4_o[...] = jnp.concatenate([u, gat], axis=1)
    u2 = jnp.concatenate([u * mf, jnp.broadcast_to(mf, (_BN, 8))], axis=1)
    ohb = (ba2[...] == jax.lax.broadcasted_iota(jnp.int32, (1, _NBA), 1)
           ).astype(jnp.float32)
    ohc = (ch2[...] == jax.lax.broadcasted_iota(jnp.int32, (1, _NCH), 1)
           ).astype(jnp.float32)
    pb = jax.lax.dot_general(ohb, u2, (((0,), (0,)), ((), ())), preferred_element_type=jnp.float32)
    pc = jax.lax.dot_general(ohc, u2, (((0,), (0,)), ((), ())), preferred_element_type=jnp.float32)

    @pl.when(i == 0)
    def _():
        sb_o[...] = jnp.zeros_like(sb_o)
        sc_o[...] = jnp.zeros_like(sc_o)

    sb_o[...] += pb
    sc_o[...] += pc


def _mix_core(x, out4, ch2, ba2, mf2, sb, sc, wo2):
    o4 = out4[...]
    u = o4[:, 0:256]
    lg = o4[:, 256:512]
    cg = o4[:, 512:768]
    bg = o4[:, 768:1024]
    sbv = sb[...]
    scv = sc[...]
    meanb = sbv[:, 0:256] / jnp.maximum(sbv[:, 256:257], 1.0)
    meanc = scv[:, 0:256] / jnp.maximum(scv[:, 256:257], 1.0)
    ohb = (ba2[...] == jax.lax.broadcasted_iota(jnp.int32, (1, _NBA), 1)
           ).astype(jnp.float32)
    ohc = (ch2[...] == jax.lax.broadcasted_iota(jnp.int32, (1, _NCH), 1)
           ).astype(jnp.float32)
    hidden = bg * (ohb @ meanb) + cg * (ohc @ meanc) + lg * u
    return x[...] + (hidden @ wo2[...]) * mf2[...]


def _mix_qkv_body(x, out4, ch2, ba2, mf2, sb, sc, wo2, gln1, bln1, wqkv,
                  x_o, q_o, kv_o):
    xo = _mix_core(x, out4, ch2, ba2, mf2, sb, sc, wo2)
    x_o[...] = xo
    h = _ln(xo, gln1[...], bln1[...])
    qkv = h @ wqkv[...]
    q_o[...] = qkv[:, 0:128]
    kv_o[...] = qkv[:, 128:384].astype(jnp.bfloat16)


def _mix_final_body(x, out4, ch2, ba2, mf2, sb, sc, wo2, glnf, blnf, x_o):
    xo = _mix_core(x, out4, ch2, ba2, mf2, sb, sc, wo2)
    x_o[...] = _ln(xo, glnf[...], blnf[...])


def _full(a):
    return pl.BlockSpec(a.shape, lambda i: (0,) * a.ndim)


def _nodes(width, bn=_BN):
    return pl.BlockSpec((bn, width), lambda i: (i, 0))


def _edges(width):
    return pl.BlockSpec((_BE, width), lambda i: (i, 0))


def _f32(shape):
    return jax.ShapeDtypeStruct(shape, jnp.float32)


def kernel(local, pos, neighbours, resi, chain, batch, mask, params):
    p = params
    f32 = jnp.float32
    mf = mask.astype(f32)
    geo = jnp.concatenate(
        [pos.reshape(_N, 12), mf[:, None], jnp.zeros((_N, 3), f32),
         resi[:, None].astype(f32), chain[:, None].astype(f32),
         batch[:, None].astype(f32), jnp.zeros((_N, 5), f32)], axis=1)
    nb = neighbours.reshape(_NK).astype(jnp.int32)
    mf2 = mf[:, None]
    ch2 = chain[:, None].astype(jnp.int32)
    ba2 = batch[:, None].astype(jnp.int32)

    scat = np.zeros((24, 12), np.float32)
    for a in range(4):
        for c in range(3):
            scat[3 + c, a * 3 + c] = 1.0
    g3 = np.zeros((12, 4), np.float32)
    for a in range(4):
        for c in range(3):
            g3[a * 3 + c, a] = 1.0
    r16 = np.zeros((4, 64), np.float32)
    for a in range(4):
        r16[a, a * 16:(a + 1) * 16] = 1.0
    r3 = np.zeros((4, 12), np.float32)
    for a in range(4):
        r3[a, a * 3:(a + 1) * 3] = 1.0
    sm8 = np.zeros((24, 8), np.float32)
    sm8[12, :] = 1.0
    s_re = np.zeros((24, 1), np.float32); s_re[16, 0] = 1.0
    s_ch = np.zeros((24, 1), np.float32); s_ch[17, 0] = 1.0
    s_ba = np.zeros((24, 1), np.float32); s_ba[18, 0] = 1.0
    cc = np.tile(np.linspace(0.0, 22.0, 16, dtype=np.float32), 4)[None, :]
    i66 = np.arange(66, dtype=np.float32)[None, :]
    gh = np.zeros((128, _H), np.float32)
    for h in range(_H):
        gh[h * _DH:(h + 1) * _DH, h] = 1.0
    ght = gh.T.copy()

    def v(a):
        return a.reshape(1, -1)

    geo_e = _sc_gather(geo, nb, 24, f32)

    pair_ops = [geo_e, geo,
                p['W_relpos'], p['W_dist'], p['W_dir'],
                v(p['g_pln']), v(p['b_pln']),
                p['W_p1'], v(p['b_p1']), p['W_p2'], v(p['b_p2']), p['Wb'],
                scat, g3, r16, r3, sm8, s_re, s_ch, s_ba, cc, i66]
    pair_specs = [pl.BlockSpec((_BNP * _K, 24), lambda i: (i, 0)),
                  _nodes(24, _BNP)] + [_full(a) for a in pair_ops[2:]]

    wqkv = jnp.concatenate([p['Wq'], p['Wk'], p['Wv']], axis=1)
    w4 = jnp.concatenate([p['W_upd'], p['W_lg'], p['W_cg'], p['W_bg']], axis=1)
    _BNQ = 400

    q, kv = pl.pallas_call(
        _qkv_body,
        grid=(_N // _BNQ,),
        in_specs=[_nodes(128, _BNQ), _full(v(p['g_ln1'])),
                  _full(v(p['b_ln1'])), _full(wqkv)],
        out_specs=[_nodes(128, _BNQ), _nodes(256, _BNQ)],
        out_shape=[_f32((_N, 128)),
                   jax.ShapeDtypeStruct((_N, 256), jnp.bfloat16)],
        compiler_params=_SEQ,
    )(local, v(p['g_ln1']), v(p['b_ln1']), wqkv)
    kvn = _sc_gather(kv, nb, 256, jnp.bfloat16)

    bias_e, pm_e = pl.pallas_call(
        _pair_body,
        grid=(_N // _BNP,),
        in_specs=pair_specs,
        out_specs=[pl.BlockSpec((_BNP * _K, 8), lambda i: (i, 0)),
                   pl.BlockSpec((_BNP * _K, 8), lambda i: (i, 0))],
        out_shape=[_f32((_NK, 8)), _f32((_NK, 8))],
        compiler_params=pltpu.CompilerParams(
            dimension_semantics=("arbitrary",),
            vmem_limit_bytes=100 * 1024 * 1024),
    )(*pair_ops)

    x = local
    for layer in range(_DEPTH):
        x, out4, sb, sc = pl.pallas_call(
            _attn_upd_body,
            grid=(_GRID,),
            in_specs=[_nodes(128), _edges(256), _edges(8), _edges(8),
                      _nodes(128), _nodes(1), _nodes(1), _nodes(1),
                      _full(p['Wo']), _full(gh), _full(ght),
                      _full(v(p['g_ln2'])), _full(v(p['b_ln2'])), _full(w4)],
            out_specs=[_nodes(128), _nodes(1024),
                       pl.BlockSpec((_NBA, 264), lambda i: (0, 0)),
                       pl.BlockSpec((_NCH, 264), lambda i: (0, 0))],
            out_shape=[_f32((_N, 128)), _f32((_N, 1024)),
                       _f32((_NBA, 264)), _f32((_NCH, 264))],
            compiler_params=_SEQ,
        )(q, kvn, bias_e, pm_e, x, mf2, ch2, ba2,
          p['Wo'], gh, ght, v(p['g_ln2']), v(p['b_ln2']), w4)

        if layer < _DEPTH - 1:
            x, q, kv = pl.pallas_call(
                _mix_qkv_body,
                grid=(_N // _BNQ,),
                in_specs=[_nodes(128, _BNQ), _nodes(1024, _BNQ),
                          _nodes(1, _BNQ), _nodes(1, _BNQ), _nodes(1, _BNQ),
                          _full(sb), _full(sc), _full(p['W_o2']),
                          _full(v(p['g_ln1'])), _full(v(p['b_ln1'])),
                          _full(wqkv)],
                out_specs=[_nodes(128, _BNQ), _nodes(128, _BNQ),
                           _nodes(256, _BNQ)],
                out_shape=[_f32((_N, 128)), _f32((_N, 128)),
                           jax.ShapeDtypeStruct((_N, 256), jnp.bfloat16)],
                compiler_params=_SEQ,
            )(x, out4, ch2, ba2, mf2, sb, sc, p['W_o2'],
              v(p['g_ln1']), v(p['b_ln1']), wqkv)
            kvn = _sc_gather(kv, nb, 256, jnp.bfloat16)
        else:
            x = pl.pallas_call(
                _mix_final_body,
                grid=(_GRID,),
                in_specs=[_nodes(128), _nodes(1024), _nodes(1), _nodes(1),
                          _nodes(1), _full(sb), _full(sc), _full(p['W_o2']),
                          _full(v(p['g_lnf'])), _full(v(p['b_lnf']))],
                out_specs=_nodes(128),
                out_shape=_f32((_N, 128)),
                compiler_params=_SEQ,
            )(x, out4, ch2, ba2, mf2, sb, sc, p['W_o2'],
              v(p['g_lnf']), v(p['b_lnf']))

    return x

# --- scband reference (transcript-rebuilt; emitter-appended) ---
"""Pipeline reference for scband-admencoder-4063039062759 (READ-ONLY COPY).

The authoritative reference and input builder live on the scoring server;
editing this copy changes nothing except your own understanding.
"""

import jax, jax.numpy as jnp
import numpy as np

N = 10000; K = 32; D = 128; P = 64; A = 4; H = 8; DH = D // H
N_CHAIN = 512; N_BATCH = 128; DEPTH = 2


def _ln(x, g, b):
    m = x.mean(-1, keepdims=True)
    v = x.var(-1, keepdims=True)
    return (x - m) / jnp.sqrt(v + 1e-5) * g + b


def _rbf(d, d_min, d_max, n):
    c = jnp.linspace(d_min, d_max, n)
    s = (d_max - d_min) / n
    return jnp.exp(-((d[..., None] - c) ** 2) / (2.0 * s * s))


def _forward(local, pos, neighbours, resi, chain, batch, mask, p):
    mf = mask.astype(jnp.float32)
    n = neighbours
    pm = mf[:, None] * mf[n] * (n >= 0).astype(jnp.float32)
    x = local
    for _ in range(DEPTH):
        # pair features: relative sequence position + distance RBF + directions
        rel = jnp.clip(resi[n] - resi[:, None], -32, 32) + 32
        same = (chain[n] == chain[:, None]) & (batch[n] == batch[:, None])
        rel = jnp.where(same, rel, 65)
        pair = jax.nn.one_hot(rel, 66, dtype=jnp.float32) @ p['W_relpos']
        ca = pos[:, 1]
        diff = pos[n] - ca[:, None, None, :]            # [N,K,A,3]
        dist = jnp.linalg.norm(diff, axis=-1)            # [N,K,A]
        pair = pair + _rbf(dist, 0.0, 22.0, 16).reshape(N, K, A * 16) @ p['W_dist']
        dirs = (diff / (dist[..., None] + 1e-6)).reshape(N, K, A * 3)
        pair = pair + dirs @ p['W_dir']
        pair = _ln(pair, p['g_pln'], p['b_pln'])
        pair = jax.nn.gelu(pair @ p['W_p1'] + p['b_p1']) @ p['W_p2'] + p['b_p2']
        # sparse structure attention over neighbour lists (gather-heavy)
        h = _ln(x, p['g_ln1'], p['b_ln1'])
        q = (h @ p['Wq']).reshape(N, H, DH)
        kn = (h @ p['Wk'])[n].reshape(N, K, H, DH)
        vn = (h @ p['Wv'])[n].reshape(N, K, H, DH)
        bias = pair @ p['Wb']                            # [N,K,H]
        logits = jnp.einsum('nhd,nkhd->nkh', q, kn) / np.sqrt(DH) + bias
        logits = jnp.where(pm[..., None] > 0, logits, -1e9)
        att = jax.nn.softmax(logits, axis=1) * pm[..., None]
        o = jnp.einsum('nkh,nkhd->nhd', att, vn).reshape(N, D) @ p['Wo']
        x = x + o * mf[:, None]
        # gated global update with chain/batch segment means (scatter-add)
        h = _ln(x, p['g_ln2'], p['b_ln2'])
        u = h @ p['W_upd']
        lg = jax.nn.gelu(h @ p['W_lg'])
        cg = jax.nn.gelu(h @ p['W_cg'])
        bg = jax.nn.gelu(h @ p['W_bg'])

        def imean(v, idx, S):
            num = jnp.zeros((S, v.shape[-1]), v.dtype).at[idx].add(v * mf[:, None])
            den = jnp.zeros((S, 1), v.dtype).at[idx].add(mf[:, None])
            return (num / jnp.maximum(den, 1.0))[idx]

        hidden = bg * imean(u, batch, N_BATCH) + cg * imean(u, chain, N_CHAIN) + lg * u
        x = x + (hidden @ p['W_o2']) * mf[:, None]
    return _ln(x, p['g_lnf'], p['b_lnf'])


def setup_inputs(seed: int = 0):
    key = jax.random.key(seed)
    ks = jax.random.split(key, 32)
    local = jax.random.normal(ks[0], (N, D), jnp.float32)
    pos = jax.random.normal(ks[1], (N, A, 3), jnp.float32) * 3.0
    neighbours = jax.random.randint(ks[2], (N, K), 0, N)
    resi = jnp.sort(jax.random.randint(ks[3], (N,), 0, 2048))
    chain = jnp.sort(jax.random.randint(ks[4], (N,), 0, N_CHAIN))
    batch = jnp.sort(jax.random.randint(ks[5], (N,), 0, N_BATCH))
    mask = jnp.ones((N,), bool)

    def w(k, shape):
        return jax.random.normal(k, shape, jnp.float32) / np.sqrt(shape[0])

    p = {
        'W_relpos': w(ks[6], (66, P)), 'W_dist': w(ks[7], (A * 16, P)), 'W_dir': w(ks[8], (A * 3, P)),
        'g_pln': jnp.ones((P,)), 'b_pln': jnp.zeros((P,)),
        'W_p1': w(ks[9], (P, 2 * P)), 'b_p1': jnp.zeros((2 * P,)),
        'W_p2': w(ks[10], (2 * P, P)), 'b_p2': jnp.zeros((P,)),
        'g_ln1': jnp.ones((D,)), 'b_ln1': jnp.zeros((D,)),
        'Wq': w(ks[11], (D, D)), 'Wk': w(ks[12], (D, D)), 'Wv': w(ks[13], (D, D)),
        'Wb': w(ks[14], (P, H)), 'Wo': w(ks[15], (D, D)),
        'g_ln2': jnp.ones((D,)), 'b_ln2': jnp.zeros((D,)),
        'W_upd': w(ks[16], (D, 2 * D)), 'W_lg': w(ks[17], (D, 2 * D)),
        'W_cg': w(ks[18], (D, 2 * D)), 'W_bg': w(ks[19], (D, 2 * D)),
        'W_o2': w(ks[20], (2 * D, D)),
        'g_lnf': jnp.ones((D,)), 'b_lnf': jnp.zeros((D,)),
    }
    return {'local': local, 'pos': pos, 'neighbours': neighbours, 'resi': resi,
            'chain': chain, 'batch': batch, 'mask': mask, 'params': p}


def reference(local, pos, neighbours, resi, chain, batch, mask, params):
    return _forward(local, pos, neighbours, resi, chain, batch, mask, params)

if __name__ == "__main__":
    import jax
    _d = setup_inputs()
    print(jax.jit(kernel)(*tuple(_d.values())))

</pallas_src>

<mosaic_0001>
#map = affine_map<(d0, d1) -> (0, 0)>
#map1 = affine_map<(d0, d1) -> (0)>
module attributes {stable_mosaic.version = 14 : i64} {
  func.func @gather_k(%arg0: i32, %arg1: i32, %arg2: memref<10000x24xf32, #tpu.memory_space<hbm>>, %arg3: memref<320000xi32, #tpu.memory_space<hbm>>, %arg4: memref<320000x24xf32, #tpu.memory_space<hbm>>, %arg5: memref<10000xi32, #tpu.memory_space<vmem>>, %arg6: memref<2x80x24xf32, #tpu.memory_space<vmem>>, %arg7: memref<!tpu.dma_semaphore, #tpu.memory_space<semaphore_mem>>, %arg8: memref<!tpu.dma_semaphore, #tpu.memory_space<semaphore_mem>>) attributes {dimension_semantics = [#tpu.dimension_semantics<core_parallel>, #tpu.dimension_semantics<subcore_parallel>], iteration_bounds = array<i64: 2, 16>, scalar_prefetch = 0 : i64, scratch_operands = 4 : i64, tpu.core_type = #tpu.core_type<sc_vector_subcore>, window_params = [{transform_indices = #map}, {transform_indices = #map1}, {transform_indices = #map}]} {
    %mul3A = arith.constant 2 : i32
    %mul3A_0 = arith.muli %arg1, %mul3A : i32
    %add3A = arith.addi %mul3A_0, %arg0 : i32
    %mul3A_1 = arith.constant 10000 : i32
    %mul3A_2 = arith.muli %add3A, %mul3A_1 : i32
    "tpu.region"() ({
      %run_scoped3A_28 = tpu.sem_alloc : memref<!tpu.dma_semaphore, #tpu.memory_space<semaphore_mem>>
      %dma_start3A_29 = tpu.memref_slice %arg3[%mul3A_2] : memref<320000xi32, #tpu.memory_space<hbm>> -> memref<10000xi32, #tpu.memory_space<hbm>>
      %dma_start3A_30 = tpu.memref_slice %arg3[%mul3A_2] : memref<320000xi32, #tpu.memory_space<hbm>> -> memref<10000xi32, #tpu.memory_space<hbm>>
      tpu.enqueue_dma source(%dma_start3A_30 : memref<10000xi32, #tpu.memory_space<hbm>>) target(%arg5 : memref<10000xi32, #tpu.memory_space<vmem>>) target_semaphore(%run_scoped3A_28 : memref<!tpu.dma_semaphore, #tpu.memory_space<semaphore_mem>>)
      %dma_wait3A_31 = tpu.memref_slice %arg3[%mul3A_2] : memref<320000xi32, #tpu.memory_space<hbm>> -> memref<10000xi32, #tpu.memory_space<hbm>>
      %dma_wait3A_32 = tpu.memref_slice %arg3[%mul3A_2] : memref<320000xi32, #tpu.memory_space<hbm>> -> memref<10000xi32, #tpu.memory_space<hbm>>
      tpu.wait_dma2 semaphore(%run_scoped3A_28 : memref<!tpu.dma_semaphore, #tpu.memory_space<semaphore_mem>>) src(%dma_wait3A_32 : memref<10000xi32, #tpu.memory_space<hbm>>) dst(%arg5 : memref<10000xi32, #tpu.memory_space<vmem>>)
      tpu.yield
    }) : () -> ()
    %scan3A = arith.constant 0 : i32
    %scan3A_3 = arith.constant 0 : i32
    %scan3A_4 = arith.constant 62 : i32
    %scan3A_5 = arith.addi %scan3A_3, %scan3A_4 : i32
    %scan3A_6 = arith.constant 1 : i32
    scf.for %scan3A_28 = %scan3A_3 to %scan3A_5 step %scan3A_6  : i32 {
      %mul3A_29 = arith.constant 2 : i32
      %mul3A_30 = arith.muli %mul3A_29, %scan3A_28 : i32
      %add3A_31 = arith.constant 0 : i32
      %add3A_32 = arith.addi %mul3A_30, %add3A_31 : i32
      %mul3A_33 = arith.constant 80 : i32
      %mul3A_34 = arith.muli %add3A_32, %mul3A_33 : i32
      %dma_start3A_35 = arith.constant 0 : i32
      %dma_start3A_36 = arith.constant 0 : i32
      %dma_start3A_37 = arith.constant 0 : i32
      %dma_start3A_38 = tpu.memref_slice %arg6[%dma_start3A_35, %dma_start3A_36, %dma_start3A_37] : memref<2x80x24xf32, #tpu.memory_space<vmem>> -> memref<1x80x24xf32, #tpu.memory_space<vmem>>
      %dma_start3A_39 = tpu.memref_squeeze %dma_start3A_38 : memref<1x80x24xf32, #tpu.memory_space<vmem>> -> memref<80x24xf32, #tpu.memory_space<vmem>>
      %dma_start3A_40 = tpu.memref_slice %arg5[%mul3A_34] : memref<10000xi32, #tpu.memory_space<vmem>> -> memref<80xi32, #tpu.memory_space<vmem>>
      %dma_start3A_41 = arith.constant 0 : i32
      %dma_start3A_42 = arith.constant 0 : i32
      %dma_start3A_43 = tpu.memref_slice %arg2[%dma_start3A_41, %dma_start3A_42] : memref<10000x24xf32, #tpu.memory_space<hbm>> -> memref<10000x24xf32, #tpu.memory_space<hbm>>
      tpu.enqueue_indirect_dma source(%dma_start3A_43 : memref<10000x24xf32, #tpu.memory_space<hbm>>) target(%dma_start3A_39 : memref<80x24xf32, #tpu.memory_space<vmem>>) offsets(%dma_start3A_40 : memref<80xi32, #tpu.memory_space<vmem>>) semaphore(%arg7 : memref<!tpu.dma_semaphore, #tpu.memory_space<semaphore_mem>>)
      %add3A_44 = arith.constant 1 : i32
      %add3A_45 = arith.addi %mul3A_30, %add3A_44 : i32
      %mul3A_46 = arith.constant 80 : i32
      %mul3A_47 = arith.muli %add3A_45, %mul3A_46 : i32
      %dma_start3A_48 = arith.constant 1 : i32
      %dma_start3A_49 = arith.constant 0 : i32
      %dma_start3A_50 = arith.constant 0 : i32
      %dma_start3A_51 = tpu.memref_slice %arg6[%dma_start3A_48, %dma_start3A_49, %dma_start3A_50] : memref<2x80x24xf32, #tpu.memory_space<vmem>> -> memref<1x80x24xf32, #tpu.memory_space<vmem>>
      %dma_start3A_52 = tpu.memref_squeeze %dma_start3A_51 : memref<1x80x24xf32, #tpu.memory_space<vmem>> -> memref<80x24xf32, #tpu.memory_space<vmem>>
      %dma_start3A_53 = tpu.memref_slice %arg5[%mul3A_47] : memref<10000xi32, #tpu.memory_space<vmem>> -> memref<80xi32, #tpu.memory_space<vmem>>
      %dma_start3A_54 = arith.constant 0 : i32
      %dma_start3A_55 = arith.constant 0 : i32
      %dma_start3A_56 = tpu.memref_slice %arg2[%dma_start3A_54, %dma_start3A_55] : memref<10000x24xf32, #tpu.memory_space<hbm>> -> memref<10000x24xf32, #tpu.memory_space<hbm>>
      tpu.enqueue_indirect_dma source(%dma_start3A_56 : memref<10000x24xf32, #tpu.memory_space<hbm>>) target(%dma_start3A_52 : memref<80x24xf32, #tpu.memory_space<vmem>>) offsets(%dma_start3A_53 : memref<80xi32, #tpu.memory_space<vmem>>) semaphore(%arg8 : memref<!tpu.dma_semaphore, #tpu.memory_space<semaphore_mem>>)
      %dma_wait3A_57 = arith.constant 0 : i32
      %dma_wait3A_58 = arith.constant 0 : i32
      %dma_wait3A_59 = arith.constant 0 : i32
      %dma_wait3A_60 = tpu.memref_slice %arg6[%dma_wait3A_57, %dma_wait3A_58, %dma_wait3A_59] : memref<2x80x24xf32, #tpu.memory_space<vmem>> -> memref<1x80x24xf32, #tpu.memory_space<vmem>>
      %dma_wait3A_61 = tpu.memref_squeeze %dma_wait3A_60 : memref<1x80x24xf32, #tpu.memory_space<vmem>> -> memref<80x24xf32, #tpu.memory_space<vmem>>
      %dma_wait3A_62 = arith.constant 0 : i32
      %dma_wait3A_63 = tpu.memref_slice %arg5[%dma_wait3A_62] : memref<10000xi32, #tpu.memory_space<vmem>> -> memref<80xi32, #tpu.memory_space<vmem>>
      %dma_wait3A_64 = arith.constant 0 : i32
      %dma_wait3A_65 = arith.constant 0 : i32
      %dma_wait3A_66 = tpu.memref_slice %arg2[%dma_wait3A_64, %dma_wait3A_65] : memref<10000x24xf32, #tpu.memory_space<hbm>> -> memref<10000x24xf32, #tpu.memory_space<hbm>>
      tpu.wait_indirect_dma semaphore(%arg7 : memref<!tpu.dma_semaphore, #tpu.memory_space<semaphore_mem>>) src(%dma_wait3A_66 : memref<10000x24xf32, #tpu.memory_space<hbm>>) dst(%dma_wait3A_61 : memref<80x24xf32, #tpu.memory_space<vmem>>)
      %add3A_67 = arith.constant 0 : i32
      %add3A_68 = arith.addi %mul3A_30, %add3A_67 : i32
      %mul3A_69 = arith.constant 80 : i32
      %mul3A_70 = arith.muli %add3A_68, %mul3A_69 : i32
      %add3A_71 = arith.addi %mul3A_2, %mul3A_70 : i32
      %run_scoped3A_72 = arith.constant 0 : i32
      "tpu.region"() ({
        %run_scoped3A_89 = tpu.sem_alloc : memref<!tpu.dma_semaphore, #tpu.memory_space<semaphore_mem>>
        %dma_start3A_90 = arith.constant 0 : i32
        %dma_start3A_91 = arith.constant 0 : i32
        %dma_start3A_92 = tpu.memref_slice %arg6[%run_scoped3A_72, %dma_start3A_90, %dma_start3A_91] : memref<2x80x24xf32, #tpu.memory_space<vmem>> -> memref<1x80x24xf32, #tpu.memory_space<vmem>>
        %dma_start3A_93 = tpu.memref_squeeze %dma_start3A_92 : memref<1x80x24xf32, #tpu.memory_space<vmem>> -> memref<80x24xf32, #tpu.memory_space<vmem>>
        %dma_start3A_94 = arith.constant 0 : i32
        %dma_start3A_95 = tpu.memref_slice %arg4[%add3A_71, %dma_start3A_94] : memref<320000x24xf32, #tpu.memory_space<hbm>> -> memref<80x24xf32, #tpu.memory_space<hbm>>
        %dma_start3A_96 = arith.constant 0 : i32
        %dma_start3A_97 = tpu.memref_slice %arg4[%add3A_71, %dma_start3A_96] : memref<320000x24xf32, #tpu.memory_space<hbm>> -> memref<80x24xf32, #tpu.memory_space<hbm>>
        %dma_start3A_98 = arith.constant 0 : i32
        %dma_start3A_99 = arith.constant 0 : i32
        %dma_start3A_100 = tpu.memref_slice %arg6[%run_scoped3A_72, %dma_start3A_98, %dma_start3A_99] : memref<2x80x24xf32, #tpu.memory_space<vmem>> -> memref<1x80x24xf32, #tpu.memory_space<vmem>>
        %dma_start3A_101 = tpu.memref_squeeze %dma_start3A_100 : memref<1x80x24xf32, #tpu.memory_space<vmem>> -> memref<80x24xf32, #tpu.memory_space<vmem>>
        tpu.enqueue_dma source(%dma_start3A_101 : memref<80x24xf32, #tpu.memory_space<vmem>>) target(%dma_start3A_97 : memref<80x24xf32, #tpu.memory_space<hbm>>) target_semaphore(%run_scoped3A_89 : memref<!tpu.dma_semaphore, #tpu.memory_space<semaphore_mem>>)
        %dma_wait3A_102 = arith.constant 0 : i32
        %dma_wait3A_103 = arith.constant 0 : i32
        %dma_wait3A_104 = tpu.memref_slice %arg6[%run_scoped3A_72, %dma_wait3A_102, %dma_wait3A_103] : memref<2x80x24xf32, #tpu.memory_space<vmem>> -> memref<1x80x24xf32, #tpu.memory_space<vmem>>
        %dma_wait3A_105 = tpu.memref_squeeze %dma_wait3A_104 : memref<1x80x24xf32, #tpu.memory_space<vmem>> -> memref<80x24xf32, #tpu.memory_space<vmem>>
        %dma_wait3A_106 = arith.constant 0 : i32
        %dma_wait3A_107 = tpu.memref_slice %arg4[%add3A_71, %dma_wait3A_106] : memref<320000x24xf32, #tpu.memory_space<hbm>> -> memref<80x24xf32, #tpu.memory_space<hbm>>
        %dma_wait3A_108 = arith.constant 0 : i32
        %dma_wait3A_109 = tpu.memref_slice %arg4[%add3A_71, %dma_wait3A_108] : memref<320000x24xf32, #tpu.memory_space<hbm>> -> memref<80x24xf32, #tpu.memory_space<hbm>>
        %dma_wait3A_110 = arith.constant 0 : i32
        %dma_wait3A_111 = arith.constant 0 : i32
        %dma_wait3A_112 = tpu.memref_slice %arg6[%run_scoped3A_72, %dma_wait3A_110, %dma_wait3A_111] : memref<2x80x24xf32, #tpu.memory_space<vmem>> -> memref<1x80x24xf32, #tpu.memory_space<vmem>>
        %dma_wait3A_113 = tpu.memref_squeeze %dma_wait3A_112 : memref<1x80x24xf32, #tpu.memory_space<vmem>> -> memref<80x24xf32, #tpu.memory_space<vmem>>
        tpu.wait_dma2 semaphore(%run_scoped3A_89 : memref<!tpu.dma_semaphore, #tpu.memory_space<semaphore_mem>>) src(%dma_wait3A_113 : memref<80x24xf32, #tpu.memory_space<vmem>>) dst(%dma_wait3A_109 : memref<80x24xf32, #tpu.memory_space<hbm>>)
        tpu.yield
      }) : () -> ()
      %dma_wait3A_73 = arith.constant 1 : i32
      %dma_wait3A_74 = arith.constant 0 : i32
      %dma_wait3A_75 = arith.constant 0 : i32
      %dma_wait3A_76 = tpu.memref_slice %arg6[%dma_wait3A_73, %dma_wait3A_74, %dma_wait3A_75] : memref<2x80x24xf32, #tpu.memory_space<vmem>> -> memref<1x80x24xf32, #tpu.memory_space<vmem>>
      %dma_wait3A_77 = tpu.memref_squeeze %dma_wait3A_76 : memref<1x80x24xf32, #tpu.memory_space<vmem>> -> memref<80x24xf32, #tpu.memory_space<vmem>>
      %dma_wait3A_78 = arith.constant 0 : i32
      %dma_wait3A_79 = tpu.memref_slice %arg5[%dma_wait3A_78] : memref<10000xi32, #tpu.memory_space<vmem>> -> memref<80xi32, #tpu.memory_space<vmem>>
      %dma_wait3A_80 = arith.constant 0 : i32
      %dma_wait3A_81 = arith.constant 0 : i32
      %dma_wait3A_82 = tpu.memref_slice %arg2[%dma_wait3A_80, %dma_wait3A_81] : memref<10000x24xf32, #tpu.memory_space<hbm>> -> memref<10000x24xf32, #tpu.memory_space<hbm>>
      tpu.wait_indirect_dma semaphore(%arg8 : memref<!tpu.dma_semaphore, #tpu.memory_space<semaphore_mem>>) src(%dma_wait3A_82 : memref<10000x24xf32, #tpu.memory_space<hbm>>) dst(%dma_wait3A_77 : memref<80x24xf32, #tpu.memory_space<vmem>>)
      %add3A_83 = arith.constant 1 : i32
      %add3A_84 = arith.addi %mul3A_30, %add3A_83 : i32
      %mul3A_85 = arith.constant 80 : i32
      %mul3A_86 = arith.muli %add3A_84, %mul3A_85 : i32
      %add3A_87 = arith.addi %mul3A_2, %mul3A_86 : i32
      %run_scoped3A_88 = arith.constant 1 : i32
      "tpu.region"() ({
        %run_scoped3A_89 = tpu.sem_alloc : memref<!tpu.dma_semaphore, #tpu.memory_space<semaphore_mem>>
        %dma_start3A_90 = arith.constant 0 : i32
        %dma_start3A_91 = arith.constant 0 : i32
        %dma_start3A_92 = tpu.memref_slice %arg6[%run_scoped3A_88, %dma_start3A_90, %dma_start3A_91] : memref<2x80x24xf32, #tpu.memory_space<vmem>> -> memref<1x80x24xf32, #tpu.memory_space<vmem>>
        %dma_start3A_93 = tpu.memref_squeeze %dma_start3A_92 : memref<1x80x24xf32, #tpu.memory_space<vmem>> -> memref<80x24xf32, #tpu.memory_space<vmem>>
        %dma_start3A_94 = arith.constant 0 : i32
        %dma_start3A_95 = tpu.memref_slice %arg4[%add3A_87, %dma_start3A_94] : memref<320000x24xf32, #tpu.memory_space<hbm>> -> memref<80x24xf32, #tpu.memory_space<hbm>>
        %dma_start3A_96 = arith.constant 0 : i32
        %dma_start3A_97 = tpu.memref_slice %arg4[%add3A_87, %dma_start3A_96] : memref<320000x24xf32, #tpu.memory_space<hbm>> -> memref<80x24xf32, #tpu.memory_space<hbm>>
        %dma_start3A_98 = arith.constant 0 : i32
        %dma_start3A_99 = arith.constant 0 : i32
        %dma_start3A_100 = tpu.memref_slice %arg6[%run_scoped3A_88, %dma_start3A_98, %dma_start3A_99] : memref<2x80x24xf32, #tpu.memory_space<vmem>> -> memref<1x80x24xf32, #tpu.memory_space<vmem>>
        %dma_start3A_101 = tpu.memref_squeeze %dma_start3A_100 : memref<1x80x24xf32, #tpu.memory_space<vmem>> -> memref<80x24xf32, #tpu.memory_space<vmem>>
        tpu.enqueue_dma source(%dma_start3A_101 : memref<80x24xf32, #tpu.memory_space<vmem>>) target(%dma_start3A_97 : memref<80x24xf32, #tpu.memory_space<hbm>>) target_semaphore(%run_scoped3A_89 : memref<!tpu.dma_semaphore, #tpu.memory_space<semaphore_mem>>)
        %dma_wait3A_102 = arith.constant 0 : i32
        %dma_wait3A_103 = arith.constant 0 : i32
        %dma_wait3A_104 = tpu.memref_slice %arg6[%run_scoped3A_88, %dma_wait3A_102, %dma_wait3A_103] : memref<2x80x24xf32, #tpu.memory_space<vmem>> -> memref<1x80x24xf32, #tpu.memory_space<vmem>>
        %dma_wait3A_105 = tpu.memref_squeeze %dma_wait3A_104 : memref<1x80x24xf32, #tpu.memory_space<vmem>> -> memref<80x24xf32, #tpu.memory_space<vmem>>
        %dma_wait3A_106 = arith.constant 0 : i32
        %dma_wait3A_107 = tpu.memref_slice %arg4[%add3A_87, %dma_wait3A_106] : memref<320000x24xf32, #tpu.memory_space<hbm>> -> memref<80x24xf32, #tpu.memory_space<hbm>>
        %dma_wait3A_108 = arith.constant 0 : i32
        %dma_wait3A_109 = tpu.memref_slice %arg4[%add3A_87, %dma_wait3A_108] : memref<320000x24xf32, #tpu.memory_space<hbm>> -> memref<80x24xf32, #tpu.memory_space<hbm>>
        %dma_wait3A_110 = arith.constant 0 : i32
        %dma_wait3A_111 = arith.constant 0 : i32
        %dma_wait3A_112 = tpu.memref_slice %arg6[%run_scoped3A_88, %dma_wait3A_110, %dma_wait3A_111] : memref<2x80x24xf32, #tpu.memory_space<vmem>> -> memref<1x80x24xf32, #tpu.memory_space<vmem>>
        %dma_wait3A_113 = tpu.memref_squeeze %dma_wait3A_112 : memref<1x80x24xf32, #tpu.memory_space<vmem>> -> memref<80x24xf32, #tpu.memory_space<vmem>>
        tpu.wait_dma2 semaphore(%run_scoped3A_89 : memref<!tpu.dma_semaphore, #tpu.memory_space<semaphore_mem>>) src(%dma_wait3A_113 : memref<80x24xf32, #tpu.memory_space<vmem>>) dst(%dma_wait3A_109 : memref<80x24xf32, #tpu.memory_space<hbm>>)
        tpu.yield
      }) : () -> ()
    }
    %scan3A_7 = arith.constant 62 : i32
    %dma_start3A = arith.constant 0 : i32
    %dma_start3A_8 = arith.constant 0 : i32
    %dma_start3A_9 = arith.constant 0 : i32
    %dma_start3A_10 = tpu.memref_slice %arg6[%dma_start3A, %dma_start3A_8, %dma_start3A_9] : memref<2x80x24xf32, #tpu.memory_space<vmem>> -> memref<1x80x24xf32, #tpu.memory_space<vmem>>
    %dma_start3A_11 = tpu.memref_squeeze %dma_start3A_10 : memref<1x80x24xf32, #tpu.memory_space<vmem>> -> memref<80x24xf32, #tpu.memory_space<vmem>>
    %dma_start3A_12 = arith.constant 9920 : i32
    %dma_start3A_13 = tpu.memref_slice %arg5[%dma_start3A_12] : memref<10000xi32, #tpu.memory_space<vmem>> -> memref<80xi32, #tpu.memory_space<vmem>>
    %dma_start3A_14 = arith.constant 0 : i32
    %dma_start3A_15 = arith.constant 0 : i32
    %dma_start3A_16 = tpu.memref_slice %arg2[%dma_start3A_14, %dma_start3A_15] : memref<10000x24xf32, #tpu.memory_space<hbm>> -> memref<10000x24xf32, #tpu.memory_space<hbm>>
    tpu.enqueue_indirect_dma source(%dma_start3A_16 : memref<10000x24xf32, #tpu.memory_space<hbm>>) target(%dma_start3A_11 : memref<80x24xf32, #tpu.memory_space<vmem>>) offsets(%dma_start3A_13 : memref<80xi32, #tpu.memory_space<vmem>>) semaphore(%arg7 : memref<!tpu.dma_semaphore, #tpu.memory_space<semaphore_mem>>)
    %dma_wait3A = arith.constant 0 : i32
    %dma_wait3A_17 = arith.constant 0 : i32
    %dma_wait3A_18 = arith.constant 0 : i32
    %dma_wait3A_19 = tpu.memref_slice %arg6[%dma_wait3A, %dma_wait3A_17, %dma_wait3A_18] : memref<2x80x24xf32, #tpu.memory_space<vmem>> -> memref<1x80x24xf32, #tpu.memory_space<vmem>>
    %dma_wait3A_20 = tpu.memref_squeeze %dma_wait3A_19 : memref<1x80x24xf32, #tpu.memory_space<vmem>> -> memref<80x24xf32, #tpu.memory_space<vmem>>
    %dma_wait3A_21 = arith.constant 0 : i32
    %dma_wait3A_22 = tpu.memref_slice %arg5[%dma_wait3A_21] : memref<10000xi32, #tpu.memory_space<vmem>> -> memref<80xi32, #tpu.memory_space<vmem>>
    %dma_wait3A_23 = arith.constant 0 : i32
    %dma_wait3A_24 = arith.constant 0 : i32
    %dma_wait3A_25 = tpu.memref_slice %arg2[%dma_wait3A_23, %dma_wait3A_24] : memref<10000x24xf32, #tpu.memory_space<hbm>> -> memref<10000x24xf32, #tpu.memory_space<hbm>>
    tpu.wait_indirect_dma semaphore(%arg7 : memref<!tpu.dma_semaphore, #tpu.memory_space<semaphore_mem>>) src(%dma_wait3A_25 : memref<10000x24xf32, #tpu.memory_space<hbm>>) dst(%dma_wait3A_20 : memref<80x24xf32, #tpu.memory_space<vmem>>)
    %add3A_26 = arith.constant 9920 : i32
    %add3A_27 = arith.addi %mul3A_2, %add3A_26 : i32
    %run_scoped3A = arith.constant 0 : i32
    "tpu.region"() ({
      %run_scoped3A_28 = tpu.sem_alloc : memref<!tpu.dma_semaphore, #tpu.memory_space<semaphore_mem>>
      %dma_start3A_29 = arith.constant 0 : i32
      %dma_start3A_30 = arith.constant 0 : i32
      %dma_start3A_31 = tpu.memref_slice %arg6[%run_scoped3A, %dma_start3A_29, %dma_start3A_30] : memref<2x80x24xf32, #tpu.memory_space<vmem>> -> memref<1x80x24xf32, #tpu.memory_space<vmem>>
      %dma_start3A_32 = tpu.memref_squeeze %dma_start3A_31 : memref<1x80x24xf32, #tpu.memory_space<vmem>> -> memref<80x24xf32, #tpu.memory_space<vmem>>
      %dma_start3A_33 = arith.constant 0 : i32
      %dma_start3A_34 = tpu.memref_slice %arg4[%add3A_27, %dma_start3A_33] : memref<320000x24xf32, #tpu.memory_space<hbm>> -> memref<80x24xf32, #tpu.memory_space<hbm>>
      %dma_start3A_35 = arith.constant 0 : i32
      %dma_start3A_36 = tpu.memref_slice %arg4[%add3A_27, %dma_start3A_35] : memref<320000x24xf32, #tpu.memory_space<hbm>> -> memref<80x24xf32, #tpu.memory_space<hbm>>
      %dma_start3A_37 = arith.constant 0 : i32
      %dma_start3A_38 = arith.constant 0 : i32
      %dma_start3A_39 = tpu.memref_slice %arg6[%run_scoped3A, %dma_start3A_37, %dma_start3A_38] : memref<2x80x24xf32, #tpu.memory_space<vmem>> -> memref<1x80x24xf32, #tpu.memory_space<vmem>>
      %dma_start3A_40 = tpu.memref_squeeze %dma_start3A_39 : memref<1x80x24xf32, #tpu.memory_space<vmem>> -> memref<80x24xf32, #tpu.memory_space<vmem>>
      tpu.enqueue_dma source(%dma_start3A_40 : memref<80x24xf32, #tpu.memory_space<vmem>>) target(%dma_start3A_36 : memref<80x24xf32, #tpu.memory_space<hbm>>) target_semaphore(%run_scoped3A_28 : memref<!tpu.dma_semaphore, #tpu.memory_space<semaphore_mem>>)
      %dma_wait3A_41 = arith.constant 0 : i32
      %dma_wait3A_42 = arith.constant 0 : i32
      %dma_wait3A_43 = tpu.memref_slice %arg6[%run_scoped3A, %dma_wait3A_41, %dma_wait3A_42] : memref<2x80x24xf32, #tpu.memory_space<vmem>> -> memref<1x80x24xf32, #tpu.memory_space<vmem>>
      %dma_wait3A_44 = tpu.memref_squeeze %dma_wait3A_43 : memref<1x80x24xf32, #tpu.memory_space<vmem>> -> memref<80x24xf32, #tpu.memory_space<vmem>>
      %dma_wait3A_45 = arith.constant 0 : i32
      %dma_wait3A_46 = tpu.memref_slice %arg4[%add3A_27, %dma_wait3A_45] : memref<320000x24xf32, #tpu.memory_space<hbm>> -> memref<80x24xf32, #tpu.memory_space<hbm>>
      %dma_wait3A_47 = arith.constant 0 : i32
      %dma_wait3A_48 = tpu.memref_slice %arg4[%add3A_27, %dma_wait3A_47] : memref<320000x24xf32, #tpu.memory_space<hbm>> -> memref<80x24xf32, #tpu.memory_space<hbm>>
      %dma_wait3A_49 = arith.constant 0 : i32
      %dma_wait3A_50 = arith.constant 0 : i32
      %dma_wait3A_51 = tpu.memref_slice %arg6[%run_scoped3A, %dma_wait3A_49, %dma_wait3A_50] : memref<2x80x24xf32, #tpu.memory_space<vmem>> -> memref<1x80x24xf32, #tpu.memory_space<vmem>>
      %dma_wait3A_52 = tpu.memref_squeeze %dma_wait3A_51 : memref<1x80x24xf32, #tpu.memory_space<vmem>> -> memref<80x24xf32, #tpu.memory_space<vmem>>
      tpu.wait_dma2 semaphore(%run_scoped3A_28 : memref<!tpu.dma_semaphore, #tpu.memory_space<semaphore_mem>>) src(%dma_wait3A_52 : memref<80x24xf32, #tpu.memory_space<vmem>>) dst(%dma_wait3A_48 : memref<80x24xf32, #tpu.memory_space<hbm>>)
      tpu.yield
    }) : () -> ()
    return
  }
}

#map = affine_map<(d0, d1) -> (0, 0)>
#map1 = affine_map<(d0, d1) -> (0)>
module attributes {stable_mosaic.version = 14 : i64} {
  func.func @gather_k(%arg0: i32, %arg1: i32, %arg2: memref<10000x256xbf16, #tpu.memory_space<hbm>>, %arg3: memref<320000xi32, #tpu.memory_space<hbm>>, %arg4: memref<320000x256xbf16, #tpu.memory_space<hbm>>, %arg5: memref<10000xi32, #tpu.memory_space<vmem>>, %arg6: memref<2x80x256xbf16, #tpu.memory_space<vmem>>, %arg7: memref<!tpu.dma_semaphore, #tpu.memory_space<semaphore_mem>>, %arg8: memref<!tpu.dma_semaphore, #tpu.memory_space<semaphore_mem>>) attributes {dimension_semantics = [#tpu.dimension_semantics<core_parallel>, #tpu.dimension_semantics<subcore_parallel>], iteration_bounds = array<i64: 2, 16>, scalar_prefetch = 0 : i64, scratch_operands = 4 : i64, tpu.core_type = #tpu.core_type<sc_vector_subcore>, window_params = [{transform_indices = #map}, {transform_indices = #map1}, {transform_indices = #map}]} {
    %mul3A = arith.constant 2 : i32
    %mul3A_0 = arith.muli %arg1, %mul3A : i32
    %add3A = arith.addi %mul3A_0, %arg0 : i32
    %mul3A_1 = arith.constant 10000 : i32
    %mul3A_2 = arith.muli %add3A, %mul3A_1 : i32
    "tpu.region"() ({
      %run_scoped3A_28 = tpu.sem_alloc : memref<!tpu.dma_semaphore, #tpu.memory_space<semaphore_mem>>
      %dma_start3A_29 = tpu.memref_slice %arg3[%mul3A_2] : memref<320000xi32, #tpu.memory_space<hbm>> -> memref<10000xi32, #tpu.memory_space<hbm>>
      %dma_start3A_30 = tpu.memref_slice %arg3[%mul3A_2] : memref<320000xi32, #tpu.memory_space<hbm>> -> memref<10000xi32, #tpu.memory_space<hbm>>
      tpu.enqueue_dma source(%dma_start3A_30 : memref<10000xi32, #tpu.memory_space<hbm>>) target(%arg5 : memref<10000xi32, #tpu.memory_space<vmem>>) target_semaphore(%run_scoped3A_28 : memref<!tpu.dma_semaphore, #tpu.memory_space<semaphore_mem>>)
      %dma_wait3A_31 = tpu.memref_slice %arg3[%mul3A_2] : memref<320000xi32, #tpu.memory_space<hbm>> -> memref<10000xi32, #tpu.memory_space<hbm>>
      %dma_wait3A_32 = tpu.memref_slice %arg3[%mul3A_2] : memref<320000xi32, #tpu.memory_space<hbm>> -> memref<10000xi32, #tpu.memory_space<hbm>>
      tpu.wait_dma2 semaphore(%run_scoped3A_28 : memref<!tpu.dma_semaphore, #tpu.memory_space<semaphore_mem>>) src(%dma_wait3A_32 : memref<10000xi32, #tpu.memory_space<hbm>>) dst(%arg5 : memref<10000xi32, #tpu.memory_space<vmem>>)
      tpu.yield
    }) : () -> ()
    %scan3A = arith.constant 0 : i32
    %scan3A_3 = arith.constant 0 : i32
    %scan3A_4 = arith.constant 62 : i32
    %scan3A_5 = arith.addi %scan3A_3, %scan3A_4 : i32
    %scan3A_6 = arith.constant 1 : i32
    scf.for %scan3A_28 = %scan3A_3 to %scan3A_5 step %scan3A_6  : i32 {
      %mul3A_29 = arith.constant 2 : i32
      %mul3A_30 = arith.muli %mul3A_29, %scan3A_28 : i32
      %add3A_31 = arith.constant 0 : i32
      %add3A_32 = arith.addi %mul3A_30, %add3A_31 : i32
      %mul3A_33 = arith.constant 80 : i32
      %mul3A_34 = arith.muli %add3A_32, %mul3A_33 : i32
      %dma_start3A_35 = arith.constant 0 : i32
      %dma_start3A_36 = arith.constant 0 : i32
      %dma_start3A_37 = arith.constant 0 : i32
      %dma_start3A_38 = tpu.memref_slice %arg6[%dma_start3A_35, %dma_start3A_36, %dma_start3A_37] : memref<2x80x256xbf16, #tpu.memory_space<vmem>> -> memref<1x80x256xbf16, #tpu.memory_space<vmem>>
      %dma_start3A_39 = tpu.memref_squeeze %dma_start3A_38 : memref<1x80x256xbf16, #tpu.memory_space<vmem>> -> memref<80x256xbf16, #tpu.memory_space<vmem>>
      %dma_start3A_40 = tpu.memref_slice %arg5[%mul3A_34] : memref<10000xi32, #tpu.memory_space<vmem>> -> memref<80xi32, #tpu.memory_space<vmem>>
      %dma_start3A_41 = arith.constant 0 : i32
      %dma_start3A_42 = arith.constant 0 : i32
      %dma_start3A_43 = tpu.memref_slice %arg2[%dma_start3A_41, %dma_start3A_42] : memref<10000x256xbf16, #tpu.memory_space<hbm>> -> memref<10000x256xbf16, #tpu.memory_space<hbm>>
      tpu.enqueue_indirect_dma source(%dma_start3A_43 : memref<10000x256xbf16, #tpu.memory_space<hbm>>) target(%dma_start3A_39 : memref<80x256xbf16, #tpu.memory_space<vmem>>) offsets(%dma_start3A_40 : memref<80xi32, #tpu.memory_space<vmem>>) semaphore(%arg7 : memref<!tpu.dma_semaphore, #tpu.memory_space<semaphore_mem>>)
      %add3A_44 = arith.constant 1 : i32
      %add3A_45 = arith.addi %mul3A_30, %add3A_44 : i32
      %mul3A_46 = arith.constant 80 : i32
      %mul3A_47 = arith.muli %add3A_45, %mul3A_46 : i32
      %dma_start3A_48 = arith.constant 1 : i32
      %dma_start3A_49 = arith.constant 0 : i32
      %dma_start3A_50 = arith.constant 0 : i32
      %dma_start3A_51 = tpu.memref_slice %arg6[%dma_start3A_48, %dma_start3A_49, %dma_start3A_50] : memref<2x80x256xbf16, #tpu.memory_space<vmem>> -> memref<1x80x256xbf16, #tpu.memory_space<vmem>>
      %dma_start3A_52 = tpu.memref_squeeze %dma_start3A_51 : memref<1x80x256xbf16, #tpu.memory_space<vmem>> -> memref<80x256xbf16, #tpu.memory_space<vmem>>
      %dma_start3A_53 = tpu.memref_slice %arg5[%mul3A_47] : memref<10000xi32, #tpu.memory_space<vmem>> -> memref<80xi32, #tpu.memory_space<vmem>>
      %dma_start3A_54 = arith.constant 0 : i32
      %dma_start3A_55 = arith.constant 0 : i32
      %dma_start3A_56 = tpu.memref_slice %arg2[%dma_start3A_54, %dma_start3A_55] : memref<10000x256xbf16, #tpu.memory_space<hbm>> -> memref<10000x256xbf16, #tpu.memory_space<hbm>>
      tpu.enqueue_indirect_dma source(%dma_start3A_56 : memref<10000x256xbf16, #tpu.memory_space<hbm>>) target(%dma_start3A_52 : memref<80x256xbf16, #tpu.memory_space<vmem>>) offsets(%dma_start3A_53 : memref<80xi32, #tpu.memory_space<vmem>>) semaphore(%arg8 : memref<!tpu.dma_semaphore, #tpu.memory_space<semaphore_mem>>)
      %dma_wait3A_57 = arith.constant 0 : i32
      %dma_wait3A_58 = arith.constant 0 : i32
      %dma_wait3A_59 = arith.constant 0 : i32
      %dma_wait3A_60 = tpu.memref_slice %arg6[%dma_wait3A_57, %dma_wait3A_58, %dma_wait3A_59] : memref<2x80x256xbf16, #tpu.memory_space<vmem>> -> memref<1x80x256xbf16, #tpu.memory_space<vmem>>
      %dma_wait3A_61 = tpu.memref_squeeze %dma_wait3A_60 : memref<1x80x256xbf16, #tpu.memory_space<vmem>> -> memref<80x256xbf16, #tpu.memory_space<vmem>>
      %dma_wait3A_62 = arith.constant 0 : i32
      %dma_wait3A_63 = tpu.memref_slice %arg5[%dma_wait3A_62] : memref<10000xi32, #tpu.memory_space<vmem>> -> memref<80xi32, #tpu.memory_space<vmem>>
      %dma_wait3A_64 = arith.constant 0 : i32
      %dma_wait3A_65 = arith.constant 0 : i32
      %dma_wait3A_66 = tpu.memref_slice %arg2[%dma_wait3A_64, %dma_wait3A_65] : memref<10000x256xbf16, #tpu.memory_space<hbm>> -> memref<10000x256xbf16, #tpu.memory_space<hbm>>
      tpu.wait_indirect_dma semaphore(%arg7 : memref<!tpu.dma_semaphore, #tpu.memory_space<semaphore_mem>>) src(%dma_wait3A_66 : memref<10000x256xbf16, #tpu.memory_space<hbm>>) dst(%dma_wait3A_61 : memref<80x256xbf16, #tpu.memory_space<vmem>>)
      %add3A_67 = arith.constant 0 : i32
      %add3A_68 = arith.addi %mul3A_30, %add3A_67 : i32
      %mul3A_69 = arith.constant 80 : i32
      %mul3A_70 = arith.muli %add3A_68, %mul3A_69 : i32
      %add3A_71 = arith.addi %mul3A_2, %mul3A_70 : i32
      %run_scoped3A_72 = arith.constant 0 : i32
      "tpu.region"() ({
        %run_scoped3A_89 = tpu.sem_alloc : memref<!tpu.dma_semaphore, #tpu.memory_space<semaphore_mem>>
        %dma_start3A_90 = arith.constant 0 : i32
        %dma_start3A_91 = arith.constant 0 : i32
        %dma_start3A_92 = tpu.memref_slice %arg6[%run_scoped3A_72, %dma_start3A_90, %dma_start3A_91] : memref<2x80x256xbf16, #tpu.memory_space<vmem>> -> memref<1x80x256xbf16, #tpu.memory_space<vmem>>
        %dma_start3A_93 = tpu.memref_squeeze %dma_start3A_92 : memref<1x80x256xbf16, #tpu.memory_space<vmem>> -> memref<80x256xbf16, #tpu.memory_space<vmem>>
        %dma_start3A_94 = arith.constant 0 : i32
        %dma_start3A_95 = tpu.memref_slice %arg4[%add3A_71, %dma_start3A_94] : memref<320000x256xbf16, #tpu.memory_space<hbm>> -> memref<80x256xbf16, #tpu.memory_space<hbm>>
        %dma_start3A_96 = arith.constant 0 : i32
        %dma_start3A_97 = tpu.memref_slice %arg4[%add3A_71, %dma_start3A_96] : memref<320000x256xbf16, #tpu.memory_space<hbm>> -> memref<80x256xbf16, #tpu.memory_space<hbm>>
        %dma_start3A_98 = arith.constant 0 : i32
        %dma_start3A_99 = arith.constant 0 : i32
        %dma_start3A_100 = tpu.memref_slice %arg6[%run_scoped3A_72, %dma_start3A_98, %dma_start3A_99] : memref<2x80x256xbf16, #tpu.memory_space<vmem>> -> memref<1x80x256xbf16, #tpu.memory_space<vmem>>
        %dma_start3A_101 = tpu.memref_squeeze %dma_start3A_100 : memref<1x80x256xbf16, #tpu.memory_space<vmem>> -> memref<80x256xbf16, #tpu.memory_space<vmem>>
        tpu.enqueue_dma source(%dma_start3A_101 : memref<80x256xbf16, #tpu.memory_space<vmem>>) target(%dma_start3A_97 : memref<80x256xbf16, #tpu.memory_space<hbm>>) target_semaphore(%run_scoped3A_89 : memref<!tpu.dma_semaphore, #tpu.memory_space<semaphore_mem>>)
        %dma_wait3A_102 = arith.constant 0 : i32
        %dma_wait3A_103 = arith.constant 0 : i32
        %dma_wait3A_104 = tpu.memref_slice %arg6[%run_scoped3A_72, %dma_wait3A_102, %dma_wait3A_103] : memref<2x80x256xbf16, #tpu.memory_space<vmem>> -> memref<1x80x256xbf16, #tpu.memory_space<vmem>>
        %dma_wait3A_105 = tpu.memref_squeeze %dma_wait3A_104 : memref<1x80x256xbf16, #tpu.memory_space<vmem>> -> memref<80x256xbf16, #tpu.memory_space<vmem>>
        %dma_wait3A_106 = arith.constant 0 : i32
        %dma_wait3A_107 = tpu.memref_slice %arg4[%add3A_71, %dma_wait3A_106] : memref<320000x256xbf16, #tpu.memory_space<hbm>> -> memref<80x256xbf16, #tpu.memory_space<hbm>>
        %dma_wait3A_108 = arith.constant 0 : i32
        %dma_wait3A_109 = tpu.memref_slice %arg4[%add3A_71, %dma_wait3A_108] : memref<320000x256xbf16, #tpu.memory_space<hbm>> -> memref<80x256xbf16, #tpu.memory_space<hbm>>
        %dma_wait3A_110 = arith.constant 0 : i32
        %dma_wait3A_111 = arith.constant 0 : i32
        %dma_wait3A_112 = tpu.memref_slice %arg6[%run_scoped3A_72, %dma_wait3A_110, %dma_wait3A_111] : memref<2x80x256xbf16, #tpu.memory_space<vmem>> -> memref<1x80x256xbf16, #tpu.memory_space<vmem>>
        %dma_wait3A_113 = tpu.memref_squeeze %dma_wait3A_112 : memref<1x80x256xbf16, #tpu.memory_space<vmem>> -> memref<80x256xbf16, #tpu.memory_space<vmem>>
        tpu.wait_dma2 semaphore(%run_scoped3A_89 : memref<!tpu.dma_semaphore, #tpu.memory_space<semaphore_mem>>) src(%dma_wait3A_113 : memref<80x256xbf16, #tpu.memory_space<vmem>>) dst(%dma_wait3A_109 : memref<80x256xbf16, #tpu.memory_space<hbm>>)
        tpu.yield
      }) : () -> ()
      %dma_wait3A_73 = arith.constant 1 : i32
      %dma_wait3A_74 = arith.constant 0 : i32
      %dma_wait3A_75 = arith.constant 0 : i32
      %dma_wait3A_76 = tpu.memref_slice %arg6[%dma_wait3A_73, %dma_wait3A_74, %dma_wait3A_75] : memref<2x80x256xbf16, #tpu.memory_space<vmem>> -> memref<1x80x256xbf16, #tpu.memory_space<vmem>>
      %dma_wait3A_77 = tpu.memref_squeeze %dma_wait3A_76 : memref<1x80x256xbf16, #tpu.memory_space<vmem>> -> memref<80x256xbf16, #tpu.memory_space<vmem>>
      %dma_wait3A_78 = arith.constant 0 : i32
      %dma_wait3A_79 = tpu.memref_slice %arg5[%dma_wait3A_78] : memref<10000xi32, #tpu.memory_space<vmem>> -> memref<80xi32, #tpu.memory_space<vmem>>
      %dma_wait3A_80 = arith.constant 0 : i32
      %dma_wait3A_81 = arith.constant 0 : i32
      %dma_wait3A_82 = tpu.memref_slice %arg2[%dma_wait3A_80, %dma_wait3A_81] : memref<10000x256xbf16, #tpu.memory_space<hbm>> -> memref<10000x256xbf16, #tpu.memory_space<hbm>>
      tpu.wait_indirect_dma semaphore(%arg8 : memref<!tpu.dma_semaphore, #tpu.memory_space<semaphore_mem>>) src(%dma_wait3A_82 : memref<10000x256xbf16, #tpu.memory_space<hbm>>) dst(%dma_wait3A_77 : memref<80x256xbf16, #tpu.memory_space<vmem>>)
      %add3A_83 = arith.constant 1 : i32
      %add3A_84 = arith.addi %mul3A_30, %add3A_83 : i32
      %mul3A_85 = arith.constant 80 : i32
      %mul3A_86 = arith.muli %add3A_84, %mul3A_85 : i32
      %add3A_87 = arith.addi %mul3A_2, %mul3A_86 : i32
      %run_scoped3A_88 = arith.constant 1 : i32
      "tpu.region"() ({
        %run_scoped3A_89 = tpu.sem_alloc : memref<!tpu.dma_semaphore, #tpu.memory_space<semaphore_mem>>
        %dma_start3A_90 = arith.constant 0 : i32
        %dma_start3A_91 = arith.constant 0 : i32
        %dma_start3A_92 = tpu.memref_slice %arg6[%run_scoped3A_88, %dma_start3A_90, %dma_start3A_91] : memref<2x80x256xbf16, #tpu.memory_space<vmem>> -> memref<1x80x256xbf16, #tpu.memory_space<vmem>>
        %dma_start3A_93 = tpu.memref_squeeze %dma_start3A_92 : memref<1x80x256xbf16, #tpu.memory_space<vmem>> -> memref<80x256xbf16, #tpu.memory_space<vmem>>
        %dma_start3A_94 = arith.constant 0 : i32
        %dma_start3A_95 = tpu.memref_slice %arg4[%add3A_87, %dma_start3A_94] : memref<320000x256xbf16, #tpu.memory_space<hbm>> -> memref<80x256xbf16, #tpu.memory_space<hbm>>
        %dma_start3A_96 = arith.constant 0 : i32
        %dma_start3A_97 = tpu.memref_slice %arg4[%add3A_87, %dma_start3A_96] : memref<320000x256xbf16, #tpu.memory_space<hbm>> -> memref<80x256xbf16, #tpu.memory_space<hbm>>
        %dma_start3A_98 = arith.constant 0 : i32
        %dma_start3A_99 = arith.constant 0 : i32
        %dma_start3A_100 = tpu.memref_slice %arg6[%run_scoped3A_88, %dma_start3A_98, %dma_start3A_99] : memref<2x80x256xbf16, #tpu.memory_space<vmem>> -> memref<1x80x256xbf16, #tpu.memory_space<vmem>>
        %dma_start3A_101 = tpu.memref_squeeze %dma_start3A_100 : memref<1x80x256xbf16, #tpu.memory_space<vmem>> -> memref<80x256xbf16, #tpu.memory_space<vmem>>
        tpu.enqueue_dma source(%dma_start3A_101 : memref<80x256xbf16, #tpu.memory_space<vmem>>) target(%dma_start3A_97 : memref<80x256xbf16, #tpu.memory_space<hbm>>) target_semaphore(%run_scoped3A_89 : memref<!tpu.dma_semaphore, #tpu.memory_space<semaphore_mem>>)
        %dma_wait3A_102 = arith.constant 0 : i32
        %dma_wait3A_103 = arith.constant 0 : i32
        %dma_wait3A_104 = tpu.memref_slice %arg6[%run_scoped3A_88, %dma_wait3A_102, %dma_wait3A_103] : memref<2x80x256xbf16, #tpu.memory_space<vmem>> -> memref<1x80x256xbf16, #tpu.memory_space<vmem>>
        %dma_wait3A_105 = tpu.memref_squeeze %dma_wait3A_104 : memref<1x80x256xbf16, #tpu.memory_space<vmem>> -> memref<80x256xbf16, #tpu.memory_space<vmem>>
        %dma_wait3A_106 = arith.constant 0 : i32
        %dma_wait3A_107 = tpu.memref_slice %arg4[%add3A_87, %dma_wait3A_106] : memref<320000x256xbf16, #tpu.memory_space<hbm>> -> memref<80x256xbf16, #tpu.memory_space<hbm>>
        %dma_wait3A_108 = arith.constant 0 : i32
        %dma_wait3A_109 = tpu.memref_slice %arg4[%add3A_87, %dma_wait3A_108] : memref<320000x256xbf16, #tpu.memory_space<hbm>> -> memref<80x256xbf16, #tpu.memory_space<hbm>>
        %dma_wait3A_110 = arith.constant 0 : i32
        %dma_wait3A_111 = arith.constant 0 : i32
        %dma_wait3A_112 = tpu.memref_slice %arg6[%run_scoped3A_88, %dma_wait3A_110, %dma_wait3A_111] : memref<2x80x256xbf16, #tpu.memory_space<vmem>> -> memref<1x80x256xbf16, #tpu.memory_space<vmem>>
        %dma_wait3A_113 = tpu.memref_squeeze %dma_wait3A_112 : memref<1x80x256xbf16, #tpu.memory_space<vmem>> -> memref<80x256xbf16, #tpu.memory_space<vmem>>
        tpu.wait_dma2 semaphore(%run_scoped3A_89 : memref<!tpu.dma_semaphore, #tpu.memory_space<semaphore_mem>>) src(%dma_wait3A_113 : memref<80x256xbf16, #tpu.memory_space<vmem>>) dst(%dma_wait3A_109 : memref<80x256xbf16, #tpu.memory_space<hbm>>)
        tpu.yield
      }) : () -> ()
    }
    %scan3A_7 = arith.constant 62 : i32
    %dma_start3A = arith.constant 0 : i32
    %dma_start3A_8 = arith.constant 0 : i32
    %dma_start3A_9 = arith.constant 0 : i32
    %dma_start3A_10 = tpu.memref_slice %arg6[%dma_start3A, %dma_start3A_8, %dma_start3A_9] : memref<2x80x256xbf16, #tpu.memory_space<vmem>> -> memref<1x80x256xbf16, #tpu.memory_space<vmem>>
    %dma_start3A_11 = tpu.memref_squeeze %dma_start3A_10 : memref<1x80x256xbf16, #tpu.memory_space<vmem>> -> memref<80x256xbf16, #tpu.memory_space<vmem>>
    %dma_start3A_12 = arith.constant 9920 : i32
    %dma_start3A_13 = tpu.memref_slice %arg5[%dma_start3A_12] : memref<10000xi32, #tpu.memory_space<vmem>> -> memref<80xi32, #tpu.memory_space<vmem>>
    %dma_start3A_14 = arith.constant 0 : i32
    %dma_start3A_15 = arith.constant 0 : i32
    %dma_start3A_16 = tpu.memref_slice %arg2[%dma_start3A_14, %dma_start3A_15] : memref<10000x256xbf16, #tpu.memory_space<hbm>> -> memref<10000x256xbf16, #tpu.memory_space<hbm>>
    tpu.enqueue_indirect_dma source(%dma_start3A_16 : memref<10000x256xbf16, #tpu.memory_space<hbm>>) target(%dma_start3A_11 : memref<80x256xbf16, #tpu.memory_space<vmem>>) offsets(%dma_start3A_13 : memref<80xi32, #tpu.memory_space<vmem>>) semaphore(%arg7 : memref<!tpu.dma_semaphore, #tpu.memory_space<semaphore_mem>>)
    %dma_wait3A = arith.constant 0 : i32
    %dma_wait3A_17 = arith.constant 0 : i32
    %dma_wait3A_18 = arith.constant 0 : i32
    %dma_wait3A_19 = tpu.memref_slice %arg6[%dma_wait3A, %dma_wait3A_17, %dma_wait3A_18] : memref<2x80x256xbf16, #tpu.memory_space<vmem>> -> memref<1x80x256xbf16, #tpu.memory_space<vmem>>
    %dma_wait3A_20 = tpu.memref_squeeze %dma_wait3A_19 : memref<1x80x256xbf16, #tpu.memory_space<vmem>> -> memref<80x256xbf16, #tpu.memory_space<vmem>>
    %dma_wait3A_21 = arith.constant 0 : i32
    %dma_wait3A_22 = tpu.memref_slice %arg5[%dma_wait3A_21] : memref<10000xi32, #tpu.memory_space<vmem>> -> memref<80xi32, #tpu.memory_space<vmem>>
    %dma_wait3A_23 = arith.constant 0 : i32
    %dma_wait3A_24 = arith.constant 0 : i32
    %dma_wait3A_25 = tpu.memref_slice %arg2[%dma_wait3A_23, %dma_wait3A_24] : memref<10000x256xbf16, #tpu.memory_space<hbm>> -> memref<10000x256xbf16, #tpu.memory_space<hbm>>
    tpu.wait_indirect_dma semaphore(%arg7 : memref<!tpu.dma_semaphore, #tpu.memory_space<semaphore_mem>>) src(%dma_wait3A_25 : memref<10000x256xbf16, #tpu.memory_space<hbm>>) dst(%dma_wait3A_20 : memref<80x256xbf16, #tpu.memory_space<vmem>>)
    %add3A_26 = arith.constant 9920 : i32
    %add3A_27 = arith.addi %mul3A_2, %add3A_26 : i32
    %run_scoped3A = arith.constant 0 : i32
    "tpu.region"() ({
      %run_scoped3A_28 = tpu.sem_alloc : memref<!tpu.dma_semaphore, #tpu.memory_space<semaphore_mem>>
      %dma_start3A_29 = arith.constant 0 : i32
      %dma_start3A_30 = arith.constant 0 : i32
      %dma_start3A_31 = tpu.memref_slice %arg6[%run_scoped3A, %dma_start3A_29, %dma_start3A_30] : memref<2x80x256xbf16, #tpu.memory_space<vmem>> -> memref<1x80x256xbf16, #tpu.memory_space<vmem>>
      %dma_start3A_32 = tpu.memref_squeeze %dma_start3A_31 : memref<1x80x256xbf16, #tpu.memory_space<vmem>> -> memref<80x256xbf16, #tpu.memory_space<vmem>>
      %dma_start3A_33 = arith.constant 0 : i32
      %dma_start3A_34 = tpu.memref_slice %arg4[%add3A_27, %dma_start3A_33] : memref<320000x256xbf16, #tpu.memory_space<hbm>> -> memref<80x256xbf16, #tpu.memory_space<hbm>>
      %dma_start3A_35 = arith.constant 0 : i32
      %dma_start3A_36 = tpu.memref_slice %arg4[%add3A_27, %dma_start3A_35] : memref<320000x256xbf16, #tpu.memory_space<hbm>> -> memref<80x256xbf16, #tpu.memory_space<hbm>>
      %dma_start3A_37 = arith.constant 0 : i32
      %dma_start3A_38 = arith.constant 0 : i32
      %dma_start3A_39 = tpu.memref_slice %arg6[%run_scoped3A, %dma_start3A_37, %dma_start3A_38] : memref<2x80x256xbf16, #tpu.memory_space<vmem>> -> memref<1x80x256xbf16, #tpu.memory_space<vmem>>
      %dma_start3A_40 = tpu.memref_squeeze %dma_start3A_39 : memref<1x80x256xbf16, #tpu.memory_space<vmem>> -> memref<80x256xbf16, #tpu.memory_space<vmem>>
      tpu.enqueue_dma source(%dma_start3A_40 : memref<80x256xbf16, #tpu.memory_space<vmem>>) target(%dma_start3A_36 : memref<80x256xbf16, #tpu.memory_space<hbm>>) target_semaphore(%run_scoped3A_28 : memref<!tpu.dma_semaphore, #tpu.memory_space<semaphore_mem>>)
      %dma_wait3A_41 = arith.constant 0 : i32
      %dma_wait3A_42 = arith.constant 0 : i32
      %dma_wait3A_43 = tpu.memref_slice %arg6[%run_scoped3A, %dma_wait3A_41, %dma_wait3A_42] : memref<2x80x256xbf16, #tpu.memory_space<vmem>> -> memref<1x80x256xbf16, #tpu.memory_space<vmem>>
      %dma_wait3A_44 = tpu.memref_squeeze %dma_wait3A_43 : memref<1x80x256xbf16, #tpu.memory_space<vmem>> -> memref<80x256xbf16, #tpu.memory_space<vmem>>
      %dma_wait3A_45 = arith.constant 0 : i32
      %dma_wait3A_46 = tpu.memref_slice %arg4[%add3A_27, %dma_wait3A_45] : memref<320000x256xbf16, #tpu.memory_space<hbm>> -> memref<80x256xbf16, #tpu.memory_space<hbm>>
      %dma_wait3A_47 = arith.constant 0 : i32
      %dma_wait3A_48 = tpu.memref_slice %arg4[%add3A_27, %dma_wait3A_47] : memref<320000x256xbf16, #tpu.memory_space<hbm>> -> memref<80x256xbf16, #tpu.memory_space<hbm>>
      %dma_wait3A_49 = arith.constant 0 : i32
      %dma_wait3A_50 = arith.constant 0 : i32
      %dma_wait3A_51 = tpu.memref_slice %arg6[%run_scoped3A, %dma_wait3A_49, %dma_wait3A_50] : memref<2x80x256xbf16, #tpu.memory_space<vmem>> -> memref<1x80x256xbf16, #tpu.memory_space<vmem>>
      %dma_wait3A_52 = tpu.memref_squeeze %dma_wait3A_51 : memref<1x80x256xbf16, #tpu.memory_space<vmem>> -> memref<80x256xbf16, #tpu.memory_space<vmem>>
      tpu.wait_dma2 semaphore(%run_scoped3A_28 : memref<!tpu.dma_semaphore, #tpu.memory_space<semaphore_mem>>) src(%dma_wait3A_52 : memref<80x256xbf16, #tpu.memory_space<vmem>>) dst(%dma_wait3A_48 : memref<80x256xbf16, #tpu.memory_space<hbm>>)
      tpu.yield
    }) : () -> ()
    return
  }
}

#map = affine_map<(d0, d1) -> (0, 0)>
#map1 = affine_map<(d0, d1) -> (0)>
module attributes {stable_mosaic.version = 14 : i64} {
  func.func @gather_k(%arg0: i32, %arg1: i32, %arg2: memref<10000x256xbf16, #tpu.memory_space<hbm>>, %arg3: memref<320000xi32, #tpu.memory_space<hbm>>, %arg4: memref<320000x256xbf16, #tpu.memory_space<hbm>>, %arg5: memref<10000xi32, #tpu.memory_space<vmem>>, %arg6: memref<2x80x256xbf16, #tpu.memory_space<vmem>>, %arg7: memref<!tpu.dma_semaphore, #tpu.memory_space<semaphore_mem>>, %arg8: memref<!tpu.dma_semaphore, #tpu.memory_space<semaphore_mem>>) attributes {dimension_semantics = [#tpu.dimension_semantics<core_parallel>, #tpu.dimension_semantics<subcore_parallel>], iteration_bounds = array<i64: 2, 16>, scalar_prefetch = 0 : i64, scratch_operands = 4 : i64, tpu.core_type = #tpu.core_type<sc_vector_subcore>, window_params = [{transform_indices = #map}, {transform_indices = #map1}, {transform_indices = #map}]} {
    %mul3A = arith.constant 2 : i32
    %mul3A_0 = arith.muli %arg1, %mul3A : i32
    %add3A = arith.addi %mul3A_0, %arg0 : i32
    %mul3A_1 = arith.constant 10000 : i32
    %mul3A_2 = arith.muli %add3A, %mul3A_1 : i32
    "tpu.region"() ({
      %run_scoped3A_28 = tpu.sem_alloc : memref<!tpu.dma_semaphore, #tpu.memory_space<semaphore_mem>>
      %dma_start3A_29 = tpu.memref_slice %arg3[%mul3A_2] : memref<320000xi32, #tpu.memory_space<hbm>> -> memref<10000xi32, #tpu.memory_space<hbm>>
      %dma_start3A_30 = tpu.memref_slice %arg3[%mul3A_2] : memref<320000xi32, #tpu.memory_space<hbm>> -> memref<10000xi32, #tpu.memory_space<hbm>>
      tpu.enqueue_dma source(%dma_start3A_30 : memref<10000xi32, #tpu.memory_space<hbm>>) target(%arg5 : memref<10000xi32, #tpu.memory_space<vmem>>) target_semaphore(%run_scoped3A_28 : memref<!tpu.dma_semaphore, #tpu.memory_space<semaphore_mem>>)
      %dma_wait3A_31 = tpu.memref_slice %arg3[%mul3A_2] : memref<320000xi32, #tpu.memory_space<hbm>> -> memref<10000xi32, #tpu.memory_space<hbm>>
      %dma_wait3A_32 = tpu.memref_slice %arg3[%mul3A_2] : memref<320000xi32, #tpu.memory_space<hbm>> -> memref<10000xi32, #tpu.memory_space<hbm>>
      tpu.wait_dma2 semaphore(%run_scoped3A_28 : memref<!tpu.dma_semaphore, #tpu.memory_space<semaphore_mem>>) src(%dma_wait3A_32 : memref<10000xi32, #tpu.memory_space<hbm>>) dst(%arg5 : memref<10000xi32, #tpu.memory_space<vmem>>)
      tpu.yield
    }) : () -> ()
    %scan3A = arith.constant 0 : i32
    %scan3A_3 = arith.constant 0 : i32
    %scan3A_4 = arith.constant 62 : i32
    %scan3A_5 = arith.addi %scan3A_3, %scan3A_4 : i32
    %scan3A_6 = arith.constant 1 : i32
    scf.for %scan3A_28 = %scan3A_3 to %scan3A_5 step %scan3A_6  : i32 {
      %mul3A_29 = arith.constant 2 : i32
      %mul3A_30 = arith.muli %mul3A_29, %scan3A_28 : i32
      %add3A_31 = arith.constant 0 : i32
      %add3A_32 = arith.addi %mul3A_30, %add3A_31 : i32
      %mul3A_33 = arith.constant 80 : i32
      %mul3A_34 = arith.muli %add3A_32, %mul3A_33 : i32
      %dma_start3A_35 = arith.constant 0 : i32
      %dma_start3A_36 = arith.constant 0 : i32
      %dma_start3A_37 = arith.constant 0 : i32
      %dma_start3A_38 = tpu.memref_slice %arg6[%dma_start3A_35, %dma_start3A_36, %dma_start3A_37] : memref<2x80x256xbf16, #tpu.memory_space<vmem>> -> memref<1x80x256xbf16, #tpu.memory_space<vmem>>
      %dma_start3A_39 = tpu.memref_squeeze %dma_start3A_38 : memref<1x80x256xbf16, #tpu.memory_space<vmem>> -> memref<80x256xbf16, #tpu.memory_space<vmem>>
      %dma_start3A_40 = tpu.memref_slice %arg5[%mul3A_34] : memref<10000xi32, #tpu.memory_space<vmem>> -> memref<80xi32, #tpu.memory_space<vmem>>
      %dma_start3A_41 = arith.constant 0 : i32
      %dma_start3A_42 = arith.constant 0 : i32
      %dma_start3A_43 = tpu.memref_slice %arg2[%dma_start3A_41, %dma_start3A_42] : memref<10000x256xbf16, #tpu.memory_space<hbm>> -> memref<10000x256xbf16, #tpu.memory_space<hbm>>
      tpu.enqueue_indirect_dma source(%dma_start3A_43 : memref<10000x256xbf16, #tpu.memory_space<hbm>>) target(%dma_start3A_39 : memref<80x256xbf16, #tpu.memory_space<vmem>>) offsets(%dma_start3A_40 : memref<80xi32, #tpu.memory_space<vmem>>) semaphore(%arg7 : memref<!tpu.dma_semaphore, #tpu.memory_space<semaphore_mem>>)
      %add3A_44 = arith.constant 1 : i32
      %add3A_45 = arith.addi %mul3A_30, %add3A_44 : i32
      %mul3A_46 = arith.constant 80 : i32
      %mul3A_47 = arith.muli %add3A_45, %mul3A_46 : i32
      %dma_start3A_48 = arith.constant 1 : i32
      %dma_start3A_49 = arith.constant 0 : i32
      %dma_start3A_50 = arith.constant 0 : i32
      %dma_start3A_51 = tpu.memref_slice %arg6[%dma_start3A_48, %dma_start3A_49, %dma_start3A_50] : memref<2x80x256xbf16, #tpu.memory_space<vmem>> -> memref<1x80x256xbf16, #tpu.memory_space<vmem>>
      %dma_start3A_52 = tpu.memref_squeeze %dma_start3A_51 : memref<1x80x256xbf16, #tpu.memory_space<vmem>> -> memref<80x256xbf16, #tpu.memory_space<vmem>>
      %dma_start3A_53 = tpu.memref_slice %arg5[%mul3A_47] : memref<10000xi32, #tpu.memory_space<vmem>> -> memref<80xi32, #tpu.memory_space<vmem>>
      %dma_start3A_54 = arith.constant 0 : i32
      %dma_start3A_55 = arith.constant 0 : i32
      %dma_start3A_56 = tpu.memref_slice %arg2[%dma_start3A_54, %dma_start3A_55] : memref<10000x256xbf16, #tpu.memory_space<hbm>> -> memref<10000x256xbf16, #tpu.memory_space<hbm>>
      tpu.enqueue_indirect_dma source(%dma_start3A_56 : memref<10000x256xbf16, #tpu.memory_space<hbm>>) target(%dma_start3A_52 : memref<80x256xbf16, #tpu.memory_space<vmem>>) offsets(%dma_start3A_53 : memref<80xi32, #tpu.memory_space<vmem>>) semaphore(%arg8 : memref<!tpu.dma_semaphore, #tpu.memory_space<semaphore_mem>>)
      %dma_wait3A_57 = arith.constant 0 : i32
      %dma_wait3A_58 = arith.constant 0 : i32
      %dma_wait3A_59 = arith.constant 0 : i32
      %dma_wait3A_60 = tpu.memref_slice %arg6[%dma_wait3A_57, %dma_wait3A_58, %dma_wait3A_59] : memref<2x80x256xbf16, #tpu.memory_space<vmem>> -> memref<1x80x256xbf16, #tpu.memory_space<vmem>>
      %dma_wait3A_61 = tpu.memref_squeeze %dma_wait3A_60 : memref<1x80x256xbf16, #tpu.memory_space<vmem>> -> memref<80x256xbf16, #tpu.memory_space<vmem>>
      %dma_wait3A_62 = arith.constant 0 : i32
      %dma_wait3A_63 = tpu.memref_slice %arg5[%dma_wait3A_62] : memref<10000xi32, #tpu.memory_space<vmem>> -> memref<80xi32, #tpu.memory_space<vmem>>
      %dma_wait3A_64 = arith.constant 0 : i32
      %dma_wait3A_65 = arith.constant 0 : i32
      %dma_wait3A_66 = tpu.memref_slice %arg2[%dma_wait3A_64, %dma_wait3A_65] : memref<10000x256xbf16, #tpu.memory_space<hbm>> -> memref<10000x256xbf16, #tpu.memory_space<hbm>>
      tpu.wait_indirect_dma semaphore(%arg7 : memref<!tpu.dma_semaphore, #tpu.memory_space<semaphore_mem>>) src(%dma_wait3A_66 : memref<10000x256xbf16, #tpu.memory_space<hbm>>) dst(%dma_wait3A_61 : memref<80x256xbf16, #tpu.memory_space<vmem>>)
      %add3A_67 = arith.constant 0 : i32
      %add3A_68 = arith.addi %mul3A_30, %add3A_67 : i32
      %mul3A_69 = arith.constant 80 : i32
      %mul3A_70 = arith.muli %add3A_68, %mul3A_69 : i32
      %add3A_71 = arith.addi %mul3A_2, %mul3A_70 : i32
      %run_scoped3A_72 = arith.constant 0 : i32
      "tpu.region"() ({
        %run_scoped3A_89 = tpu.sem_alloc : memref<!tpu.dma_semaphore, #tpu.memory_space<semaphore_mem>>
        %dma_start3A_90 = arith.constant 0 : i32
        %dma_start3A_91 = arith.constant 0 : i32
        %dma_start3A_92 = tpu.memref_slice %arg6[%run_scoped3A_72, %dma_start3A_90, %dma_start3A_91] : memref<2x80x256xbf16, #tpu.memory_space<vmem>> -> memref<1x80x256xbf16, #tpu.memory_space<vmem>>
        %dma_start3A_93 = tpu.memref_squeeze %dma_start3A_92 : memref<1x80x256xbf16, #tpu.memory_space<vmem>> -> memref<80x256xbf16, #tpu.memory_space<vmem>>
        %dma_start3A_94 = arith.constant 0 : i32
        %dma_start3A_95 = tpu.memref_slice %arg4[%add3A_71, %dma_start3A_94] : memref<320000x256xbf16, #tpu.memory_space<hbm>> -> memref<80x256xbf16, #tpu.memory_space<hbm>>
        %dma_start3A_96 = arith.constant 0 : i32
        %dma_start3A_97 = tpu.memref_slice %arg4[%add3A_71, %dma_start3A_96] : memref<320000x256xbf16, #tpu.memory_space<hbm>> -> memref<80x256xbf16, #tpu.memory_space<hbm>>
        %dma_start3A_98 = arith.constant 0 : i32
        %dma_start3A_99 = arith.constant 0 : i32
        %dma_start3A_100 = tpu.memref_slice %arg6[%run_scoped3A_72, %dma_start3A_98, %dma_start3A_99] : memref<2x80x256xbf16, #tpu.memory_space<vmem>> -> memref<1x80x256xbf16, #tpu.memory_space<vmem>>
        %dma_start3A_101 = tpu.memref_squeeze %dma_start3A_100 : memref<1x80x256xbf16, #tpu.memory_space<vmem>> -> memref<80x256xbf16, #tpu.memory_space<vmem>>
        tpu.enqueue_dma source(%dma_start3A_101 : memref<80x256xbf16, #tpu.memory_space<vmem>>) target(%dma_start3A_97 : memref<80x256xbf16, #tpu.memory_space<hbm>>) target_semaphore(%run_scoped3A_89 : memref<!tpu.dma_semaphore, #tpu.memory_space<semaphore_mem>>)
        %dma_wait3A_102 = arith.constant 0 : i32
        %dma_wait3A_103 = arith.constant 0 : i32
        %dma_wait3A_104 = tpu.memref_slice %arg6[%run_scoped3A_72, %dma_wait3A_102, %dma_wait3A_103] : memref<2x80x256xbf16, #tpu.memory_space<vmem>> -> memref<1x80x256xbf16, #tpu.memory_space<vmem>>
        %dma_wait3A_105 = tpu.memref_squeeze %dma_wait3A_104 : memref<1x80x256xbf16, #tpu.memory_space<vmem>> -> memref<80x256xbf16, #tpu.memory_space<vmem>>
        %dma_wait3A_106 = arith.constant 0 : i32
        %dma_wait3A_107 = tpu.memref_slice %arg4[%add3A_71, %dma_wait3A_106] : memref<320000x256xbf16, #tpu.memory_space<hbm>> -> memref<80x256xbf16, #tpu.memory_space<hbm>>
        %dma_wait3A_108 = arith.constant 0 : i32
        %dma_wait3A_109 = tpu.memref_slice %arg4[%add3A_71, %dma_wait3A_108] : memref<320000x256xbf16, #tpu.memory_space<hbm>> -> memref<80x256xbf16, #tpu.memory_space<hbm>>
        %dma_wait3A_110 = arith.constant 0 : i32
        %dma_wait3A_111 = arith.constant 0 : i32
        %dma_wait3A_112 = tpu.memref_slice %arg6[%run_scoped3A_72, %dma_wait3A_110, %dma_wait3A_111] : memref<2x80x256xbf16, #tpu.memory_space<vmem>> -> memref<1x80x256xbf16, #tpu.memory_space<vmem>>
        %dma_wait3A_113 = tpu.memref_squeeze %dma_wait3A_112 : memref<1x80x256xbf16, #tpu.memory_space<vmem>> -> memref<80x256xbf16, #tpu.memory_space<vmem>>
        tpu.wait_dma2 semaphore(%run_scoped3A_89 : memref<!tpu.dma_semaphore, #tpu.memory_space<semaphore_mem>>) src(%dma_wait3A_113 : memref<80x256xbf16, #tpu.memory_space<vmem>>) dst(%dma_wait3A_109 : memref<80x256xbf16, #tpu.memory_space<hbm>>)
        tpu.yield
      }) : () -> ()
      %dma_wait3A_73 = arith.constant 1 : i32
      %dma_wait3A_74 = arith.constant 0 : i32
      %dma_wait3A_75 = arith.constant 0 : i32
      %dma_wait3A_76 = tpu.memref_slice %arg6[%dma_wait3A_73, %dma_wait3A_74, %dma_wait3A_75] : memref<2x80x256xbf16, #tpu.memory_space<vmem>> -> memref<1x80x256xbf16, #tpu.memory_space<vmem>>
      %dma_wait3A_77 = tpu.memref_squeeze %dma_wait3A_76 : memref<1x80x256xbf16, #tpu.memory_space<vmem>> -> memref<80x256xbf16, #tpu.memory_space<vmem>>
      %dma_wait3A_78 = arith.constant 0 : i32
      %dma_wait3A_79 = tpu.memref_slice %arg5[%dma_wait3A_78] : memref<10000xi32, #tpu.memory_space<vmem>> -> memref<80xi32, #tpu.memory_space<vmem>>
      %dma_wait3A_80 = arith.constant 0 : i32
      %dma_wait3A_81 = arith.constant 0 : i32
      %dma_wait3A_82 = tpu.memref_slice %arg2[%dma_wait3A_80, %dma_wait3A_81] : memref<10000x256xbf16, #tpu.memory_space<hbm>> -> memref<10000x256xbf16, #tpu.memory_space<hbm>>
      tpu.wait_indirect_dma semaphore(%arg8 : memref<!tpu.dma_semaphore, #tpu.memory_space<semaphore_mem>>) src(%dma_wait3A_82 : memref<10000x256xbf16, #tpu.memory_space<hbm>>) dst(%dma_wait3A_77 : memref<80x256xbf16, #tpu.memory_space<vmem>>)
      %add3A_83 = arith.constant 1 : i32
      %add3A_84 = arith.addi %mul3A_30, %add3A_83 : i32
      %mul3A_85 = arith.constant 80 : i32
      %mul3A_86 = arith.muli %add3A_84, %mul3A_85 : i32
      %add3A_87 = arith.addi %mul3A_2, %mul3A_86 : i32
      %run_scoped3A_88 = arith.constant 1 : i32
      "tpu.region"() ({
        %run_scoped3A_89 = tpu.sem_alloc : memref<!tpu.dma_semaphore, #tpu.memory_space<semaphore_mem>>
        %dma_start3A_90 = arith.constant 0 : i32
        %dma_start3A_91 = arith.constant 0 : i32
        %dma_start3A_92 = tpu.memref_slice %arg6[%run_scoped3A_88, %dma_start3A_90, %dma_start3A_91] : memref<2x80x256xbf16, #tpu.memory_space<vmem>> -> memref<1x80x256xbf16, #tpu.memory_space<vmem>>
        %dma_start3A_93 = tpu.memref_squeeze %dma_start3A_92 : memref<1x80x256xbf16, #tpu.memory_space<vmem>> -> memref<80x256xbf16, #tpu.memory_space<vmem>>
        %dma_start3A_94 = arith.constant 0 : i32
        %dma_start3A_95 = tpu.memref_slice %arg4[%add3A_87, %dma_start3A_94] : memref<320000x256xbf16, #tpu.memory_space<hbm>> -> memref<80x256xbf16, #tpu.memory_space<hbm>>
        %dma_start3A_96 = arith.constant 0 : i32
        %dma_start3A_97 = tpu.memref_slice %arg4[%add3A_87, %dma_start3A_96] : memref<320000x256xbf16, #tpu.memory_space<hbm>> -> memref<80x256xbf16, #tpu.memory_space<hbm>>
        %dma_start3A_98 = arith.constant 0 : i32
        %dma_start3A_99 = arith.constant 0 : i32
        %dma_start3A_100 = tpu.memref_slice %arg6[%run_scoped3A_88, %dma_start3A_98, %dma_start3A_99] : memref<2x80x256xbf16, #tpu.memory_space<vmem>> -> memref<1x80x256xbf16, #tpu.memory_space<vmem>>
        %dma_start3A_101 = tpu.memref_squeeze %dma_start3A_100 : memref<1x80x256xbf16, #tpu.memory_space<vmem>> -> memref<80x256xbf16, #tpu.memory_space<vmem>>
        tpu.enqueue_dma source(%dma_start3A_101 : memref<80x256xbf16, #tpu.memory_space<vmem>>) target(%dma_start3A_97 : memref<80x256xbf16, #tpu.memory_space<hbm>>) target_semaphore(%run_scoped3A_89 : memref<!tpu.dma_semaphore, #tpu.memory_space<semaphore_mem>>)
        %dma_wait3A_102 = arith.constant 0 : i32
        %dma_wait3A_103 = arith.constant 0 : i32
        %dma_wait3A_104 = tpu.memref_slice %arg6[%run_scoped3A_88, %dma_wait3A_102, %dma_wait3A_103] : memref<2x80x256xbf16, #tpu.memory_space<vmem>> -> memref<1x80x256xbf16, #tpu.memory_space<vmem>>
        %dma_wait3A_105 = tpu.memref_squeeze %dma_wait3A_104 : memref<1x80x256xbf16, #tpu.memory_space<vmem>> -> memref<80x256xbf16, #tpu.memory_space<vmem>>
        %dma_wait3A_106 = arith.constant 0 : i32
        %dma_wait3A_107 = tpu.memref_slice %arg4[%add3A_87, %dma_wait3A_106] : memref<320000x256xbf16, #tpu.memory_space<hbm>> -> memref<80x256xbf16, #tpu.memory_space<hbm>>
        %dma_wait3A_108 = arith.constant 0 : i32
        %dma_wait3A_109 = tpu.memref_slice %arg4[%add3A_87, %dma_wait3A_108] : memref<320000x256xbf16, #tpu.memory_space<hbm>> -> memref<80x256xbf16, #tpu.memory_space<hbm>>
        %dma_wait3A_110 = arith.constant 0 : i32
        %dma_wait3A_111 = arith.constant 0 : i32
        %dma_wait3A_112 = tpu.memref_slice %arg6[%run_scoped3A_88, %dma_wait3A_110, %dma_wait3A_111] : memref<2x80x256xbf16, #tpu.memory_space<vmem>> -> memref<1x80x256xbf16, #tpu.memory_space<vmem>>
        %dma_wait3A_113 = tpu.memref_squeeze %dma_wait3A_112 : memref<1x80x256xbf16, #tpu.memory_space<vmem>> -> memref<80x256xbf16, #tpu.memory_space<vmem>>
        tpu.wait_dma2 semaphore(%run_scoped3A_89 : memref<!tpu.dma_semaphore, #tpu.memory_space<semaphore_mem>>) src(%dma_wait3A_113 : memref<80x256xbf16, #tpu.memory_space<vmem>>) dst(%dma_wait3A_109 : memref<80x256xbf16, #tpu.memory_space<hbm>>)
        tpu.yield
      }) : () -> ()
    }
    %scan3A_7 = arith.constant 62 : i32
    %dma_start3A = arith.constant 0 : i32
    %dma_start3A_8 = arith.constant 0 : i32
    %dma_start3A_9 = arith.constant 0 : i32
    %dma_start3A_10 = tpu.memref_slice %arg6[%dma_start3A, %dma_start3A_8, %dma_start3A_9] : memref<2x80x256xbf16, #tpu.memory_space<vmem>> -> memref<1x80x256xbf16, #tpu.memory_space<vmem>>
    %dma_start3A_11 = tpu.memref_squeeze %dma_start3A_10 : memref<1x80x256xbf16, #tpu.memory_space<vmem>> -> memref<80x256xbf16, #tpu.memory_space<vmem>>
    %dma_start3A_12 = arith.constant 9920 : i32
    %dma_start3A_13 = tpu.memref_slice %arg5[%dma_start3A_12] : memref<10000xi32, #tpu.memory_space<vmem>> -> memref<80xi32, #tpu.memory_space<vmem>>
    %dma_start3A_14 = arith.constant 0 : i32
    %dma_start3A_15 = arith.constant 0 : i32
    %dma_start3A_16 = tpu.memref_slice %arg2[%dma_start3A_14, %dma_start3A_15] : memref<10000x256xbf16, #tpu.memory_space<hbm>> -> memref<10000x256xbf16, #tpu.memory_space<hbm>>
    tpu.enqueue_indirect_dma source(%dma_start3A_16 : memref<10000x256xbf16, #tpu.memory_space<hbm>>) target(%dma_start3A_11 : memref<80x256xbf16, #tpu.memory_space<vmem>>) offsets(%dma_start3A_13 : memref<80xi32, #tpu.memory_space<vmem>>) semaphore(%arg7 : memref<!tpu.dma_semaphore, #tpu.memory_space<semaphore_mem>>)
    %dma_wait3A = arith.constant 0 : i32
    %dma_wait3A_17 = arith.constant 0 : i32
    %dma_wait3A_18 = arith.constant 0 : i32
    %dma_wait3A_19 = tpu.memref_slice %arg6[%dma_wait3A, %dma_wait3A_17, %dma_wait3A_18] : memref<2x80x256xbf16, #tpu.memory_space<vmem>> -> memref<1x80x256xbf16, #tpu.memory_space<vmem>>
    %dma_wait3A_20 = tpu.memref_squeeze %dma_wait3A_19 : memref<1x80x256xbf16, #tpu.memory_space<vmem>> -> memref<80x256xbf16, #tpu.memory_space<vmem>>
    %dma_wait3A_21 = arith.constant 0 : i32
    %dma_wait3A_22 = tpu.memref_slice %arg5[%dma_wait3A_21] : memref<10000xi32, #tpu.memory_space<vmem>> -> memref<80xi32, #tpu.memory_space<vmem>>
    %dma_wait3A_23 = arith.constant 0 : i32
    %dma_wait3A_24 = arith.constant 0 : i32
    %dma_wait3A_25 = tpu.memref_slice %arg2[%dma_wait3A_23, %dma_wait3A_24] : memref<10000x256xbf16, #tpu.memory_space<hbm>> -> memref<10000x256xbf16, #tpu.memory_space<hbm>>
    tpu.wait_indirect_dma semaphore(%arg7 : memref<!tpu.dma_semaphore, #tpu.memory_space<semaphore_mem>>) src(%dma_wait3A_25 : memref<10000x256xbf16, #tpu.memory_space<hbm>>) dst(%dma_wait3A_20 : memref<80x256xbf16, #tpu.memory_space<vmem>>)
    %add3A_26 = arith.constant 9920 : i32
    %add3A_27 = arith.addi %mul3A_2, %add3A_26 : i32
    %run_scoped3A = arith.constant 0 : i32
    "tpu.region"() ({
      %run_scoped3A_28 = tpu.sem_alloc : memref<!tpu.dma_semaphore, #tpu.memory_space<semaphore_mem>>
      %dma_start3A_29 = arith.constant 0 : i32
      %dma_start3A_30 = arith.constant 0 : i32
      %dma_start3A_31 = tpu.memref_slice %arg6[%run_scoped3A, %dma_start3A_29, %dma_start3A_30] : memref<2x80x256xbf16, #tpu.memory_space<vmem>> -> memref<1x80x256xbf16, #tpu.memory_space<vmem>>
      %dma_start3A_32 = tpu.memref_squeeze %dma_start3A_31 : memref<1x80x256xbf16, #tpu.memory_space<vmem>> -> memref<80x256xbf16, #tpu.memory_space<vmem>>
      %dma_start3A_33 = arith.constant 0 : i32
      %dma_start3A_34 = tpu.memref_slice %arg4[%add3A_27, %dma_start3A_33] : memref<320000x256xbf16, #tpu.memory_space<hbm>> -> memref<80x256xbf16, #tpu.memory_space<hbm>>
      %dma_start3A_35 = arith.constant 0 : i32
      %dma_start3A_36 = tpu.memref_slice %arg4[%add3A_27, %dma_start3A_35] : memref<320000x256xbf16, #tpu.memory_space<hbm>> -> memref<80x256xbf16, #tpu.memory_space<hbm>>
      %dma_start3A_37 = arith.constant 0 : i32
      %dma_start3A_38 = arith.constant 0 : i32
      %dma_start3A_39 = tpu.memref_slice %arg6[%run_scoped3A, %dma_start3A_37, %dma_start3A_38] : memref<2x80x256xbf16, #tpu.memory_space<vmem>> -> memref<1x80x256xbf16, #tpu.memory_space<vmem>>
      %dma_start3A_40 = tpu.memref_squeeze %dma_start3A_39 : memref<1x80x256xbf16, #tpu.memory_space<vmem>> -> memref<80x256xbf16, #tpu.memory_space<vmem>>
      tpu.enqueue_dma source(%dma_start3A_40 : memref<80x256xbf16, #tpu.memory_space<vmem>>) target(%dma_start3A_36 : memref<80x256xbf16, #tpu.memory_space<hbm>>) target_semaphore(%run_scoped3A_28 : memref<!tpu.dma_semaphore, #tpu.memory_space<semaphore_mem>>)
      %dma_wait3A_41 = arith.constant 0 : i32
      %dma_wait3A_42 = arith.constant 0 : i32
      %dma_wait3A_43 = tpu.memref_slice %arg6[%run_scoped3A, %dma_wait3A_41, %dma_wait3A_42] : memref<2x80x256xbf16, #tpu.memory_space<vmem>> -> memref<1x80x256xbf16, #tpu.memory_space<vmem>>
      %dma_wait3A_44 = tpu.memref_squeeze %dma_wait3A_43 : memref<1x80x256xbf16, #tpu.memory_space<vmem>> -> memref<80x256xbf16, #tpu.memory_space<vmem>>
      %dma_wait3A_45 = arith.constant 0 : i32
      %dma_wait3A_46 = tpu.memref_slice %arg4[%add3A_27, %dma_wait3A_45] : memref<320000x256xbf16, #tpu.memory_space<hbm>> -> memref<80x256xbf16, #tpu.memory_space<hbm>>
      %dma_wait3A_47 = arith.constant 0 : i32
      %dma_wait3A_48 = tpu.memref_slice %arg4[%add3A_27, %dma_wait3A_47] : memref<320000x256xbf16, #tpu.memory_space<hbm>> -> memref<80x256xbf16, #tpu.memory_space<hbm>>
      %dma_wait3A_49 = arith.constant 0 : i32
      %dma_wait3A_50 = arith.constant 0 : i32
      %dma_wait3A_51 = tpu.memref_slice %arg6[%run_scoped3A, %dma_wait3A_49, %dma_wait3A_50] : memref<2x80x256xbf16, #tpu.memory_space<vmem>> -> memref<1x80x256xbf16, #tpu.memory_space<vmem>>
      %dma_wait3A_52 = tpu.memref_squeeze %dma_wait3A_51 : memref<1x80x256xbf16, #tpu.memory_space<vmem>> -> memref<80x256xbf16, #tpu.memory_space<vmem>>
      tpu.wait_dma2 semaphore(%run_scoped3A_28 : memref<!tpu.dma_semaphore, #tpu.memory_space<semaphore_mem>>) src(%dma_wait3A_52 : memref<80x256xbf16, #tpu.memory_space<vmem>>) dst(%dma_wait3A_48 : memref<80x256xbf16, #tpu.memory_space<hbm>>)
      tpu.yield
    }) : () -> ()
    return
  }
}

module attributes {stable_mosaic.version = 14 : i64} {
  func.func @_qkv_body(%arg0: i32, %arg1: memref<400x128xf32, #tpu.memory_space<vmem>>, %arg2: memref<1x128xf32, #tpu.memory_space<vmem>>, %arg3: memref<1x128xf32, #tpu.memory_space<vmem>>, %arg4: memref<128x384xf32, #tpu.memory_space<vmem>>, %arg5: memref<400x128xf32, #tpu.memory_space<vmem>>, %arg6: memref<400x256xbf16, #tpu.memory_space<vmem>>) attributes {dimension_semantics = [#tpu.dimension_semantics<arbitrary>], iteration_bounds = array<i64: 25>, scalar_prefetch = 0 : i64, scratch_operands = 0 : i64, tpu.core_type = #tpu.core_type<tc>, window_params = [{transform_indices = @transform_0, window_bounds = array<i64: 400, 128>}, {pipeline_mode = #tpu.pipeline_mode<synchronous>, transform_indices = @transform_1, window_bounds = array<i64: 1, 128>}, {pipeline_mode = #tpu.pipeline_mode<synchronous>, transform_indices = @transform_2, window_bounds = array<i64: 1, 128>}, {pipeline_mode = #tpu.pipeline_mode<synchronous>, transform_indices = @transform_3, window_bounds = array<i64: 128, 384>}, {transform_indices = @transform_4, window_bounds = array<i64: 400, 128>}, {transform_indices = @transform_5, window_bounds = array<i64: 400, 256>}]} {
    %get3A = arith.constant 0 : index
    %get3A_0 = arith.constant 0 : index
    %get3A_1 = vector.load %arg1[%get3A, %get3A_0] : memref<400x128xf32, #tpu.memory_space<vmem>>, vector<400x128xf32>
    %get3A_2 = arith.constant 0 : index
    %get3A_3 = arith.constant 0 : index
    %get3A_4 = vector.load %arg2[%get3A_2, %get3A_3] : memref<1x128xf32, #tpu.memory_space<vmem>>, vector<1x128xf32>
    %get3A_5 = arith.constant 0 : index
    %get3A_6 = arith.constant 0 : index
    %get3A_7 = vector.load %arg3[%get3A_5, %get3A_6] : memref<1x128xf32, #tpu.memory_space<vmem>>, vector<1x128xf32>
    %reduce_sum3A = arith.constant dense<0.000000e+00> : vector<400xf32>
    %reduce_sum3A_8 = vector.multi_reduction <add>, %get3A_1, %reduce_sum3A [1] : vector<400x128xf32> to vector<400xf32>
    %broadcast_in_dim3A = vector.shape_cast %reduce_sum3A_8 : vector<400xf32> to vector<400x1xf32>
    %div3A = arith.constant 1.280000e+02 : f32
    %div3A_9 = vector.broadcast %div3A : f32 to vector<400x1xf32>
    %div3A_10 = arith.divf %broadcast_in_dim3A, %div3A_9 : vector<400x1xf32>
    %jit3A = arith.constant 0 : i32
    %reduce_sum3A_11 = arith.constant dense<0.000000e+00> : vector<400xf32>
    %reduce_sum3A_12 = vector.multi_reduction <add>, %get3A_1, %reduce_sum3A_11 [1] : vector<400x128xf32> to vector<400xf32>
    %broadcast_in_dim3A_13 = vector.shape_cast %reduce_sum3A_12 : vector<400xf32> to vector<400x1xf32>
    %div3A_14 = arith.constant 1.280000e+02 : f32
    %div3A_15 = vector.broadcast %div3A_14 : f32 to vector<400x1xf32>
    %div3A_16 = arith.divf %broadcast_in_dim3A_13, %div3A_15 : vector<400x1xf32>
    %sub3A = vector.broadcast %div3A_16 : vector<400x1xf32> to vector<400x128xf32>
    %sub3A_17 = arith.subf %get3A_1, %sub3A : vector<400x128xf32>
    %square3A = arith.mulf %sub3A_17, %sub3A_17 : vector<400x128xf32>
    %convert_element_type3A = arith.sitofp %jit3A : i32 to f32
    %sub3A_18 = arith.constant 1.280000e+02 : f32
    %sub3A_19 = arith.subf %sub3A_18, %convert_element_type3A : f32
    %reduce_sum3A_20 = arith.constant dense<0.000000e+00> : vector<400xf32>
    %reduce_sum3A_21 = vector.multi_reduction <add>, %square3A, %reduce_sum3A_20 [1] : vector<400x128xf32> to vector<400xf32>
    %broadcast_in_dim3A_22 = vector.shape_cast %reduce_sum3A_21 : vector<400xf32> to vector<400x1xf32>
    %div3A_23 = vector.broadcast %sub3A_19 : f32 to vector<400x1xf32>
    %div3A_24 = arith.divf %broadcast_in_dim3A_22, %div3A_23 : vector<400x1xf32>
    %gt3A = arith.constant 0.000000e+00 : f32
    %gt3A_25 = arith.cmpf ogt, %sub3A_19, %gt3A : f32
    %jit3A_26 = arith.constant 0x7FC00000 : f32
    %broadcast_in_dim3A_27 = vector.broadcast %jit3A_26 : f32 to vector<400x1xf32>
    %select_n3A = arith.select %gt3A_25, %div3A_24, %broadcast_in_dim3A_27 : vector<400x1xf32>
    %sub3A_28 = vector.broadcast %div3A_10 : vector<400x1xf32> to vector<400x128xf32>
    %sub3A_29 = arith.subf %get3A_1, %sub3A_28 : vector<400x128xf32>
    %add3A = arith.constant 9.99999974E-6 : f32
    %add3A_30 = vector.broadcast %add3A : f32 to vector<400x1xf32>
    %add3A_31 = arith.addf %select_n3A, %add3A_30 : vector<400x1xf32>
    %sqrt3A = math.sqrt %add3A_31 : vector<400x1xf32>
    %div3A_32 = vector.broadcast %sqrt3A : vector<400x1xf32> to vector<400x128xf32>
    %div3A_33 = arith.divf %sub3A_29, %div3A_32 : vector<400x128xf32>
    %mul3A = vector.broadcast %get3A_4 : vector<1x128xf32> to vector<400x128xf32>
    %mul3A_34 = arith.mulf %div3A_33, %mul3A : vector<400x128xf32>
    %add3A_35 = vector.broadcast %get3A_7 : vector<1x128xf32> to vector<400x128xf32>
    %add3A_36 = arith.addf %mul3A_34, %add3A_35 : vector<400x128xf32>
    %get3A_37 = arith.constant 0 : index
    %get3A_38 = arith.constant 0 : index
    %get3A_39 = vector.load %arg4[%get3A_37, %get3A_38] : memref<128x384xf32, #tpu.memory_space<vmem>>, vector<128x384xf32>
    %dot_general3A = arith.constant dense<0.000000e+00> : vector<400x384xf32>
    %dot_general3A_40 = tpu.matmul %add3A_36, %get3A_39, %dot_general3A {dimension_numbers = #tpu.dot_dimension_numbers<[1], [0], [0], [1], [0, 0, 1, 1], [], []>, transpose_lhs_hint = false} : vector<400x128xf32>, vector<128x384xf32>, vector<400x384xf32> -> vector<400x384xf32>
    %slice3A = vector.extract_strided_slice %dot_general3A_40 {offsets = [0, 0], sizes = [400, 128], strides = [1, 1]} : vector<400x384xf32> to vector<400x128xf32>
    %swap3A = arith.constant 0 : index
    %swap3A_41 = arith.constant 0 : index
    %swap3A_42 = vector.load %arg5[%swap3A, %swap3A_41] : memref<400x128xf32, #tpu.memory_space<vmem>>, vector<400x128xf32>
    tpu.vector_store %arg5[%swap3A, %swap3A_41], %slice3A {strides = array<i32>} : memref<400x128xf32, #tpu.memory_space<vmem>>, vector<400x128xf32>,
    %slice3A_43 = vector.extract_strided_slice %dot_general3A_40 {offsets = [0, 128], sizes = [400, 256], strides = [1, 1]} : vector<400x384xf32> to vector<400x256xf32>
    %convert_element_type3A_44 = arith.truncf %slice3A_43 : vector<400x256xf32> to vector<400x256xbf16>
    %swap3A_45 = arith.constant 0 : index
    %swap3A_46 = arith.constant 0 : index
    %swap3A_47 = vector.load %arg6[%swap3A_45, %swap3A_46] : memref<400x256xbf16, #tpu.memory_space<vmem>>, vector<400x256xbf16>
    tpu.vector_store %arg6[%swap3A_45, %swap3A_46], %convert_element_type3A_44 {strides = array<i32>} : memref<400x256xbf16, #tpu.memory_space<vmem>>, vector<400x256xbf16>,
    return
  }
  func.func @transform_0(%arg0: i32) -> (i32, i32) {
    %c0_i32 = arith.constant 0 : i32
    %c0_i32_0 = arith.constant 0 : i32
    return %arg0, %c0_i32 : i32, i32
  }
  func.func @transform_1(%arg0: i32) -> (i32, i32) {
    %c0_i32 = arith.constant 0 : i32
    %c0_i32_0 = arith.constant 0 : i32
    %c0_i32_1 = arith.constant 0 : i32
    return %c0_i32, %c0_i32_0 : i32, i32
  }
  func.func @transform_2(%arg0: i32) -> (i32, i32) {
    %c0_i32 = arith.constant 0 : i32
    %c0_i32_0 = arith.constant 0 : i32
    %c0_i32_1 = arith.constant 0 : i32
    return %c0_i32, %c0_i32_0 : i32, i32
  }
  func.func @transform_3(%arg0: i32) -> (i32, i32) {
    %c0_i32 = arith.constant 0 : i32
    %c0_i32_0 = arith.constant 0 : i32
    %c0_i32_1 = arith.constant 0 : i32
    return %c0_i32, %c0_i32_0 : i32, i32
  }
  func.func @transform_4(%arg0: i32) -> (i32, i32) {
    %c0_i32 = arith.constant 0 : i32
    %c0_i32_0 = arith.constant 0 : i32
    return %arg0, %c0_i32 : i32, i32
  }
  func.func @transform_5(%arg0: i32) -> (i32, i32) {
    %c0_i32 = arith.constant 0 : i32
    %c0_i32_0 = arith.constant 0 : i32
    return %arg0, %c0_i32 : i32, i32
  }
}

module attributes {stable_mosaic.version = 14 : i64} {
  func.func @_pair_body(%arg0: i32, %arg1: memref<12800x24xf32, #tpu.memory_space<vmem>>, %arg2: memref<400x24xf32, #tpu.memory_space<vmem>>, %arg3: memref<66x64xf32, #tpu.memory_space<vmem>>, %arg4: memref<64x64xf32, #tpu.memory_space<vmem>>, %arg5: memref<12x64xf32, #tpu.memory_space<vmem>>, %arg6: memref<1x64xf32, #tpu.memory_space<vmem>>, %arg7: memref<1x64xf32, #tpu.memory_space<vmem>>, %arg8: memref<64x128xf32, #tpu.memory_space<vmem>>, %arg9: memref<1x128xf32, #tpu.memory_space<vmem>>, %arg10: memref<128x64xf32, #tpu.memory_space<vmem>>, %arg11: memref<1x64xf32, #tpu.memory_space<vmem>>, %arg12: memref<64x8xf32, #tpu.memory_space<vmem>>, %arg13: memref<24x12xf32, #tpu.memory_space<vmem>>, %arg14: memref<12x4xf32, #tpu.memory_space<vmem>>, %arg15: memref<4x64xf32, #tpu.memory_space<vmem>>, %arg16: memref<4x12xf32, #tpu.memory_space<vmem>>, %arg17: memref<24x8xf32, #tpu.memory_space<vmem>>, %arg18: memref<24x1xf32, #tpu.memory_space<vmem>>, %arg19: memref<24x1xf32, #tpu.memory_space<vmem>>, %arg20: memref<24x1xf32, #tpu.memory_space<vmem>>, %arg21: memref<1x64xf32, #tpu.memory_space<vmem>>, %arg22: memref<1x66xf32, #tpu.memory_space<vmem>>, %arg23: memref<12800x8xf32, #tpu.memory_space<vmem>>, %arg24: memref<12800x8xf32, #tpu.memory_space<vmem>>) attributes {dimension_semantics = [#tpu.dimension_semantics<arbitrary>], iteration_bounds = array<i64: 25>, scalar_prefetch = 0 : i64, scratch_operands = 0 : i64, tpu.core_type = #tpu.core_type<tc>, window_params = [{transform_indices = @transform_0, window_bounds = array<i64: 12800, 24>}, {transform_indices = @transform_1, window_bounds = array<i64: 400, 24>}, {pipeline_mode = #tpu.pipeline_mode<synchronous>, transform_indices = @transform_2, window_bounds = array<i64: 66, 64>}, {pipeline_mode = #tpu.pipeline_mode<synchronous>, transform_indices = @transform_3, window_bounds = array<i64: 64, 64>}, {pipeline_mode = #tpu.pipeline_mode<synchronous>, transform_indices = @transform_4, window_bounds = array<i64: 12, 64>}, {pipeline_mode = #tpu.pipeline_mode<synchronous>, transform_indices = @transform_5, window_bounds = array<i64: 1, 64>}, {pipeline_mode = #tpu.pipeline_mode<synchronous>, transform_indices = @transform_6, window_bounds = array<i64: 1, 64>}, {pipeline_mode = #tpu.pipeline_mode<synchronous>, transform_indices = @transform_7, window_bounds = array<i64: 64, 128>}, {pipeline_mode = #tpu.pipeline_mode<synchronous>, transform_indices = @transform_8, window_bounds = array<i64: 1, 128>}, {pipeline_mode = #tpu.pipeline_mode<synchronous>, transform_indices = @transform_9, window_bounds = array<i64: 128, 64>}, {pipeline_mode = #tpu.pipeline_mode<synchronous>, transform_indices = @transform_10, window_bounds = array<i64: 1, 64>}, {pipeline_mode = #tpu.pipeline_mode<synchronous>, transform_indices = @transform_11, window_bounds = array<i64: 64, 8>}, {pipeline_mode = #tpu.pipeline_mode<synchronous>, transform_indices = @transform_12, window_bounds = array<i64: 24, 12>}, {pipeline_mode = #tpu.pipeline_mode<synchronous>, transform_indices = @transform_13, window_bounds = array<i64: 12, 4>}, {pipeline_mode = #tpu.pipeline_mode<synchronous>, transform_indices = @transform_14, window_bounds = array<i64: 4, 64>}, {pipeline_mode = #tpu.pipeline_mode<synchronous>, transform_indices = @transform_15, window_bounds = array<i64: 4, 12>}, {pipeline_mode = #tpu.pipeline_mode<synchronous>, transform_indices = @transform_16, window_bounds = array<i64: 24, 8>}, {pipeline_mode = #tpu.pipeline_mode<synchronous>, transform_indices = @transform_17, window_bounds = array<i64: 24, 1>}, {pipeline_mode = #tpu.pipeline_mode<synchronous>, transform_indices = @transform_18, window_bounds = array<i64: 24, 1>}, {pipeline_mode = #tpu.pipeline_mode<synchronous>, transform_indices = @transform_19, window_bounds = array<i64: 24, 1>}, {pipeline_mode = #tpu.pipeline_mode<synchronous>, transform_indices = @transform_20, window_bounds = array<i64: 1, 64>}, {pipeline_mode = #tpu.pipeline_mode<synchronous>, transform_indices = @transform_21, window_bounds = array<i64: 1, 66>}, {transform_indices = @transform_22, window_bounds = array<i64: 12800, 8>}, {transform_indices = @transform_23, window_bounds = array<i64: 12800, 8>}]} {
    %get3A = arith.constant 0 : index
    %get3A_0 = arith.constant 0 : index
    %get3A_1 = vector.load %arg1[%get3A, %get3A_0] : memref<12800x24xf32, #tpu.memory_space<vmem>>, vector<12800x24xf32>
    %get3A_2 = arith.constant 0 : index
    %get3A_3 = arith.constant 0 : index
    %get3A_4 = vector.load %arg2[%get3A_2, %get3A_3] : memref<400x24xf32, #tpu.memory_space<vmem>>, vector<400x24xf32>
    %broadcast_in_dim3A = vector.shape_cast %get3A_4 : vector<400x24xf32> to vector<400x1x24xf32>
    %broadcast_in_dim3A_5 = vector.shape_cast %broadcast_in_dim3A : vector<400x1x24xf32> to vector<400x1x24xf32>
    %broadcast_in_dim3A_6 = vector.broadcast %broadcast_in_dim3A_5 : vector<400x1x24xf32> to vector<400x32x24xf32>
    %reshape3A = vector.shape_cast %broadcast_in_dim3A_6 : vector<400x32x24xf32> to vector<12800x24xf32>
    %sub3A = arith.subf %get3A_1, %reshape3A : vector<12800x24xf32>
    %jit3A = arith.constant -3.200000e+01 : f32
    %jit3A_7 = arith.constant 3.200000e+01 : f32
    %max3A = vector.broadcast %jit3A : f32 to vector<12800x24xf32>
    %max3A_8 = arith.maximumf %max3A, %sub3A : vector<12800x24xf32>
    %min3A = vector.broadcast %jit3A_7 : f32 to vector<12800x24xf32>
    %min3A_9 = arith.minimumf %min3A, %max3A_8 : vector<12800x24xf32>
    %add3A = arith.constant 3.200000e+01 : f32
    %add3A_10 = vector.broadcast %add3A : f32 to vector<12800x24xf32>
    %add3A_11 = arith.addf %min3A_9, %add3A_10 : vector<12800x24xf32>
    %eq3A = arith.constant 0.000000e+00 : f32
    %eq3A_12 = vector.broadcast %eq3A : f32 to vector<12800x24xf32>
    %eq3A_13 = arith.cmpf oeq, %sub3A, %eq3A_12 : vector<12800x24xf32>
    %convert_element_type3A = arith.extui %eq3A_13 : vector<12800x24xi1> to vector<12800x24xi32>
    %convert_element_type3A_14 = arith.sitofp %convert_element_type3A : vector<12800x24xi32> to vector<12800x24xf32>
    %get3A_15 = arith.constant 0 : index
    %get3A_16 = arith.constant 0 : index
    %get3A_17 = vector.load %arg18[%get3A_15, %get3A_16] : memref<24x1xf32, #tpu.memory_space<vmem>>, vector<24x1xf32>
    %dot_general3A = arith.constant dense<0.000000e+00> : vector<12800x1xf32>
    %dot_general3A_18 = tpu.matmul %add3A_11, %get3A_17, %dot_general3A {dimension_numbers = #tpu.dot_dimension_numbers<[1], [0], [0], [1], [0, 0, 1, 1], [], []>, transpose_lhs_hint = false} : vector<12800x24xf32>, vector<24x1xf32>, vector<12800x1xf32> -> vector<12800x1xf32>
    %get3A_19 = arith.constant 0 : index
    %get3A_20 = arith.constant 0 : index
    %get3A_21 = vector.load %arg19[%get3A_19, %get3A_20] : memref<24x1xf32, #tpu.memory_space<vmem>>, vector<24x1xf32>
    %dot_general3A_22 = arith.constant dense<0.000000e+00> : vector<12800x1xf32>
    %dot_general3A_23 = tpu.matmul %convert_element_type3A_14, %get3A_21, %dot_general3A_22 {dimension_numbers = #tpu.dot_dimension_numbers<[1], [0], [0], [1], [0, 0, 1, 1], [], []>, transpose_lhs_hint = false} : vector<12800x24xf32>, vector<24x1xf32>, vector<12800x1xf32> -> vector<12800x1xf32>
    %get3A_24 = arith.constant 0 : index
    %get3A_25 = arith.constant 0 : index
    %get3A_26 = vector.load %arg20[%get3A_24, %get3A_25] : memref<24x1xf32, #tpu.memory_space<vmem>>, vector<24x1xf32>
    %dot_general3A_27 = arith.constant dense<0.000000e+00> : vector<12800x1xf32>
    %dot_general3A_28 = tpu.matmul %convert_element_type3A_14, %get3A_26, %dot_general3A_27 {dimension_numbers = #tpu.dot_dimension_numbers<[1], [0], [0], [1], [0, 0, 1, 1], [], []>, transpose_lhs_hint = false} : vector<12800x24xf32>, vector<24x1xf32>, vector<12800x1xf32> -> vector<12800x1xf32>
    %mul3A = arith.mulf %dot_general3A_23, %dot_general3A_28 : vector<12800x1xf32>
    %gt3A = arith.constant 5.000000e-01 : f32
    %gt3A_29 = vector.broadcast %gt3A : f32 to vector<12800x1xf32>
    %gt3A_30 = arith.cmpf ogt, %mul3A, %gt3A_29 : vector<12800x1xf32>
    %jit3A_31 = arith.constant 6.500000e+01 : f32
    %broadcast_in_dim3A_32 = vector.broadcast %jit3A_31 : f32 to vector<12800x1xf32>
    %select_n3A = arith.select %gt3A_30, %dot_general3A_18, %broadcast_in_dim3A_32 : vector<12800x1xi1>, vector<12800x1xf32>
    %get3A_33 = arith.constant 0 : index
    %get3A_34 = arith.constant 0 : index
    %get3A_35 = vector.load %arg22[%get3A_33, %get3A_34] : memref<1x66xf32, #tpu.memory_space<vmem>>, vector<1x66xf32>
    %eq3A_36 = vector.broadcast %select_n3A : vector<12800x1xf32> to vector<12800x66xf32>
    %eq3A_37 = vector.broadcast %get3A_35 : vector<1x66xf32> to vector<12800x66xf32>
    %eq3A_38 = arith.cmpf oeq, %eq3A_36, %eq3A_37 : vector<12800x66xf32>
    %convert_element_type3A_39 = arith.extui %eq3A_38 : vector<12800x66xi1> to vector<12800x66xi32>
    %convert_element_type3A_40 = arith.sitofp %convert_element_type3A_39 : vector<12800x66xi32> to vector<12800x66xf32>
    %get3A_41 = arith.constant 0 : index
    %get3A_42 = arith.constant 0 : index
    %get3A_43 = vector.load %arg3[%get3A_41, %get3A_42] : memref<66x64xf32, #tpu.memory_space<vmem>>, vector<66x64xf32>
    %dot_general3A_44 = arith.constant dense<0.000000e+00> : vector<12800x64xf32>
    %dot_general3A_45 = tpu.matmul %convert_element_type3A_40, %get3A_43, %dot_general3A_44 {dimension_numbers = #tpu.dot_dimension_numbers<[1], [0], [0], [1], [0, 0, 1, 1], [], []>, transpose_lhs_hint = false} : vector<12800x66xf32>, vector<66x64xf32>, vector<12800x64xf32> -> vector<12800x64xf32>
    %slice3A = vector.extract_strided_slice %get3A_1 {offsets = [0, 0], sizes = [12800, 12], strides = [1, 1]} : vector<12800x24xf32> to vector<12800x12xf32>
    %get3A_46 = arith.constant 0 : index
    %get3A_47 = arith.constant 0 : index
    %get3A_48 = vector.load %arg13[%get3A_46, %get3A_47] : memref<24x12xf32, #tpu.memory_space<vmem>>, vector<24x12xf32>
    %dot_general3A_49 = arith.constant dense<0.000000e+00> : vector<400x12xf32>
    %dot_general3A_50 = tpu.matmul %get3A_4, %get3A_48, %dot_general3A_49 {dimension_numbers = #tpu.dot_dimension_numbers<[1], [0], [0], [1], [0, 0, 1, 1], [], []>, transpose_lhs_hint = false} : vector<400x24xf32>, vector<24x12xf32>, vector<400x12xf32> -> vector<400x12xf32>
    %broadcast_in_dim3A_51 = vector.shape_cast %dot_general3A_50 : vector<400x12xf32> to vector<400x1x12xf32>
    %broadcast_in_dim3A_52 = vector.shape_cast %broadcast_in_dim3A_51 : vector<400x1x12xf32> to vector<400x1x12xf32>
    %broadcast_in_dim3A_53 = vector.broadcast %broadcast_in_dim3A_52 : vector<400x1x12xf32> to vector<400x32x12xf32>
    %reshape3A_54 = vector.shape_cast %broadcast_in_dim3A_53 : vector<400x32x12xf32> to vector<12800x12xf32>
    %sub3A_55 = arith.subf %slice3A, %reshape3A_54 : vector<12800x12xf32>
    %mul3A_56 = arith.mulf %sub3A_55, %sub3A_55 : vector<12800x12xf32>
    %get3A_57 = arith.constant 0 : index
    %get3A_58 = arith.constant 0 : index
    %get3A_59 = vector.load %arg14[%get3A_57, %get3A_58] : memref<12x4xf32, #tpu.memory_space<vmem>>, vector<12x4xf32>
    %dot_general3A_60 = arith.constant dense<0.000000e+00> : vector<12800x4xf32>
    %dot_general3A_61 = tpu.matmul %mul3A_56, %get3A_59, %dot_general3A_60 {dimension_numbers = #tpu.dot_dimension_numbers<[1], [0], [0], [1], [0, 0, 1, 1], [], []>, transpose_lhs_hint = false} : vector<12800x12xf32>, vector<12x4xf32>, vector<12800x4xf32> -> vector<12800x4xf32>
    %sqrt3A = math.sqrt %dot_general3A_61 : vector<12800x4xf32>
    %get3A_62 = arith.constant 0 : index
    %get3A_63 = arith.constant 0 : index
    %get3A_64 = vector.load %arg15[%get3A_62, %get3A_63] : memref<4x64xf32, #tpu.memory_space<vmem>>, vector<4x64xf32>
    %dot_general3A_65 = arith.constant dense<0.000000e+00> : vector<12800x64xf32>
    %dot_general3A_66 = tpu.matmul %sqrt3A, %get3A_64, %dot_general3A_65 {dimension_numbers = #tpu.dot_dimension_numbers<[1], [0], [0], [1], [0, 0, 1, 1], [], []>, transpose_lhs_hint = false} : vector<12800x4xf32>, vector<4x64xf32>, vector<12800x64xf32> -> vector<12800x64xf32>
    %get3A_67 = arith.constant 0 : index
    %get3A_68 = arith.constant 0 : index
    %get3A_69 = vector.load %arg21[%get3A_67, %get3A_68] : memref<1x64xf32, #tpu.memory_space<vmem>>, vector<1x64xf32>
    %sub3A_70 = vector.broadcast %get3A_69 : vector<1x64xf32> to vector<12800x64xf32>
    %sub3A_71 = arith.subf %dot_general3A_66, %sub3A_70 : vector<12800x64xf32>
    %integer_pow3A = arith.mulf %sub3A_71, %sub3A_71 : vector<12800x64xf32>
    %neg3A = arith.constant 0.000000e+00 : f32
    %neg3A_72 = vector.broadcast %neg3A : f32 to vector<12800x64xf32>
    %neg3A_73 = arith.subf %neg3A_72, %integer_pow3A : vector<12800x64xf32>
    %mul3A_74 = arith.constant 0.264462799 : f32
    %mul3A_75 = vector.broadcast %mul3A_74 : f32 to vector<12800x64xf32>
    %mul3A_76 = arith.mulf %neg3A_73, %mul3A_75 : vector<12800x64xf32>
    %exp3A = math.exp %mul3A_76 : vector<12800x64xf32>
    %get3A_77 = arith.constant 0 : index
    %get3A_78 = arith.constant 0 : index
    %get3A_79 = vector.load %arg4[%get3A_77, %get3A_78] : memref<64x64xf32, #tpu.memory_space<vmem>>, vector<64x64xf32>
    %dot_general3A_80 = arith.constant dense<0.000000e+00> : vector<12800x64xf32>
    %dot_general3A_81 = tpu.matmul %exp3A, %get3A_79, %dot_general3A_80 {dimension_numbers = #tpu.dot_dimension_numbers<[1], [0], [0], [1], [0, 0, 1, 1], [], []>, transpose_lhs_hint = false} : vector<12800x64xf32>, vector<64x64xf32>, vector<12800x64xf32> -> vector<12800x64xf32>
    %add3A_82 = arith.addf %dot_general3A_45, %dot_general3A_81 : vector<12800x64xf32>
    %add3A_83 = arith.constant 9.99999997E-7 : f32
    %add3A_84 = vector.broadcast %add3A_83 : f32 to vector<12800x4xf32>
    %add3A_85 = arith.addf %sqrt3A, %add3A_84 : vector<12800x4xf32>
    %div3A = arith.constant 1.000000e+00 : f32
    %div3A_86 = vector.broadcast %div3A : f32 to vector<12800x4xf32>
    %div3A_87 = arith.divf %div3A_86, %add3A_85 : vector<12800x4xf32>
    %get3A_88 = arith.constant 0 : index
    %get3A_89 = arith.constant 0 : index
    %get3A_90 = vector.load %arg16[%get3A_88, %get3A_89] : memref<4x12xf32, #tpu.memory_space<vmem>>, vector<4x12xf32>
    %dot_general3A_91 = arith.constant dense<0.000000e+00> : vector<12800x12xf32>
    %dot_general3A_92 = tpu.matmul %div3A_87, %get3A_90, %dot_general3A_91 {dimension_numbers = #tpu.dot_dimension_numbers<[1], [0], [0], [1], [0, 0, 1, 1], [], []>, transpose_lhs_hint = false} : vector<12800x4xf32>, vector<4x12xf32>, vector<12800x12xf32> -> vector<12800x12xf32>
    %mul3A_93 = arith.mulf %sub3A_55, %dot_general3A_92 : vector<12800x12xf32>
    %get3A_94 = arith.constant 0 : index
    %get3A_95 = arith.constant 0 : index
    %get3A_96 = vector.load %arg5[%get3A_94, %get3A_95] : memref<12x64xf32, #tpu.memory_space<vmem>>, vector<12x64xf32>
    %dot_general3A_97 = arith.constant dense<0.000000e+00> : vector<12800x64xf32>
    %dot_general3A_98 = tpu.matmul %mul3A_93, %get3A_96, %dot_general3A_97 {dimension_numbers = #tpu.dot_dimension_numbers<[1], [0], [0], [1], [0, 0, 1, 1], [], []>, transpose_lhs_hint = false} : vector<12800x12xf32>, vector<12x64xf32>, vector<12800x64xf32> -> vector<12800x64xf32>
    %add3A_99 = arith.addf %add3A_82, %dot_general3A_98 : vector<12800x64xf32>
    %get3A_100 = arith.constant 0 : index
    %get3A_101 = arith.constant 0 : index
    %get3A_102 = vector.load %arg6[%get3A_100, %get3A_101] : memref<1x64xf32, #tpu.memory_space<vmem>>, vector<1x64xf32>
    %get3A_103 = arith.constant 0 : index
    %get3A_104 = arith.constant 0 : index
    %get3A_105 = vector.load %arg7[%get3A_103, %get3A_104] : memref<1x64xf32, #tpu.memory_space<vmem>>, vector<1x64xf32>
    %reduce_sum3A = arith.constant dense<0.000000e+00> : vector<12800xf32>
    %reduce_sum3A_106 = vector.multi_reduction <add>, %add3A_99, %reduce_sum3A [1] : vector<12800x64xf32> to vector<12800xf32>
    %broadcast_in_dim3A_107 = vector.shape_cast %reduce_sum3A_106 : vector<12800xf32> to vector<12800x1xf32>
    %div3A_108 = arith.constant 6.400000e+01 : f32
    %div3A_109 = vector.broadcast %div3A_108 : f32 to vector<12800x1xf32>
    %div3A_110 = arith.divf %broadcast_in_dim3A_107, %div3A_109 : vector<12800x1xf32>
    %jit3A_111 = arith.constant 0 : i32
    %reduce_sum3A_112 = arith.constant dense<0.000000e+00> : vector<12800xf32>
    %reduce_sum3A_113 = vector.multi_reduction <add>, %add3A_99, %reduce_sum3A_112 [1] : vector<12800x64xf32> to vector<12800xf32>
    %broadcast_in_dim3A_114 = vector.shape_cast %reduce_sum3A_113 : vector<12800xf32> to vector<12800x1xf32>
    %div3A_115 = arith.constant 6.400000e+01 : f32
    %div3A_116 = vector.broadcast %div3A_115 : f32 to vector<12800x1xf32>
    %div3A_117 = arith.divf %broadcast_in_dim3A_114, %div3A_116 : vector<12800x1xf32>
    %sub3A_118 = vector.broadcast %div3A_117 : vector<12800x1xf32> to vector<12800x64xf32>
    %sub3A_119 = arith.subf %add3A_99, %sub3A_118 : vector<12800x64xf32>
    %square3A = arith.mulf %sub3A_119, %sub3A_119 : vector<12800x64xf32>
    %convert_element_type3A_120 = arith.sitofp %jit3A_111 : i32 to f32
    %sub3A_121 = arith.constant 6.400000e+01 : f32
    %sub3A_122 = arith.subf %sub3A_121, %convert_element_type3A_120 : f32
    %reduce_sum3A_123 = arith.constant dense<0.000000e+00> : vector<12800xf32>
    %reduce_sum3A_124 = vector.multi_reduction <add>, %square3A, %reduce_sum3A_123 [1] : vector<12800x64xf32> to vector<12800xf32>
    %broadcast_in_dim3A_125 = vector.shape_cast %reduce_sum3A_124 : vector<12800xf32> to vector<12800x1xf32>
    %div3A_126 = vector.broadcast %sub3A_122 : f32 to vector<12800x1xf32>
    %div3A_127 = arith.divf %broadcast_in_dim3A_125, %div3A_126 : vector<12800x1xf32>
    %gt3A_128 = arith.constant 0.000000e+00 : f32
    %gt3A_129 = arith.cmpf ogt, %sub3A_122, %gt3A_128 : f32
    %jit3A_130 = arith.constant 0x7FC00000 : f32
    %broadcast_in_dim3A_131 = vector.broadcast %jit3A_130 : f32 to vector<12800x1xf32>
    %select_n3A_132 = arith.select %gt3A_129, %div3A_127, %broadcast_in_dim3A_131 : vector<12800x1xf32>
    %sub3A_133 = vector.broadcast %div3A_110 : vector<12800x1xf32> to vector<12800x64xf32>
    %sub3A_134 = arith.subf %add3A_99, %sub3A_133 : vector<12800x64xf32>
    %add3A_135 = arith.constant 9.99999974E-6 : f32
    %add3A_136 = vector.broadcast %add3A_135 : f32 to vector<12800x1xf32>
    %add3A_137 = arith.addf %select_n3A_132, %add3A_136 : vector<12800x1xf32>
    %sqrt3A_138 = math.sqrt %add3A_137 : vector<12800x1xf32>
    %div3A_139 = vector.broadcast %sqrt3A_138 : vector<12800x1xf32> to vector<12800x64xf32>
    %div3A_140 = arith.divf %sub3A_134, %div3A_139 : vector<12800x64xf32>
    %mul3A_141 = vector.broadcast %get3A_102 : vector<1x64xf32> to vector<12800x64xf32>
    %mul3A_142 = arith.mulf %div3A_140, %mul3A_141 : vector<12800x64xf32>
    %add3A_143 = vector.broadcast %get3A_105 : vector<1x64xf32> to vector<12800x64xf32>
    %add3A_144 = arith.addf %mul3A_142, %add3A_143 : vector<12800x64xf32>
    %get3A_145 = arith.constant 0 : index
    %get3A_146 = arith.constant 0 : index
    %get3A_147 = vector.load %arg8[%get3A_145, %get3A_146] : memref<64x128xf32, #tpu.memory_space<vmem>>, vector<64x128xf32>
    %dot_general3A_148 = arith.constant dense<0.000000e+00> : vector<12800x128xf32>
    %dot_general3A_149 = tpu.matmul %add3A_144, %get3A_147, %dot_general3A_148 {dimension_numbers = #tpu.dot_dimension_numbers<[1], [0], [0], [1], [0, 0, 1, 1], [], []>, transpose_lhs_hint = false} : vector<12800x64xf32>, vector<64x128xf32>, vector<12800x128xf32> -> vector<12800x128xf32>
    %get3A_150 = arith.constant 0 : index
    %get3A_151 = arith.constant 0 : index
    %get3A_152 = vector.load %arg9[%get3A_150, %get3A_151] : memref<1x128xf32, #tpu.memory_space<vmem>>, vector<1x128xf32>
    %add3A_153 = vector.broadcast %get3A_152 : vector<1x128xf32> to vector<12800x128xf32>
    %add3A_154 = arith.addf %dot_general3A_149, %add3A_153 : vector<12800x128xf32>
    %integer_pow3A_155 = arith.mulf %add3A_154, %add3A_154 : vector<12800x128xf32>
    %integer_pow3A_156 = arith.mulf %add3A_154, %integer_pow3A_155 : vector<12800x128xf32>
    %mul3A_157 = arith.constant 4.471500e-02 : f32
    %mul3A_158 = vector.broadcast %mul3A_157 : f32 to vector<12800x128xf32>
    %mul3A_159 = arith.mulf %mul3A_158, %integer_pow3A_156 : vector<12800x128xf32>
    %add3A_160 = arith.addf %add3A_154, %mul3A_159 : vector<12800x128xf32>
    %mul3A_161 = arith.constant 0.797884583 : f32
    %mul3A_162 = vector.broadcast %mul3A_161 : f32 to vector<12800x128xf32>
    %mul3A_163 = arith.mulf %mul3A_162, %add3A_160 : vector<12800x128xf32>
    %tanh3A = math.tanh %mul3A_163 : vector<12800x128xf32>
    %add3A_164 = arith.constant 1.000000e+00 : f32
    %add3A_165 = vector.broadcast %add3A_164 : f32 to vector<12800x128xf32>
    %add3A_166 = arith.addf %add3A_165, %tanh3A : vector<12800x128xf32>
    %mul3A_167 = arith.constant 5.000000e-01 : f32
    %mul3A_168 = vector.broadcast %mul3A_167 : f32 to vector<12800x128xf32>
    %mul3A_169 = arith.mulf %mul3A_168, %add3A_166 : vector<12800x128xf32>
    %mul3A_170 = arith.mulf %add3A_154, %mul3A_169 : vector<12800x128xf32>
    %get3A_171 = arith.constant 0 : index
    %get3A_172 = arith.constant 0 : index
    %get3A_173 = vector.load %arg10[%get3A_171, %get3A_172] : memref<128x64xf32, #tpu.memory_space<vmem>>, vector<128x64xf32>
    %dot_general3A_174 = arith.constant dense<0.000000e+00> : vector<12800x64xf32>
    %dot_general3A_175 = tpu.matmul %mul3A_170, %get3A_173, %dot_general3A_174 {dimension_numbers = #tpu.dot_dimension_numbers<[1], [0], [0], [1], [0, 0, 1, 1], [], []>, transpose_lhs_hint = false} : vector<12800x128xf32>, vector<128x64xf32>, vector<12800x64xf32> -> vector<12800x64xf32>
    %get3A_176 = arith.constant 0 : index
    %get3A_177 = arith.constant 0 : index
    %get3A_178 = vector.load %arg11[%get3A_176, %get3A_177] : memref<1x64xf32, #tpu.memory_space<vmem>>, vector<1x64xf32>
    %add3A_179 = vector.broadcast %get3A_178 : vector<1x64xf32> to vector<12800x64xf32>
    %add3A_180 = arith.addf %dot_general3A_175, %add3A_179 : vector<12800x64xf32>
    %get3A_181 = arith.constant 0 : index
    %get3A_182 = arith.constant 0 : index
    %get3A_183 = vector.load %arg12[%get3A_181, %get3A_182] : memref<64x8xf32, #tpu.memory_space<vmem>>, vector<64x8xf32>
    %dot_general3A_184 = arith.constant dense<0.000000e+00> : vector<12800x8xf32>
    %dot_general3A_185 = tpu.matmul %add3A_180, %get3A_183, %dot_general3A_184 {dimension_numbers = #tpu.dot_dimension_numbers<[1], [0], [0], [1], [0, 0, 1, 1], [], []>, transpose_lhs_hint = false} : vector<12800x64xf32>, vector<64x8xf32>, vector<12800x8xf32> -> vector<12800x8xf32>
    %swap3A = arith.constant 0 : index
    %swap3A_186 = arith.constant 0 : index
    %swap3A_187 = vector.load %arg23[%swap3A, %swap3A_186] : memref<12800x8xf32, #tpu.memory_space<vmem>>, vector<12800x8xf32>
    tpu.vector_store %arg23[%swap3A, %swap3A_186], %dot_general3A_185 {strides = array<i32>} : memref<12800x8xf32, #tpu.memory_space<vmem>>, vector<12800x8xf32>,
    %get3A_188 = arith.constant 0 : index
    %get3A_189 = arith.constant 0 : index
    %get3A_190 = vector.load %arg17[%get3A_188, %get3A_189] : memref<24x8xf32, #tpu.memory_space<vmem>>, vector<24x8xf32>
    %dot_general3A_191 = arith.constant dense<0.000000e+00> : vector<12800x8xf32>
    %dot_general3A_192 = tpu.matmul %get3A_1, %get3A_190, %dot_general3A_191 {dimension_numbers = #tpu.dot_dimension_numbers<[1], [0], [0], [1], [0, 0, 1, 1], [], []>, transpose_lhs_hint = false} : vector<12800x24xf32>, vector<24x8xf32>, vector<12800x8xf32> -> vector<12800x8xf32>
    %get3A_193 = arith.constant 0 : index
    %get3A_194 = arith.constant 0 : index
    %get3A_195 = vector.load %arg17[%get3A_193, %get3A_194] : memref<24x8xf32, #tpu.memory_space<vmem>>, vector<24x8xf32>
    %dot_general3A_196 = arith.constant dense<0.000000e+00> : vector<400x8xf32>
    %dot_general3A_197 = tpu.matmul %get3A_4, %get3A_195, %dot_general3A_196 {dimension_numbers = #tpu.dot_dimension_numbers<[1], [0], [0], [1], [0, 0, 1, 1], [], []>, transpose_lhs_hint = false} : vector<400x24xf32>, vector<24x8xf32>, vector<400x8xf32> -> vector<400x8xf32>
    %broadcast_in_dim3A_198 = vector.shape_cast %dot_general3A_197 : vector<400x8xf32> to vector<400x1x8xf32>
    %broadcast_in_dim3A_199 = vector.shape_cast %broadcast_in_dim3A_198 : vector<400x1x8xf32> to vector<400x1x8xf32>
    %broadcast_in_dim3A_200 = vector.broadcast %broadcast_in_dim3A_199 : vector<400x1x8xf32> to vector<400x32x8xf32>
    %reshape3A_201 = vector.shape_cast %broadcast_in_dim3A_200 : vector<400x32x8xf32> to vector<12800x8xf32>
    %mul3A_202 = arith.mulf %dot_general3A_192, %reshape3A_201 : vector<12800x8xf32>
    %swap3A_203 = arith.constant 0 : index
    %swap3A_204 = arith.constant 0 : index
    %swap3A_205 = vector.load %arg24[%swap3A_203, %swap3A_204] : memref<12800x8xf32, #tpu.memory_space<vmem>>, vector<12800x8xf32>
    tpu.vector_store %arg24[%swap3A_203, %swap3A_204], %mul3A_202 {strides = array<i32>} : memref<12800x8xf32, #tpu.memory_space<vmem>>, vector<12800x8xf32>,
    return
  }
  func.func @transform_0(%arg0: i32) -> (i32, i32) {
    %c0_i32 = arith.constant 0 : i32
    %c0_i32_0 = arith.constant 0 : i32
    return %arg0, %c0_i32 : i32, i32
  }
  func.func @transform_1(%arg0: i32) -> (i32, i32) {
    %c0_i32 = arith.constant 0 : i32
    %c0_i32_0 = arith.constant 0 : i32
    return %arg0, %c0_i32 : i32, i32
  }
  func.func @transform_2(%arg0: i32) -> (i32, i32) {
    %c0_i32 = arith.constant 0 : i32
    %c0_i32_0 = arith.constant 0 : i32
    %c0_i32_1 = arith.constant 0 : i32
    return %c0_i32, %c0_i32_0 : i32, i32
  }
  func.func @transform_3(%arg0: i32) -> (i32, i32) {
    %c0_i32 = arith.constant 0 : i32
    %c0_i32_0 = arith.constant 0 : i32
    %c0_i32_1 = arith.constant 0 : i32
    return %c0_i32, %c0_i32_0 : i32, i32
  }
  func.func @transform_4(%arg0: i32) -> (i32, i32) {
    %c0_i32 = arith.constant 0 : i32
    %c0_i32_0 = arith.constant 0 : i32
    %c0_i32_1 = arith.constant 0 : i32
    return %c0_i32, %c0_i32_0 : i32, i32
  }
  func.func @transform_5(%arg0: i32) -> (i32, i32) {
    %c0_i32 = arith.constant 0 : i32
    %c0_i32_0 = arith.constant 0 : i32
    %c0_i32_1 = arith.constant 0 : i32
    return %c0_i32, %c0_i32_0 : i32, i32
  }
  func.func @transform_6(%arg0: i32) -> (i32, i32) {
    %c0_i32 = arith.constant 0 : i32
    %c0_i32_0 = arith.constant 0 : i32
    %c0_i32_1 = arith.constant 0 : i32
    return %c0_i32, %c0_i32_0 : i32, i32
  }
  func.func @transform_7(%arg0: i32) -> (i32, i32) {
    %c0_i32 = arith.constant 0 : i32
    %c0_i32_0 = arith.constant 0 : i32
    %c0_i32_1 = arith.constant 0 : i32
    return %c0_i32, %c0_i32_0 : i32, i32
  }
  func.func @transform_8(%arg0: i32) -> (i32, i32) {
    %c0_i32 = arith.constant 0 : i32
    %c0_i32_0 = arith.constant 0 : i32
    %c0_i32_1 = arith.constant 0 : i32
    return %c0_i32, %c0_i32_0 : i32, i32
  }
  func.func @transform_9(%arg0: i32) -> (i32, i32) {
    %c0_i32 = arith.constant 0 : i32
    %c0_i32_0 = arith.constant 0 : i32
    %c0_i32_1 = arith.constant 0 : i32
    return %c0_i32, %c0_i32_0 : i32, i32
  }
  func.func @transform_10(%arg0: i32) -> (i32, i32) {
    %c0_i32 = arith.constant 0 : i32
    %c0_i32_0 = arith.constant 0 : i32
    %c0_i32_1 = arith.constant 0 : i32
    return %c0_i32, %c0_i32_0 : i32, i32
  }
  func.func @transform_11(%arg0: i32) -> (i32, i32) {
    %c0_i32 = arith.constant 0 : i32
    %c0_i32_0 = arith.constant 0 : i32
    %c0_i32_1 = arith.constant 0 : i32
    return %c0_i32, %c0_i32_0 : i32, i32
  }
  func.func @transform_12(%arg0: i32) -> (i32, i32) {
    %c0_i32 = arith.constant 0 : i32
    %c0_i32_0 = arith.constant 0 : i32
    %c0_i32_1 = arith.constant 0 : i32
    return %c0_i32, %c0_i32_0 : i32, i32
  }
  func.func @transform_13(%arg0: i32) -> (i32, i32) {
    %c0_i32 = arith.constant 0 : i32
    %c0_i32_0 = arith.constant 0 : i32
    %c0_i32_1 = arith.constant 0 : i32
    return %c0_i32, %c0_i32_0 : i32, i32
  }
  func.func @transform_14(%arg0: i32) -> (i32, i32) {
    %c0_i32 = arith.constant 0 : i32
    %c0_i32_0 = arith.constant 0 : i32
    %c0_i32_1 = arith.constant 0 : i32
    return %c0_i32, %c0_i32_0 : i32, i32
  }
  func.func @transform_15(%arg0: i32) -> (i32, i32) {
    %c0_i32 = arith.constant 0 : i32
    %c0_i32_0 = arith.constant 0 : i32
    %c0_i32_1 = arith.constant 0 : i32
    return %c0_i32, %c0_i32_0 : i32, i32
  }
  func.func @transform_16(%arg0: i32) -> (i32, i32) {
    %c0_i32 = arith.constant 0 : i32
    %c0_i32_0 = arith.constant 0 : i32
    %c0_i32_1 = arith.constant 0 : i32
    return %c0_i32, %c0_i32_0 : i32, i32
  }
  func.func @transform_17(%arg0: i32) -> (i32, i32) {
    %c0_i32 = arith.constant 0 : i32
    %c0_i32_0 = arith.constant 0 : i32
    %c0_i32_1 = arith.constant 0 : i32
    return %c0_i32, %c0_i32_0 : i32, i32
  }
  func.func @transform_18(%arg0: i32) -> (i32, i32) {
    %c0_i32 = arith.constant 0 : i32
    %c0_i32_0 = arith.constant 0 : i32
    %c0_i32_1 = arith.constant 0 : i32
    return %c0_i32, %c0_i32_0 : i32, i32
  }
  func.func @transform_19(%arg0: i32) -> (i32, i32) {
    %c0_i32 = arith.constant 0 : i32
    %c0_i32_0 = arith.constant 0 : i32
    %c0_i32_1 = arith.constant 0 : i32
    return %c0_i32, %c0_i32_0 : i32, i32
  }
  func.func @transform_20(%arg0: i32) -> (i32, i32) {
    %c0_i32 = arith.constant 0 : i32
    %c0_i32_0 = arith.constant 0 : i32
    %c0_i32_1 = arith.constant 0 : i32
    return %c0_i32, %c0_i32_0 : i32, i32
  }
  func.func @transform_21(%arg0: i32) -> (i32, i32) {
    %c0_i32 = arith.constant 0 : i32
    %c0_i32_0 = arith.constant 0 : i32
    %c0_i32_1 = arith.constant 0 : i32
    return %c0_i32, %c0_i32_0 : i32, i32
  }
  func.func @transform_22(%arg0: i32) -> (i32, i32) {
    %c0_i32 = arith.constant 0 : i32
    %c0_i32_0 = arith.constant 0 : i32
    return %arg0, %c0_i32 : i32, i32
  }
  func.func @transform_23(%arg0: i32) -> (i32, i32) {
    %c0_i32 = arith.constant 0 : i32
    %c0_i32_0 = arith.constant 0 : i32
    return %arg0, %c0_i32 : i32, i32
  }
}

module attributes {stable_mosaic.version = 14 : i64} {
  func.func @_attn_upd_body(%arg0: i32, %arg1: memref<200x128xf32, #tpu.memory_space<vmem>>, %arg2: memref<6400x256xbf16, #tpu.memory_space<vmem>>, %arg3: memref<6400x8xf32, #tpu.memory_space<vmem>>, %arg4: memref<6400x8xf32, #tpu.memory_space<vmem>>, %arg5: memref<200x128xf32, #tpu.memory_space<vmem>>, %arg6: memref<200x1xf32, #tpu.memory_space<vmem>>, %arg7: memref<200x1xi32, #tpu.memory_space<vmem>>, %arg8: memref<200x1xi32, #tpu.memory_space<vmem>>, %arg9: memref<128x128xf32, #tpu.memory_space<vmem>>, %arg10: memref<128x8xf32, #tpu.memory_space<vmem>>, %arg11: memref<8x128xf32, #tpu.memory_space<vmem>>, %arg12: memref<1x128xf32, #tpu.memory_space<vmem>>, %arg13: memref<1x128xf32, #tpu.memory_space<vmem>>, %arg14: memref<128x1024xf32, #tpu.memory_space<vmem>>, %arg15: memref<200x128xf32, #tpu.memory_space<vmem>>, %arg16: memref<200x1024xf32, #tpu.memory_space<vmem>>, %arg17: memref<128x264xf32, #tpu.memory_space<vmem>>, %arg18: memref<512x264xf32, #tpu.memory_space<vmem>>) attributes {dimension_semantics = [#tpu.dimension_semantics<arbitrary>], iteration_bounds = array<i64: 50>, scalar_prefetch = 0 : i64, scratch_operands = 0 : i64, tpu.core_type = #tpu.core_type<tc>, window_params = [{transform_indices = @transform_0, window_bounds = array<i64: 200, 128>}, {transform_indices = @transform_1, window_bounds = array<i64: 6400, 256>}, {transform_indices = @transform_2, window_bounds = array<i64: 6400, 8>}, {transform_indices = @transform_3, window_bounds = array<i64: 6400, 8>}, {transform_indices = @transform_4, window_bounds = array<i64: 200, 128>}, {transform_indices = @transform_5, window_bounds = array<i64: 200, 1>}, {transform_indices = @transform_6, window_bounds = array<i64: 200, 1>}, {transform_indices = @transform_7, window_bounds = array<i64: 200, 1>}, {pipeline_mode = #tpu.pipeline_mode<synchronous>, transform_indices = @transform_8, window_bounds = array<i64: 128, 128>}, {pipeline_mode = #tpu.pipeline_mode<synchronous>, transform_indices = @transform_9, window_bounds = array<i64: 128, 8>}, {pipeline_mode = #tpu.pipeline_mode<synchronous>, transform_indices = @transform_10, window_bounds = array<i64: 8, 128>}, {pipeline_mode = #tpu.pipeline_mode<synchronous>, transform_indices = @transform_11, window_bounds = array<i64: 1, 128>}, {pipeline_mode = #tpu.pipeline_mode<synchronous>, transform_indices = @transform_12, window_bounds = array<i64: 1, 128>}, {pipeline_mode = #tpu.pipeline_mode<synchronous>, transform_indices = @transform_13, window_bounds = array<i64: 128, 1024>}, {transform_indices = @transform_14, window_bounds = array<i64: 200, 128>}, {transform_indices = @transform_15, window_bounds = array<i64: 200, 1024>}, {pipeline_mode = #tpu.pipeline_mode<synchronous>, transform_indices = @transform_16, window_bounds = array<i64: 128, 264>}, {pipeline_mode = #tpu.pipeline_mode<synchronous>, transform_indices = @transform_17, window_bounds = array<i64: 512, 264>}]} {
    %get3A = arith.constant 0 : index
    %get3A_0 = arith.constant 0 : index
    %get3A_1 = vector.load %arg1[%get3A, %get3A_0] : memref<200x128xf32, #tpu.memory_space<vmem>>, vector<200x128xf32>
    %broadcast_in_dim3A = vector.shape_cast %get3A_1 : vector<200x128xf32> to vector<200x1x128xf32>
    %broadcast_in_dim3A_2 = vector.shape_cast %broadcast_in_dim3A : vector<200x1x128xf32> to vector<200x1x128xf32>
    %broadcast_in_dim3A_3 = vector.broadcast %broadcast_in_dim3A_2 : vector<200x1x128xf32> to vector<200x32x128xf32>
    %reshape3A = vector.shape_cast %broadcast_in_dim3A_3 : vector<200x32x128xf32> to vector<6400x128xf32>
    %get3A_4 = arith.constant 0 : index
    %get3A_5 = arith.constant 0 : index
    %get3A_6 = vector.load %arg2[%get3A_4, %get3A_5] : memref<6400x256xbf16, #tpu.memory_space<vmem>>, vector<6400x128xbf16>
    %convert_element_type3A = arith.extf %get3A_6 : vector<6400x128xbf16> to vector<6400x128xf32>
    %get3A_7 = arith.constant 0 : index
    %get3A_8 = arith.constant 128 : index
    %get3A_9 = vector.load %arg2[%get3A_7, %get3A_8] : memref<6400x256xbf16, #tpu.memory_space<vmem>>, vector<6400x128xbf16>
    %convert_element_type3A_10 = arith.extf %get3A_9 : vector<6400x128xbf16> to vector<6400x128xf32>
    %mul3A = arith.mulf %reshape3A, %convert_element_type3A : vector<6400x128xf32>
    %get3A_11 = arith.constant 0 : index
    %get3A_12 = arith.constant 0 : index
    %get3A_13 = vector.load %arg10[%get3A_11, %get3A_12] : memref<128x8xf32, #tpu.memory_space<vmem>>, vector<128x8xf32>
    %dot_general3A = arith.constant dense<0.000000e+00> : vector<6400x8xf32>
    %dot_general3A_14 = tpu.matmul %mul3A, %get3A_13, %dot_general3A {dimension_numbers = #tpu.dot_dimension_numbers<[1], [0], [0], [1], [0, 0, 1, 1], [], []>, transpose_lhs_hint = false} : vector<6400x128xf32>, vector<128x8xf32>, vector<6400x8xf32> -> vector<6400x8xf32>
    %mul3A_15 = arith.constant 2.500000e-01 : f32
    %mul3A_16 = vector.broadcast %mul3A_15 : f32 to vector<6400x8xf32>
    %mul3A_17 = arith.mulf %dot_general3A_14, %mul3A_16 : vector<6400x8xf32>
    %get3A_18 = arith.constant 0 : index
    %get3A_19 = arith.constant 0 : index
    %get3A_20 = vector.load %arg3[%get3A_18, %get3A_19] : memref<6400x8xf32, #tpu.memory_space<vmem>>, vector<6400x8xf32>
    %add3A = arith.addf %mul3A_17, %get3A_20 : vector<6400x8xf32>
    %get3A_21 = arith.constant 0 : index
    %get3A_22 = arith.constant 0 : index
    %get3A_23 = vector.load %arg4[%get3A_21, %get3A_22] : memref<6400x8xf32, #tpu.memory_space<vmem>>, vector<6400x8xf32>
    %gt3A = arith.constant 0.000000e+00 : f32
    %gt3A_24 = vector.broadcast %gt3A : f32 to vector<6400x8xf32>
    %gt3A_25 = arith.cmpf ogt, %get3A_23, %gt3A_24 : vector<6400x8xf32>
    %jit3A = arith.constant -1.000000e+09 : f32
    %broadcast_in_dim3A_26 = vector.broadcast %jit3A : f32 to vector<6400x8xf32>
    %select_n3A = arith.select %gt3A_25, %add3A, %broadcast_in_dim3A_26 : vector<6400x8xi1>, vector<6400x8xf32>
    %reshape3A_27 = vector.shape_cast %select_n3A : vector<6400x8xf32> to vector<200x32x8xf32>
    %reduce_max3A = arith.constant dense<0xFF800000> : vector<200x8xf32>
    %reduce_max3A_28 = vector.multi_reduction <maximumf>, %reshape3A_27, %reduce_max3A [1] : vector<200x32x8xf32> to vector<200x8xf32>
    %broadcast_in_dim3A_29 = vector.shape_cast %reduce_max3A_28 : vector<200x8xf32> to vector<200x1x8xf32>
    %sub3A = vector.broadcast %broadcast_in_dim3A_29 : vector<200x1x8xf32> to vector<200x32x8xf32>
    %sub3A_30 = arith.subf %reshape3A_27, %sub3A : vector<200x32x8xf32>
    %exp3A = math.exp %sub3A_30 : vector<200x32x8xf32>
    %reduce_sum3A = arith.constant dense<0.000000e+00> : vector<200x8xf32>
    %reduce_sum3A_31 = vector.multi_reduction <add>, %exp3A, %reduce_sum3A [1] : vector<200x32x8xf32> to vector<200x8xf32>
    %broadcast_in_dim3A_32 = vector.shape_cast %reduce_sum3A_31 : vector<200x8xf32> to vector<200x1x8xf32>
    %div3A = vector.broadcast %broadcast_in_dim3A_32 : vector<200x1x8xf32> to vector<200x32x8xf32>
    %div3A_33 = arith.divf %exp3A, %div3A : vector<200x32x8xf32>
    %reshape3A_34 = vector.shape_cast %div3A_33 : vector<200x32x8xf32> to vector<6400x8xf32>
    %mul3A_35 = arith.mulf %reshape3A_34, %get3A_23 : vector<6400x8xf32>
    %get3A_36 = arith.constant 0 : index
    %get3A_37 = arith.constant 0 : index
    %get3A_38 = vector.load %arg11[%get3A_36, %get3A_37] : memref<8x128xf32, #tpu.memory_space<vmem>>, vector<8x128xf32>
    %dot_general3A_39 = arith.constant dense<0.000000e+00> : vector<6400x128xf32>
    %dot_general3A_40 = tpu.matmul %mul3A_35, %get3A_38, %dot_general3A_39 {dimension_numbers = #tpu.dot_dimension_numbers<[1], [0], [0], [1], [0, 0, 1, 1], [], []>, transpose_lhs_hint = false} : vector<6400x8xf32>, vector<8x128xf32>, vector<6400x128xf32> -> vector<6400x128xf32>
    %mul3A_41 = arith.mulf %dot_general3A_40, %convert_element_type3A_10 : vector<6400x128xf32>
    %reshape3A_42 = vector.shape_cast %mul3A_41 : vector<6400x128xf32> to vector<200x32x128xf32>
    %reduce_sum3A_43 = arith.constant dense<0.000000e+00> : vector<200x128xf32>
    %reduce_sum3A_44 = vector.multi_reduction <add>, %reshape3A_42, %reduce_sum3A_43 [1] : vector<200x32x128xf32> to vector<200x128xf32>
    %get3A_45 = arith.constant 0 : index
    %get3A_46 = arith.constant 0 : index
    %get3A_47 = vector.load %arg6[%get3A_45, %get3A_46] : memref<200x1xf32, #tpu.memory_space<vmem>>, vector<200x1xf32>
    %get3A_48 = arith.constant 0 : index
    %get3A_49 = arith.constant 0 : index
    %get3A_50 = vector.load %arg5[%get3A_48, %get3A_49] : memref<200x128xf32, #tpu.memory_space<vmem>>, vector<200x128xf32>
    %get3A_51 = arith.constant 0 : index
    %get3A_52 = arith.constant 0 : index
    %get3A_53 = vector.load %arg9[%get3A_51, %get3A_52] : memref<128x128xf32, #tpu.memory_space<vmem>>, vector<128x128xf32>
    %dot_general3A_54 = arith.constant dense<0.000000e+00> : vector<200x128xf32>
    %dot_general3A_55 = tpu.matmul %reduce_sum3A_44, %get3A_53, %dot_general3A_54 {dimension_numbers = #tpu.dot_dimension_numbers<[1], [0], [0], [1], [0, 0, 1, 1], [], []>, transpose_lhs_hint = false} : vector<200x128xf32>, vector<128x128xf32>, vector<200x128xf32> -> vector<200x128xf32>
    %mul3A_56 = vector.broadcast %get3A_47 : vector<200x1xf32> to vector<200x128xf32>
    %mul3A_57 = arith.mulf %dot_general3A_55, %mul3A_56 : vector<200x128xf32>
    %add3A_58 = arith.addf %get3A_50, %mul3A_57 : vector<200x128xf32>
    %swap3A = arith.constant 0 : index
    %swap3A_59 = arith.constant 0 : index
    %swap3A_60 = vector.load %arg15[%swap3A, %swap3A_59] : memref<200x128xf32, #tpu.memory_space<vmem>>, vector<200x128xf32>
    tpu.vector_store %arg15[%swap3A, %swap3A_59], %add3A_58 {strides = array<i32>} : memref<200x128xf32, #tpu.memory_space<vmem>>, vector<200x128xf32>,
    %get3A_61 = arith.constant 0 : index
    %get3A_62 = arith.constant 0 : index
    %get3A_63 = vector.load %arg12[%get3A_61, %get3A_62] : memref<1x128xf32, #tpu.memory_space<vmem>>, vector<1x128xf32>
    %get3A_64 = arith.constant 0 : index
    %get3A_65 = arith.constant 0 : index
    %get3A_66 = vector.load %arg13[%get3A_64, %get3A_65] : memref<1x128xf32, #tpu.memory_space<vmem>>, vector<1x128xf32>
    %reduce_sum3A_67 = arith.constant dense<0.000000e+00> : vector<200xf32>
    %reduce_sum3A_68 = vector.multi_reduction <add>, %add3A_58, %reduce_sum3A_67 [1] : vector<200x128xf32> to vector<200xf32>
    %broadcast_in_dim3A_69 = vector.shape_cast %reduce_sum3A_68 : vector<200xf32> to vector<200x1xf32>
    %div3A_70 = arith.constant 1.280000e+02 : f32
    %div3A_71 = vector.broadcast %div3A_70 : f32 to vector<200x1xf32>
    %div3A_72 = arith.divf %broadcast_in_dim3A_69, %div3A_71 : vector<200x1xf32>
    %jit3A_73 = arith.constant 0 : i32
    %reduce_sum3A_74 = arith.constant dense<0.000000e+00> : vector<200xf32>
    %reduce_sum3A_75 = vector.multi_reduction <add>, %add3A_58, %reduce_sum3A_74 [1] : vector<200x128xf32> to vector<200xf32>
    %broadcast_in_dim3A_76 = vector.shape_cast %reduce_sum3A_75 : vector<200xf32> to vector<200x1xf32>
    %div3A_77 = arith.constant 1.280000e+02 : f32
    %div3A_78 = vector.broadcast %div3A_77 : f32 to vector<200x1xf32>
    %div3A_79 = arith.divf %broadcast_in_dim3A_76, %div3A_78 : vector<200x1xf32>
    %sub3A_80 = vector.broadcast %div3A_79 : vector<200x1xf32> to vector<200x128xf32>
    %sub3A_81 = arith.subf %add3A_58, %sub3A_80 : vector<200x128xf32>
    %square3A = arith.mulf %sub3A_81, %sub3A_81 : vector<200x128xf32>
    %convert_element_type3A_82 = arith.sitofp %jit3A_73 : i32 to f32
    %sub3A_83 = arith.constant 1.280000e+02 : f32
    %sub3A_84 = arith.subf %sub3A_83, %convert_element_type3A_82 : f32
    %reduce_sum3A_85 = arith.constant dense<0.000000e+00> : vector<200xf32>
    %reduce_sum3A_86 = vector.multi_reduction <add>, %square3A, %reduce_sum3A_85 [1] : vector<200x128xf32> to vector<200xf32>
    %broadcast_in_dim3A_87 = vector.shape_cast %reduce_sum3A_86 : vector<200xf32> to vector<200x1xf32>
    %div3A_88 = vector.broadcast %sub3A_84 : f32 to vector<200x1xf32>
    %div3A_89 = arith.divf %broadcast_in_dim3A_87, %div3A_88 : vector<200x1xf32>
    %gt3A_90 = arith.constant 0.000000e+00 : f32
    %gt3A_91 = arith.cmpf ogt, %sub3A_84, %gt3A_90 : f32
    %jit3A_92 = arith.constant 0x7FC00000 : f32
    %broadcast_in_dim3A_93 = vector.broadcast %jit3A_92 : f32 to vector<200x1xf32>
    %select_n3A_94 = arith.select %gt3A_91, %div3A_89, %broadcast_in_dim3A_93 : vector<200x1xf32>
    %sub3A_95 = vector.broadcast %div3A_72 : vector<200x1xf32> to vector<200x128xf32>
    %sub3A_96 = arith.subf %add3A_58, %sub3A_95 : vector<200x128xf32>
    %add3A_97 = arith.constant 9.99999974E-6 : f32
    %add3A_98 = vector.broadcast %add3A_97 : f32 to vector<200x1xf32>
    %add3A_99 = arith.addf %select_n3A_94, %add3A_98 : vector<200x1xf32>
    %sqrt3A = math.sqrt %add3A_99 : vector<200x1xf32>
    %div3A_100 = vector.broadcast %sqrt3A : vector<200x1xf32> to vector<200x128xf32>
    %div3A_101 = arith.divf %sub3A_96, %div3A_100 : vector<200x128xf32>
    %mul3A_102 = vector.broadcast %get3A_63 : vector<1x128xf32> to vector<200x128xf32>
    %mul3A_103 = arith.mulf %div3A_101, %mul3A_102 : vector<200x128xf32>
    %add3A_104 = vector.broadcast %get3A_66 : vector<1x128xf32> to vector<200x128xf32>
    %add3A_105 = arith.addf %mul3A_103, %add3A_104 : vector<200x128xf32>
    %get3A_106 = arith.constant 0 : index
    %get3A_107 = arith.constant 0 : index
    %get3A_108 = vector.load %arg14[%get3A_106, %get3A_107] : memref<128x1024xf32, #tpu.memory_space<vmem>>, vector<128x1024xf32>
    %dot_general3A_109 = arith.constant dense<0.000000e+00> : vector<200x1024xf32>
    %dot_general3A_110 = tpu.matmul %add3A_105, %get3A_108, %dot_general3A_109 {dimension_numbers = #tpu.dot_dimension_numbers<[1], [0], [0], [1], [0, 0, 1, 1], [], []>, transpose_lhs_hint = false} : vector<200x128xf32>, vector<128x1024xf32>, vector<200x1024xf32> -> vector<200x1024xf32>
    %slice3A = vector.extract_strided_slice %dot_general3A_110 {offsets = [0, 0], sizes = [200, 256], strides = [1, 1]} : vector<200x1024xf32> to vector<200x256xf32>
    %slice3A_111 = vector.extract_strided_slice %dot_general3A_110 {offsets = [0, 256], sizes = [200, 768], strides = [1, 1]} : vector<200x1024xf32> to vector<200x768xf32>
    %integer_pow3A = arith.mulf %slice3A_111, %slice3A_111 : vector<200x768xf32>
    %integer_pow3A_112 = arith.mulf %slice3A_111, %integer_pow3A : vector<200x768xf32>
    %mul3A_113 = arith.constant 4.471500e-02 : f32
    %mul3A_114 = vector.broadcast %mul3A_113 : f32 to vector<200x768xf32>
    %mul3A_115 = arith.mulf %mul3A_114, %integer_pow3A_112 : vector<200x768xf32>
    %add3A_116 = arith.addf %slice3A_111, %mul3A_115 : vector<200x768xf32>
    %mul3A_117 = arith.constant 0.797884583 : f32
    %mul3A_118 = vector.broadcast %mul3A_117 : f32 to vector<200x768xf32>
    %mul3A_119 = arith.mulf %mul3A_118, %add3A_116 : vector<200x768xf32>
    %tanh3A = math.tanh %mul3A_119 : vector<200x768xf32>
    %add3A_120 = arith.constant 1.000000e+00 : f32
    %add3A_121 = vector.broadcast %add3A_120 : f32 to vector<200x768xf32>
    %add3A_122 = arith.addf %add3A_121, %tanh3A : vector<200x768xf32>
    %mul3A_123 = arith.constant 5.000000e-01 : f32
    %mul3A_124 = vector.broadcast %mul3A_123 : f32 to vector<200x768xf32>
    %mul3A_125 = arith.mulf %mul3A_124, %add3A_122 : vector<200x768xf32>
    %mul3A_126 = arith.mulf %slice3A_111, %mul3A_125 : vector<200x768xf32>
    %concatenate3A = tpu.concatenate %slice3A, %mul3A_126 in 1 : vector<200x256xf32>, vector<200x768xf32> -> vector<200x1024xf32>
    %swap3A_127 = arith.constant 0 : index
    %swap3A_128 = arith.constant 0 : index
    %swap3A_129 = vector.load %arg16[%swap3A_127, %swap3A_128] : memref<200x1024xf32, #tpu.memory_space<vmem>>, vector<200x1024xf32>
    tpu.vector_store %arg16[%swap3A_127, %swap3A_128], %concatenate3A {strides = array<i32>} : memref<200x1024xf32, #tpu.memory_space<vmem>>, vector<200x1024xf32>,
    %mul3A_130 = vector.broadcast %get3A_47 : vector<200x1xf32> to vector<200x256xf32>
    %mul3A_131 = arith.mulf %slice3A, %mul3A_130 : vector<200x256xf32>
    %broadcast_in_dim3A_132 = vector.shape_cast %get3A_47 : vector<200x1xf32> to vector<200x1xf32>
    %broadcast_in_dim3A_133 = vector.broadcast %broadcast_in_dim3A_132 : vector<200x1xf32> to vector<200x8xf32>
    %concatenate3A_134 = tpu.concatenate %mul3A_131, %broadcast_in_dim3A_133 in 1 : vector<200x256xf32>, vector<200x8xf32> -> vector<200x264xf32>
    %get3A_135 = arith.constant 0 : index
    %get3A_136 = arith.constant 0 : index
    %get3A_137 = vector.load %arg8[%get3A_135, %get3A_136] : memref<200x1xi32, #tpu.memory_space<vmem>>, vector<200x1xi32>
    %iota3A = tpu.iota {dimensions = array<i32: 1>} : vector<1x128xi32>
    %eq3A = vector.broadcast %get3A_137 : vector<200x1xi32> to vector<200x128xi32>
    %eq3A_138 = vector.broadcast %iota3A : vector<1x128xi32> to vector<200x128xi32>
    %eq3A_139 = arith.cmpi eq, %eq3A, %eq3A_138 : vector<200x128xi32>
    %convert_element_type3A_140 = arith.extui %eq3A_139 : vector<200x128xi1> to vector<200x128xi32>
    %convert_element_type3A_141 = arith.sitofp %convert_element_type3A_140 : vector<200x128xi32> to vector<200x128xf32>
    %get3A_142 = arith.constant 0 : index
    %get3A_143 = arith.constant 0 : index
    %get3A_144 = vector.load %arg7[%get3A_142, %get3A_143] : memref<200x1xi32, #tpu.memory_space<vmem>>, vector<200x1xi32>
    %iota3A_145 = tpu.iota {dimensions = array<i32: 1>} : vector<1x512xi32>
    %eq3A_146 = vector.broadcast %get3A_144 : vector<200x1xi32> to vector<200x512xi32>
    %eq3A_147 = vector.broadcast %iota3A_145 : vector<1x512xi32> to vector<200x512xi32>
    %eq3A_148 = arith.cmpi eq, %eq3A_146, %eq3A_147 : vector<200x512xi32>
    %convert_element_type3A_149 = arith.extui %eq3A_148 : vector<200x512xi1> to vector<200x512xi32>
    %convert_element_type3A_150 = arith.sitofp %convert_element_type3A_149 : vector<200x512xi32> to vector<200x512xf32>
    %dot_general3A_151 = arith.constant dense<0.000000e+00> : vector<128x264xf32>
    %dot_general3A_152 = tpu.matmul %convert_element_type3A_141, %concatenate3A_134, %dot_general3A_151 {dimension_numbers = #tpu.dot_dimension_numbers<[0], [0], [1], [1], [0, 1, 1, 1], [], []>, transpose_lhs_hint = false} : vector<200x128xf32>, vector<200x264xf32>, vector<128x264xf32> -> vector<128x264xf32>
    %dot_general3A_153 = arith.constant dense<0.000000e+00> : vector<512x264xf32>
    %dot_general3A_154 = tpu.matmul %convert_element_type3A_150, %concatenate3A_134, %dot_general3A_153 {dimension_numbers = #tpu.dot_dimension_numbers<[0], [0], [1], [1], [0, 1, 1, 1], [], []>, transpose_lhs_hint = false} : vector<200x512xf32>, vector<200x264xf32>, vector<512x264xf32> -> vector<512x264xf32>
    %eq3A_155 = arith.constant 0 : i32
    %eq3A_156 = arith.cmpi eq, %arg0, %eq3A_155 : i32
    %convert_element_type3A_157 = arith.extui %eq3A_156 : i1 to i32
    %cond3A = arith.constant 0 : i32
    %cond3A_158 = arith.cmpi ne, %convert_element_type3A_157, %cond3A : i32
    scf.if %cond3A_158 {
      %broadcast_in_dim3A_173 = arith.constant 0.000000e+00 : f32
      %broadcast_in_dim3A_174 = vector.broadcast %broadcast_in_dim3A_173 : f32 to vector<128x264xf32>
      %swap3A_175 = arith.constant 0 : index
      %swap3A_176 = arith.constant 0 : index
      %swap3A_177 = vector.load %arg17[%swap3A_175, %swap3A_176] : memref<128x264xf32, #tpu.memory_space<vmem>>, vector<128x264xf32>
      tpu.vector_store %arg17[%swap3A_175, %swap3A_176], %broadcast_in_dim3A_174 {strides = array<i32>} : memref<128x264xf32, #tpu.memory_space<vmem>>, vector<128x264xf32>,
      %broadcast_in_dim3A_178 = arith.constant 0.000000e+00 : f32
      %broadcast_in_dim3A_179 = vector.broadcast %broadcast_in_dim3A_178 : f32 to vector<512x264xf32>
      %swap3A_180 = arith.constant 0 : index
      %swap3A_181 = arith.constant 0 : index
      %swap3A_182 = vector.load %arg18[%swap3A_180, %swap3A_181] : memref<512x264xf32, #tpu.memory_space<vmem>>, vector<512x264xf32>
      tpu.vector_store %arg18[%swap3A_180, %swap3A_181], %broadcast_in_dim3A_179 {strides = array<i32>} : memref<512x264xf32, #tpu.memory_space<vmem>>, vector<512x264xf32>,
    } else {
    }
    %get3A_159 = arith.constant 0 : index
    %get3A_160 = arith.constant 0 : index
    %get3A_161 = vector.load %arg17[%get3A_159, %get3A_160] : memref<128x264xf32, #tpu.memory_space<vmem>>, vector<128x264xf32>
    %add3A_162 = arith.addf %get3A_161, %dot_general3A_152 : vector<128x264xf32>
    %swap3A_163 = arith.constant 0 : index
    %swap3A_164 = arith.constant 0 : index
    %swap3A_165 = vector.load %arg17[%swap3A_163, %swap3A_164] : memref<128x264xf32, #tpu.memory_space<vmem>>, vector<128x264xf32>
    tpu.vector_store %arg17[%swap3A_163, %swap3A_164], %add3A_162 {strides = array<i32>} : memref<128x264xf32, #tpu.memory_space<vmem>>, vector<128x264xf32>,
    %get3A_166 = arith.constant 0 : index
    %get3A_167 = arith.constant 0 : index
    %get3A_168 = vector.load %arg18[%get3A_166, %get3A_167] : memref<512x264xf32, #tpu.memory_space<vmem>>, vector<512x264xf32>
    %add3A_169 = arith.addf %get3A_168, %dot_general3A_154 : vector<512x264xf32>
    %swap3A_170 = arith.constant 0 : index
    %swap3A_171 = arith.constant 0 : index
    %swap3A_172 = vector.load %arg18[%swap3A_170, %swap3A_171] : memref<512x264xf32, #tpu.memory_space<vmem>>, vector<512x264xf32>
    tpu.vector_store %arg18[%swap3A_170, %swap3A_171], %add3A_169 {strides = array<i32>} : memref<512x264xf32, #tpu.memory_space<vmem>>, vector<512x264xf32>,
    return
  }
  func.func @transform_0(%arg0: i32) -> (i32, i32) {
    %c0_i32 = arith.constant 0 : i32
    %c0_i32_0 = arith.constant 0 : i32
    return %arg0, %c0_i32 : i32, i32
  }
  func.func @transform_1(%arg0: i32) -> (i32, i32) {
    %c0_i32 = arith.constant 0 : i32
    %c0_i32_0 = arith.constant 0 : i32
    return %arg0, %c0_i32 : i32, i32
  }
  func.func @transform_2(%arg0: i32) -> (i32, i32) {
    %c0_i32 = arith.constant 0 : i32
    %c0_i32_0 = arith.constant 0 : i32
    return %arg0, %c0_i32 : i32, i32
  }
  func.func @transform_3(%arg0: i32) -> (i32, i32) {
    %c0_i32 = arith.constant 0 : i32
    %c0_i32_0 = arith.constant 0 : i32
    return %arg0, %c0_i32 : i32, i32
  }
  func.func @transform_4(%arg0: i32) -> (i32, i32) {
    %c0_i32 = arith.constant 0 : i32
    %c0_i32_0 = arith.constant 0 : i32
    return %arg0, %c0_i32 : i32, i32
  }
  func.func @transform_5(%arg0: i32) -> (i32, i32) {
    %c0_i32 = arith.constant 0 : i32
    %c0_i32_0 = arith.constant 0 : i32
    return %arg0, %c0_i32 : i32, i32
  }
  func.func @transform_6(%arg0: i32) -> (i32, i32) {
    %c0_i32 = arith.constant 0 : i32
    %c0_i32_0 = arith.constant 0 : i32
    return %arg0, %c0_i32 : i32, i32
  }
  func.func @transform_7(%arg0: i32) -> (i32, i32) {
    %c0_i32 = arith.constant 0 : i32
    %c0_i32_0 = arith.constant 0 : i32
    return %arg0, %c0_i32 : i32, i32
  }
  func.func @transform_8(%arg0: i32) -> (i32, i32) {
    %c0_i32 = arith.constant 0 : i32
    %c0_i32_0 = arith.constant 0 : i32
    %c0_i32_1 = arith.constant 0 : i32
    return %c0_i32, %c0_i32_0 : i32, i32
  }
  func.func @transform_9(%arg0: i32) -> (i32, i32) {
    %c0_i32 = arith.constant 0 : i32
    %c0_i32_0 = arith.constant 0 : i32
    %c0_i32_1 = arith.constant 0 : i32
    return %c0_i32, %c0_i32_0 : i32, i32
  }
  func.func @transform_10(%arg0: i32) -> (i32, i32) {
    %c0_i32 = arith.constant 0 : i32
    %c0_i32_0 = arith.constant 0 : i32
    %c0_i32_1 = arith.constant 0 : i32
    return %c0_i32, %c0_i32_0 : i32, i32
  }
  func.func @transform_11(%arg0: i32) -> (i32, i32) {
    %c0_i32 = arith.constant 0 : i32
    %c0_i32_0 = arith.constant 0 : i32
    %c0_i32_1 = arith.constant 0 : i32
    return %c0_i32, %c0_i32_0 : i32, i32
  }
  func.func @transform_12(%arg0: i32) -> (i32, i32) {
    %c0_i32 = arith.constant 0 : i32
    %c0_i32_0 = arith.constant 0 : i32
    %c0_i32_1 = arith.constant 0 : i32
    return %c0_i32, %c0_i32_0 : i32, i32
  }
  func.func @transform_13(%arg0: i32) -> (i32, i32) {
    %c0_i32 = arith.constant 0 : i32
    %c0_i32_0 = arith.constant 0 : i32
    %c0_i32_1 = arith.constant 0 : i32
    return %c0_i32, %c0_i32_0 : i32, i32
  }
  func.func @transform_14(%arg0: i32) -> (i32, i32) {
    %c0_i32 = arith.constant 0 : i32
    %c0_i32_0 = arith.constant 0 : i32
    return %arg0, %c0_i32 : i32, i32
  }
  func.func @transform_15(%arg0: i32) -> (i32, i32) {
    %c0_i32 = arith.constant 0 : i32
    %c0_i32_0 = arith.constant 0 : i32
    return %arg0, %c0_i32 : i32, i32
  }
  func.func @transform_16(%arg0: i32) -> (i32, i32) {
    %c0_i32 = arith.constant 0 : i32
    %c0_i32_0 = arith.constant 0 : i32
    %c0_i32_1 = arith.constant 0 : i32
    return %c0_i32, %c0_i32_0 : i32, i32
  }
  func.func @transform_17(%arg0: i32) -> (i32, i32) {
    %c0_i32 = arith.constant 0 : i32
    %c0_i32_0 = arith.constant 0 : i32
    %c0_i32_1 = arith.constant 0 : i32
    return %c0_i32, %c0_i32_0 : i32, i32
  }
}

module attributes {stable_mosaic.version = 14 : i64} {
  func.func @_mix_qkv_body(%arg0: i32, %arg1: memref<400x128xf32, #tpu.memory_space<vmem>>, %arg2: memref<400x1024xf32, #tpu.memory_space<vmem>>, %arg3: memref<400x1xi32, #tpu.memory_space<vmem>>, %arg4: memref<400x1xi32, #tpu.memory_space<vmem>>, %arg5: memref<400x1xf32, #tpu.memory_space<vmem>>, %arg6: memref<128x264xf32, #tpu.memory_space<vmem>>, %arg7: memref<512x264xf32, #tpu.memory_space<vmem>>, %arg8: memref<256x128xf32, #tpu.memory_space<vmem>>, %arg9: memref<1x128xf32, #tpu.memory_space<vmem>>, %arg10: memref<1x128xf32, #tpu.memory_space<vmem>>, %arg11: memref<128x384xf32, #tpu.memory_space<vmem>>, %arg12: memref<400x128xf32, #tpu.memory_space<vmem>>, %arg13: memref<400x128xf32, #tpu.memory_space<vmem>>, %arg14: memref<400x256xbf16, #tpu.memory_space<vmem>>) attributes {dimension_semantics = [#tpu.dimension_semantics<arbitrary>], iteration_bounds = array<i64: 25>, scalar_prefetch = 0 : i64, scratch_operands = 0 : i64, tpu.core_type = #tpu.core_type<tc>, window_params = [{transform_indices = @transform_0, window_bounds = array<i64: 400, 128>}, {transform_indices = @transform_1, window_bounds = array<i64: 400, 1024>}, {transform_indices = @transform_2, window_bounds = array<i64: 400, 1>}, {transform_indices = @transform_3, window_bounds = array<i64: 400, 1>}, {transform_indices = @transform_4, window_bounds = array<i64: 400, 1>}, {pipeline_mode = #tpu.pipeline_mode<synchronous>, transform_indices = @transform_5, window_bounds = array<i64: 128, 264>}, {pipeline_mode = #tpu.pipeline_mode<synchronous>, transform_indices = @transform_6, window_bounds = array<i64: 512, 264>}, {pipeline_mode = #tpu.pipeline_mode<synchronous>, transform_indices = @transform_7, window_bounds = array<i64: 256, 128>}, {pipeline_mode = #tpu.pipeline_mode<synchronous>, transform_indices = @transform_8, window_bounds = array<i64: 1, 128>}, {pipeline_mode = #tpu.pipeline_mode<synchronous>, transform_indices = @transform_9, window_bounds = array<i64: 1, 128>}, {pipeline_mode = #tpu.pipeline_mode<synchronous>, transform_indices = @transform_10, window_bounds = array<i64: 128, 384>}, {transform_indices = @transform_11, window_bounds = array<i64: 400, 128>}, {transform_indices = @transform_12, window_bounds = array<i64: 400, 128>}, {transform_indices = @transform_13, window_bounds = array<i64: 400, 256>}]} {
    %get3A = arith.constant 0 : index
    %get3A_0 = arith.constant 0 : index
    %get3A_1 = vector.load %arg2[%get3A, %get3A_0] : memref<400x1024xf32, #tpu.memory_space<vmem>>, vector<400x1024xf32>
    %slice3A = vector.extract_strided_slice %get3A_1 {offsets = [0, 0], sizes = [400, 256], strides = [1, 1]} : vector<400x1024xf32> to vector<400x256xf32>
    %slice3A_2 = vector.extract_strided_slice %get3A_1 {offsets = [0, 256], sizes = [400, 256], strides = [1, 1]} : vector<400x1024xf32> to vector<400x256xf32>
    %slice3A_3 = vector.extract_strided_slice %get3A_1 {offsets = [0, 512], sizes = [400, 256], strides = [1, 1]} : vector<400x1024xf32> to vector<400x256xf32>
    %slice3A_4 = vector.extract_strided_slice %get3A_1 {offsets = [0, 768], sizes = [400, 256], strides = [1, 1]} : vector<400x1024xf32> to vector<400x256xf32>
    %get3A_5 = arith.constant 0 : index
    %get3A_6 = arith.constant 0 : index
    %get3A_7 = vector.load %arg6[%get3A_5, %get3A_6] : memref<128x264xf32, #tpu.memory_space<vmem>>, vector<128x264xf32>
    %get3A_8 = arith.constant 0 : index
    %get3A_9 = arith.constant 0 : index
    %get3A_10 = vector.load %arg7[%get3A_8, %get3A_9] : memref<512x264xf32, #tpu.memory_space<vmem>>, vector<512x264xf32>
    %slice3A_11 = vector.extract_strided_slice %get3A_7 {offsets = [0, 0], sizes = [128, 256], strides = [1, 1]} : vector<128x264xf32> to vector<128x256xf32>
    %slice3A_12 = vector.extract_strided_slice %get3A_7 {offsets = [0, 256], sizes = [128, 1], strides = [1, 1]} : vector<128x264xf32> to vector<128x1xf32>
    %max3A = arith.constant 1.000000e+00 : f32
    %max3A_13 = vector.broadcast %max3A : f32 to vector<128x1xf32>
    %max3A_14 = arith.maximumf %slice3A_12, %max3A_13 : vector<128x1xf32>
    %div3A = vector.broadcast %max3A_14 : vector<128x1xf32> to vector<128x256xf32>
    %div3A_15 = arith.divf %slice3A_11, %div3A : vector<128x256xf32>
    %slice3A_16 = vector.extract_strided_slice %get3A_10 {offsets = [0, 0], sizes = [512, 256], strides = [1, 1]} : vector<512x264xf32> to vector<512x256xf32>
    %slice3A_17 = vector.extract_strided_slice %get3A_10 {offsets = [0, 256], sizes = [512, 1], strides = [1, 1]} : vector<512x264xf32> to vector<512x1xf32>
    %max3A_18 = arith.constant 1.000000e+00 : f32
    %max3A_19 = vector.broadcast %max3A_18 : f32 to vector<512x1xf32>
    %max3A_20 = arith.maximumf %slice3A_17, %max3A_19 : vector<512x1xf32>
    %div3A_21 = vector.broadcast %max3A_20 : vector<512x1xf32> to vector<512x256xf32>
    %div3A_22 = arith.divf %slice3A_16, %div3A_21 : vector<512x256xf32>
    %get3A_23 = arith.constant 0 : index
    %get3A_24 = arith.constant 0 : index
    %get3A_25 = vector.load %arg4[%get3A_23, %get3A_24] : memref<400x1xi32, #tpu.memory_space<vmem>>, vector<400x1xi32>
    %iota3A = tpu.iota {dimensions = array<i32: 1>} : vector<1x128xi32>
    %eq3A = vector.broadcast %get3A_25 : vector<400x1xi32> to vector<400x128xi32>
    %eq3A_26 = vector.broadcast %iota3A : vector<1x128xi32> to vector<400x128xi32>
    %eq3A_27 = arith.cmpi eq, %eq3A, %eq3A_26 : vector<400x128xi32>
    %convert_element_type3A = arith.extui %eq3A_27 : vector<400x128xi1> to vector<400x128xi32>
    %convert_element_type3A_28 = arith.sitofp %convert_element_type3A : vector<400x128xi32> to vector<400x128xf32>
    %get3A_29 = arith.constant 0 : index
    %get3A_30 = arith.constant 0 : index
    %get3A_31 = vector.load %arg3[%get3A_29, %get3A_30] : memref<400x1xi32, #tpu.memory_space<vmem>>, vector<400x1xi32>
    %iota3A_32 = tpu.iota {dimensions = array<i32: 1>} : vector<1x512xi32>
    %eq3A_33 = vector.broadcast %get3A_31 : vector<400x1xi32> to vector<400x512xi32>
    %eq3A_34 = vector.broadcast %iota3A_32 : vector<1x512xi32> to vector<400x512xi32>
    %eq3A_35 = arith.cmpi eq, %eq3A_33, %eq3A_34 : vector<400x512xi32>
    %convert_element_type3A_36 = arith.extui %eq3A_35 : vector<400x512xi1> to vector<400x512xi32>
    %convert_element_type3A_37 = arith.sitofp %convert_element_type3A_36 : vector<400x512xi32> to vector<400x512xf32>
    %dot_general3A = arith.constant dense<0.000000e+00> : vector<400x256xf32>
    %dot_general3A_38 = tpu.matmul %convert_element_type3A_28, %div3A_15, %dot_general3A {dimension_numbers = #tpu.dot_dimension_numbers<[1], [0], [0], [1], [0, 0, 1, 1], [], []>, transpose_lhs_hint = false} : vector<400x128xf32>, vector<128x256xf32>, vector<400x256xf32> -> vector<400x256xf32>
    %mul3A = arith.mulf %slice3A_4, %dot_general3A_38 : vector<400x256xf32>
    %dot_general3A_39 = arith.constant dense<0.000000e+00> : vector<400x256xf32>
    %dot_general3A_40 = tpu.matmul %convert_element_type3A_37, %div3A_22, %dot_general3A_39 {dimension_numbers = #tpu.dot_dimension_numbers<[1], [0], [0], [1], [0, 0, 1, 1], [], []>, transpose_lhs_hint = false} : vector<400x512xf32>, vector<512x256xf32>, vector<400x256xf32> -> vector<400x256xf32>
    %mul3A_41 = arith.mulf %slice3A_3, %dot_general3A_40 : vector<400x256xf32>
    %add3A = arith.addf %mul3A, %mul3A_41 : vector<400x256xf32>
    %mul3A_42 = arith.mulf %slice3A_2, %slice3A : vector<400x256xf32>
    %add3A_43 = arith.addf %add3A, %mul3A_42 : vector<400x256xf32>
    %get3A_44 = arith.constant 0 : index
    %get3A_45 = arith.constant 0 : index
    %get3A_46 = vector.load %arg1[%get3A_44, %get3A_45] : memref<400x128xf32, #tpu.memory_space<vmem>>, vector<400x128xf32>
    %get3A_47 = arith.constant 0 : index
    %get3A_48 = arith.constant 0 : index
    %get3A_49 = vector.load %arg8[%get3A_47, %get3A_48] : memref<256x128xf32, #tpu.memory_space<vmem>>, vector<256x128xf32>
    %dot_general3A_50 = arith.constant dense<0.000000e+00> : vector<400x128xf32>
    %dot_general3A_51 = tpu.matmul %add3A_43, %get3A_49, %dot_general3A_50 {dimension_numbers = #tpu.dot_dimension_numbers<[1], [0], [0], [1], [0, 0, 1, 1], [], []>, transpose_lhs_hint = false} : vector<400x256xf32>, vector<256x128xf32>, vector<400x128xf32> -> vector<400x128xf32>
    %get3A_52 = arith.constant 0 : index
    %get3A_53 = arith.constant 0 : index
    %get3A_54 = vector.load %arg5[%get3A_52, %get3A_53] : memref<400x1xf32, #tpu.memory_space<vmem>>, vector<400x1xf32>
    %mul3A_55 = vector.broadcast %get3A_54 : vector<400x1xf32> to vector<400x128xf32>
    %mul3A_56 = arith.mulf %dot_general3A_51, %mul3A_55 : vector<400x128xf32>
    %add3A_57 = arith.addf %get3A_46, %mul3A_56 : vector<400x128xf32>
    %swap3A = arith.constant 0 : index
    %swap3A_58 = arith.constant 0 : index
    %swap3A_59 = vector.load %arg12[%swap3A, %swap3A_58] : memref<400x128xf32, #tpu.memory_space<vmem>>, vector<400x128xf32>
    tpu.vector_store %arg12[%swap3A, %swap3A_58], %add3A_57 {strides = array<i32>} : memref<400x128xf32, #tpu.memory_space<vmem>>, vector<400x128xf32>,
    %get3A_60 = arith.constant 0 : index
    %get3A_61 = arith.constant 0 : index
    %get3A_62 = vector.load %arg9[%get3A_60, %get3A_61] : memref<1x128xf32, #tpu.memory_space<vmem>>, vector<1x128xf32>
    %get3A_63 = arith.constant 0 : index
    %get3A_64 = arith.constant 0 : index
    %get3A_65 = vector.load %arg10[%get3A_63, %get3A_64] : memref<1x128xf32, #tpu.memory_space<vmem>>, vector<1x128xf32>
    %reduce_sum3A = arith.constant dense<0.000000e+00> : vector<400xf32>
    %reduce_sum3A_66 = vector.multi_reduction <add>, %add3A_57, %reduce_sum3A [1] : vector<400x128xf32> to vector<400xf32>
    %broadcast_in_dim3A = vector.shape_cast %reduce_sum3A_66 : vector<400xf32> to vector<400x1xf32>
    %div3A_67 = arith.constant 1.280000e+02 : f32
    %div3A_68 = vector.broadcast %div3A_67 : f32 to vector<400x1xf32>
    %div3A_69 = arith.divf %broadcast_in_dim3A, %div3A_68 : vector<400x1xf32>
    %jit3A = arith.constant 0 : i32
    %reduce_sum3A_70 = arith.constant dense<0.000000e+00> : vector<400xf32>
    %reduce_sum3A_71 = vector.multi_reduction <add>, %add3A_57, %reduce_sum3A_70 [1] : vector<400x128xf32> to vector<400xf32>
    %broadcast_in_dim3A_72 = vector.shape_cast %reduce_sum3A_71 : vector<400xf32> to vector<400x1xf32>
    %div3A_73 = arith.constant 1.280000e+02 : f32
    %div3A_74 = vector.broadcast %div3A_73 : f32 to vector<400x1xf32>
    %div3A_75 = arith.divf %broadcast_in_dim3A_72, %div3A_74 : vector<400x1xf32>
    %sub3A = vector.broadcast %div3A_75 : vector<400x1xf32> to vector<400x128xf32>
    %sub3A_76 = arith.subf %add3A_57, %sub3A : vector<400x128xf32>
    %square3A = arith.mulf %sub3A_76, %sub3A_76 : vector<400x128xf32>
    %convert_element_type3A_77 = arith.sitofp %jit3A : i32 to f32
    %sub3A_78 = arith.constant 1.280000e+02 : f32
    %sub3A_79 = arith.subf %sub3A_78, %convert_element_type3A_77 : f32
    %reduce_sum3A_80 = arith.constant dense<0.000000e+00> : vector<400xf32>
    %reduce_sum3A_81 = vector.multi_reduction <add>, %square3A, %reduce_sum3A_80 [1] : vector<400x128xf32> to vector<400xf32>
    %broadcast_in_dim3A_82 = vector.shape_cast %reduce_sum3A_81 : vector<400xf32> to vector<400x1xf32>
    %div3A_83 = vector.broadcast %sub3A_79 : f32 to vector<400x1xf32>
    %div3A_84 = arith.divf %broadcast_in_dim3A_82, %div3A_83 : vector<400x1xf32>
    %gt3A = arith.constant 0.000000e+00 : f32
    %gt3A_85 = arith.cmpf ogt, %sub3A_79, %gt3A : f32
    %jit3A_86 = arith.constant 0x7FC00000 : f32
    %broadcast_in_dim3A_87 = vector.broadcast %jit3A_86 : f32 to vector<400x1xf32>
    %select_n3A = arith.select %gt3A_85, %div3A_84, %broadcast_in_dim3A_87 : vector<400x1xf32>
    %sub3A_88 = vector.broadcast %div3A_69 : vector<400x1xf32> to vector<400x128xf32>
    %sub3A_89 = arith.subf %add3A_57, %sub3A_88 : vector<400x128xf32>
    %add3A_90 = arith.constant 9.99999974E-6 : f32
    %add3A_91 = vector.broadcast %add3A_90 : f32 to vector<400x1xf32>
    %add3A_92 = arith.addf %select_n3A, %add3A_91 : vector<400x1xf32>
    %sqrt3A = math.sqrt %add3A_92 : vector<400x1xf32>
    %div3A_93 = vector.broadcast %sqrt3A : vector<400x1xf32> to vector<400x128xf32>
    %div3A_94 = arith.divf %sub3A_89, %div3A_93 : vector<400x128xf32>
    %mul3A_95 = vector.broadcast %get3A_62 : vector<1x128xf32> to vector<400x128xf32>
    %mul3A_96 = arith.mulf %div3A_94, %mul3A_95 : vector<400x128xf32>
    %add3A_97 = vector.broadcast %get3A_65 : vector<1x128xf32> to vector<400x128xf32>
    %add3A_98 = arith.addf %mul3A_96, %add3A_97 : vector<400x128xf32>
    %get3A_99 = arith.constant 0 : index
    %get3A_100 = arith.constant 0 : index
    %get3A_101 = vector.load %arg11[%get3A_99, %get3A_100] : memref<128x384xf32, #tpu.memory_space<vmem>>, vector<128x384xf32>
    %dot_general3A_102 = arith.constant dense<0.000000e+00> : vector<400x384xf32>
    %dot_general3A_103 = tpu.matmul %add3A_98, %get3A_101, %dot_general3A_102 {dimension_numbers = #tpu.dot_dimension_numbers<[1], [0], [0], [1], [0, 0, 1, 1], [], []>, transpose_lhs_hint = false} : vector<400x128xf32>, vector<128x384xf32>, vector<400x384xf32> -> vector<400x384xf32>
    %slice3A_104 = vector.extract_strided_slice %dot_general3A_103 {offsets = [0, 0], sizes = [400, 128], strides = [1, 1]} : vector<400x384xf32> to vector<400x128xf32>
    %swap3A_105 = arith.constant 0 : index
    %swap3A_106 = arith.constant 0 : index
    %swap3A_107 = vector.load %arg13[%swap3A_105, %swap3A_106] : memref<400x128xf32, #tpu.memory_space<vmem>>, vector<400x128xf32>
    tpu.vector_store %arg13[%swap3A_105, %swap3A_106], %slice3A_104 {strides = array<i32>} : memref<400x128xf32, #tpu.memory_space<vmem>>, vector<400x128xf32>,
    %slice3A_108 = vector.extract_strided_slice %dot_general3A_103 {offsets = [0, 128], sizes = [400, 256], strides = [1, 1]} : vector<400x384xf32> to vector<400x256xf32>
    %convert_element_type3A_109 = arith.truncf %slice3A_108 : vector<400x256xf32> to vector<400x256xbf16>
    %swap3A_110 = arith.constant 0 : index
    %swap3A_111 = arith.constant 0 : index
    %swap3A_112 = vector.load %arg14[%swap3A_110, %swap3A_111] : memref<400x256xbf16, #tpu.memory_space<vmem>>, vector<400x256xbf16>
    tpu.vector_store %arg14[%swap3A_110, %swap3A_111], %convert_element_type3A_109 {strides = array<i32>} : memref<400x256xbf16, #tpu.memory_space<vmem>>, vector<400x256xbf16>,
    return
  }
  func.func @transform_0(%arg0: i32) -> (i32, i32) {
    %c0_i32 = arith.constant 0 : i32
    %c0_i32_0 = arith.constant 0 : i32
    return %arg0, %c0_i32 : i32, i32
  }
  func.func @transform_1(%arg0: i32) -> (i32, i32) {
    %c0_i32 = arith.constant 0 : i32
    %c0_i32_0 = arith.constant 0 : i32
    return %arg0, %c0_i32 : i32, i32
  }
  func.func @transform_2(%arg0: i32) -> (i32, i32) {
    %c0_i32 = arith.constant 0 : i32
    %c0_i32_0 = arith.constant 0 : i32
    return %arg0, %c0_i32 : i32, i32
  }
  func.func @transform_3(%arg0: i32) -> (i32, i32) {
    %c0_i32 = arith.constant 0 : i32
    %c0_i32_0 = arith.constant 0 : i32
    return %arg0, %c0_i32 : i32, i32
  }
  func.func @transform_4(%arg0: i32) -> (i32, i32) {
    %c0_i32 = arith.constant 0 : i32
    %c0_i32_0 = arith.constant 0 : i32
    return %arg0, %c0_i32 : i32, i32
  }
  func.func @transform_5(%arg0: i32) -> (i32, i32) {
    %c0_i32 = arith.constant 0 : i32
    %c0_i32_0 = arith.constant 0 : i32
    %c0_i32_1 = arith.constant 0 : i32
    return %c0_i32, %c0_i32_0 : i32, i32
  }
  func.func @transform_6(%arg0: i32) -> (i32, i32) {
    %c0_i32 = arith.constant 0 : i32
    %c0_i32_0 = arith.constant 0 : i32
    %c0_i32_1 = arith.constant 0 : i32
    return %c0_i32, %c0_i32_0 : i32, i32
  }
  func.func @transform_7(%arg0: i32) -> (i32, i32) {
    %c0_i32 = arith.constant 0 : i32
    %c0_i32_0 = arith.constant 0 : i32
    %c0_i32_1 = arith.constant 0 : i32
    return %c0_i32, %c0_i32_0 : i32, i32
  }
  func.func @transform_8(%arg0: i32) -> (i32, i32) {
    %c0_i32 = arith.constant 0 : i32
    %c0_i32_0 = arith.constant 0 : i32
    %c0_i32_1 = arith.constant 0 : i32
    return %c0_i32, %c0_i32_0 : i32, i32
  }
  func.func @transform_9(%arg0: i32) -> (i32, i32) {
    %c0_i32 = arith.constant 0 : i32
    %c0_i32_0 = arith.constant 0 : i32
    %c0_i32_1 = arith.constant 0 : i32
    return %c0_i32, %c0_i32_0 : i32, i32
  }
  func.func @transform_10(%arg0: i32) -> (i32, i32) {
    %c0_i32 = arith.constant 0 : i32
    %c0_i32_0 = arith.constant 0 : i32
    %c0_i32_1 = arith.constant 0 : i32
    return %c0_i32, %c0_i32_0 : i32, i32
  }
  func.func @transform_11(%arg0: i32) -> (i32, i32) {
    %c0_i32 = arith.constant 0 : i32
    %c0_i32_0 = arith.constant 0 : i32
    return %arg0, %c0_i32 : i32, i32
  }
  func.func @transform_12(%arg0: i32) -> (i32, i32) {
    %c0_i32 = arith.constant 0 : i32
    %c0_i32_0 = arith.constant 0 : i32
    return %arg0, %c0_i32 : i32, i32
  }
  func.func @transform_13(%arg0: i32) -> (i32, i32) {
    %c0_i32 = arith.constant 0 : i32
    %c0_i32_0 = arith.constant 0 : i32
    return %arg0, %c0_i32 : i32, i32
  }
}

module attributes {stable_mosaic.version = 14 : i64} {
  func.func @_mix_final_body(%arg0: i32, %arg1: memref<200x128xf32, #tpu.memory_space<vmem>>, %arg2: memref<200x1024xf32, #tpu.memory_space<vmem>>, %arg3: memref<200x1xi32, #tpu.memory_space<vmem>>, %arg4: memref<200x1xi32, #tpu.memory_space<vmem>>, %arg5: memref<200x1xf32, #tpu.memory_space<vmem>>, %arg6: memref<128x264xf32, #tpu.memory_space<vmem>>, %arg7: memref<512x264xf32, #tpu.memory_space<vmem>>, %arg8: memref<256x128xf32, #tpu.memory_space<vmem>>, %arg9: memref<1x128xf32, #tpu.memory_space<vmem>>, %arg10: memref<1x128xf32, #tpu.memory_space<vmem>>, %arg11: memref<200x128xf32, #tpu.memory_space<vmem>>) attributes {dimension_semantics = [#tpu.dimension_semantics<arbitrary>], iteration_bounds = array<i64: 50>, scalar_prefetch = 0 : i64, scratch_operands = 0 : i64, tpu.core_type = #tpu.core_type<tc>, window_params = [{transform_indices = @transform_0, window_bounds = array<i64: 200, 128>}, {transform_indices = @transform_1, window_bounds = array<i64: 200, 1024>}, {transform_indices = @transform_2, window_bounds = array<i64: 200, 1>}, {transform_indices = @transform_3, window_bounds = array<i64: 200, 1>}, {transform_indices = @transform_4, window_bounds = array<i64: 200, 1>}, {pipeline_mode = #tpu.pipeline_mode<synchronous>, transform_indices = @transform_5, window_bounds = array<i64: 128, 264>}, {pipeline_mode = #tpu.pipeline_mode<synchronous>, transform_indices = @transform_6, window_bounds = array<i64: 512, 264>}, {pipeline_mode = #tpu.pipeline_mode<synchronous>, transform_indices = @transform_7, window_bounds = array<i64: 256, 128>}, {pipeline_mode = #tpu.pipeline_mode<synchronous>, transform_indices = @transform_8, window_bounds = array<i64: 1, 128>}, {pipeline_mode = #tpu.pipeline_mode<synchronous>, transform_indices = @transform_9, window_bounds = array<i64: 1, 128>}, {transform_indices = @transform_10, window_bounds = array<i64: 200, 128>}]} {
    %get3A = arith.constant 0 : index
    %get3A_0 = arith.constant 0 : index
    %get3A_1 = vector.load %arg2[%get3A, %get3A_0] : memref<200x1024xf32, #tpu.memory_space<vmem>>, vector<200x1024xf32>
    %slice3A = vector.extract_strided_slice %get3A_1 {offsets = [0, 0], sizes = [200, 256], strides = [1, 1]} : vector<200x1024xf32> to vector<200x256xf32>
    %slice3A_2 = vector.extract_strided_slice %get3A_1 {offsets = [0, 256], sizes = [200, 256], strides = [1, 1]} : vector<200x1024xf32> to vector<200x256xf32>
    %slice3A_3 = vector.extract_strided_slice %get3A_1 {offsets = [0, 512], sizes = [200, 256], strides = [1, 1]} : vector<200x1024xf32> to vector<200x256xf32>
    %slice3A_4 = vector.extract_strided_slice %get3A_1 {offsets = [0, 768], sizes = [200, 256], strides = [1, 1]} : vector<200x1024xf32> to vector<200x256xf32>
    %get3A_5 = arith.constant 0 : index
    %get3A_6 = arith.constant 0 : index
    %get3A_7 = vector.load %arg6[%get3A_5, %get3A_6] : memref<128x264xf32, #tpu.memory_space<vmem>>, vector<128x264xf32>
    %get3A_8 = arith.constant 0 : index
    %get3A_9 = arith.constant 0 : index
    %get3A_10 = vector.load %arg7[%get3A_8, %get3A_9] : memref<512x264xf32, #tpu.memory_space<vmem>>, vector<512x264xf32>
    %slice3A_11 = vector.extract_strided_slice %get3A_7 {offsets = [0, 0], sizes = [128, 256], strides = [1, 1]} : vector<128x264xf32> to vector<128x256xf32>
    %slice3A_12 = vector.extract_strided_slice %get3A_7 {offsets = [0, 256], sizes = [128, 1], strides = [1, 1]} : vector<128x264xf32> to vector<128x1xf32>
    %max3A = arith.constant 1.000000e+00 : f32
    %max3A_13 = vector.broadcast %max3A : f32 to vector<128x1xf32>
    %max3A_14 = arith.maximumf %slice3A_12, %max3A_13 : vector<128x1xf32>
    %div3A = vector.broadcast %max3A_14 : vector<128x1xf32> to vector<128x256xf32>
    %div3A_15 = arith.divf %slice3A_11, %div3A : vector<128x256xf32>
    %slice3A_16 = vector.extract_strided_slice %get3A_10 {offsets = [0, 0], sizes = [512, 256], strides = [1, 1]} : vector<512x264xf32> to vector<512x256xf32>
    %slice3A_17 = vector.extract_strided_slice %get3A_10 {offsets = [0, 256], sizes = [512, 1], strides = [1, 1]} : vector<512x264xf32> to vector<512x1xf32>
    %max3A_18 = arith.constant 1.000000e+00 : f32
    %max3A_19 = vector.broadcast %max3A_18 : f32 to vector<512x1xf32>
    %max3A_20 = arith.maximumf %slice3A_17, %max3A_19 : vector<512x1xf32>
    %div3A_21 = vector.broadcast %max3A_20 : vector<512x1xf32> to vector<512x256xf32>
    %div3A_22 = arith.divf %slice3A_16, %div3A_21 : vector<512x256xf32>
    %get3A_23 = arith.constant 0 : index
    %get3A_24 = arith.constant 0 : index
    %get3A_25 = vector.load %arg4[%get3A_23, %get3A_24] : memref<200x1xi32, #tpu.memory_space<vmem>>, vector<200x1xi32>
    %iota3A = tpu.iota {dimensions = array<i32: 1>} : vector<1x128xi32>
    %eq3A = vector.broadcast %get3A_25 : vector<200x1xi32> to vector<200x128xi32>
    %eq3A_26 = vector.broadcast %iota3A : vector<1x128xi32> to vector<200x128xi32>
    %eq3A_27 = arith.cmpi eq, %eq3A, %eq3A_26 : vector<200x128xi32>
    %convert_element_type3A = arith.extui %eq3A_27 : vector<200x128xi1> to vector<200x128xi32>
    %convert_element_type3A_28 = arith.sitofp %convert_element_type3A : vector<200x128xi32> to vector<200x128xf32>
    %get3A_29 = arith.constant 0 : index
    %get3A_30 = arith.constant 0 : index
    %get3A_31 = vector.load %arg3[%get3A_29, %get3A_30] : memref<200x1xi32, #tpu.memory_space<vmem>>, vector<200x1xi32>
    %iota3A_32 = tpu.iota {dimensions = array<i32: 1>} : vector<1x512xi32>
    %eq3A_33 = vector.broadcast %get3A_31 : vector<200x1xi32> to vector<200x512xi32>
    %eq3A_34 = vector.broadcast %iota3A_32 : vector<1x512xi32> to vector<200x512xi32>
    %eq3A_35 = arith.cmpi eq, %eq3A_33, %eq3A_34 : vector<200x512xi32>
    %convert_element_type3A_36 = arith.extui %eq3A_35 : vector<200x512xi1> to vector<200x512xi32>
    %convert_element_type3A_37 = arith.sitofp %convert_element_type3A_36 : vector<200x512xi32> to vector<200x512xf32>
    %dot_general3A = arith.constant dense<0.000000e+00> : vector<200x256xf32>
    %dot_general3A_38 = tpu.matmul %convert_element_type3A_28, %div3A_15, %dot_general3A {dimension_numbers = #tpu.dot_dimension_numbers<[1], [0], [0], [1], [0, 0, 1, 1], [], []>, transpose_lhs_hint = false} : vector<200x128xf32>, vector<128x256xf32>, vector<200x256xf32> -> vector<200x256xf32>
    %mul3A = arith.mulf %slice3A_4, %dot_general3A_38 : vector<200x256xf32>
    %dot_general3A_39 = arith.constant dense<0.000000e+00> : vector<200x256xf32>
    %dot_general3A_40 = tpu.matmul %convert_element_type3A_37, %div3A_22, %dot_general3A_39 {dimension_numbers = #tpu.dot_dimension_numbers<[1], [0], [0], [1], [0, 0, 1, 1], [], []>, transpose_lhs_hint = false} : vector<200x512xf32>, vector<512x256xf32>, vector<200x256xf32> -> vector<200x256xf32>
    %mul3A_41 = arith.mulf %slice3A_3, %dot_general3A_40 : vector<200x256xf32>
    %add3A = arith.addf %mul3A, %mul3A_41 : vector<200x256xf32>
    %mul3A_42 = arith.mulf %slice3A_2, %slice3A : vector<200x256xf32>
    %add3A_43 = arith.addf %add3A, %mul3A_42 : vector<200x256xf32>
    %get3A_44 = arith.constant 0 : index
    %get3A_45 = arith.constant 0 : index
    %get3A_46 = vector.load %arg1[%get3A_44, %get3A_45] : memref<200x128xf32, #tpu.memory_space<vmem>>, vector<200x128xf32>
    %get3A_47 = arith.constant 0 : index
    %get3A_48 = arith.constant 0 : index
    %get3A_49 = vector.load %arg8[%get3A_47, %get3A_48] : memref<256x128xf32, #tpu.memory_space<vmem>>, vector<256x128xf32>
    %dot_general3A_50 = arith.constant dense<0.000000e+00> : vector<200x128xf32>
    %dot_general3A_51 = tpu.matmul %add3A_43, %get3A_49, %dot_general3A_50 {dimension_numbers = #tpu.dot_dimension_numbers<[1], [0], [0], [1], [0, 0, 1, 1], [], []>, transpose_lhs_hint = false} : vector<200x256xf32>, vector<256x128xf32>, vector<200x128xf32> -> vector<200x128xf32>
    %get3A_52 = arith.constant 0 : index
    %get3A_53 = arith.constant 0 : index
    %get3A_54 = vector.load %arg5[%get3A_52, %get3A_53] : memref<200x1xf32, #tpu.memory_space<vmem>>, vector<200x1xf32>
    %mul3A_55 = vector.broadcast %get3A_54 : vector<200x1xf32> to vector<200x128xf32>
    %mul3A_56 = arith.mulf %dot_general3A_51, %mul3A_55 : vector<200x128xf32>
    %add3A_57 = arith.addf %get3A_46, %mul3A_56 : vector<200x128xf32>
    %get3A_58 = arith.constant 0 : index
    %get3A_59 = arith.constant 0 : index
    %get3A_60 = vector.load %arg9[%get3A_58, %get3A_59] : memref<1x128xf32, #tpu.memory_space<vmem>>, vector<1x128xf32>
    %get3A_61 = arith.constant 0 : index
    %get3A_62 = arith.constant 0 : index
    %get3A_63 = vector.load %arg10[%get3A_61, %get3A_62] : memref<1x128xf32, #tpu.memory_space<vmem>>, vector<1x128xf32>
    %reduce_sum3A = arith.constant dense<0.000000e+00> : vector<200xf32>
    %reduce_sum3A_64 = vector.multi_reduction <add>, %add3A_57, %reduce_sum3A [1] : vector<200x128xf32> to vector<200xf32>
    %broadcast_in_dim3A = vector.shape_cast %reduce_sum3A_64 : vector<200xf32> to vector<200x1xf32>
    %div3A_65 = arith.constant 1.280000e+02 : f32
    %div3A_66 = vector.broadcast %div3A_65 : f32 to vector<200x1xf32>
    %div3A_67 = arith.divf %broadcast_in_dim3A, %div3A_66 : vector<200x1xf32>
    %jit3A = arith.constant 0 : i32
    %reduce_sum3A_68 = arith.constant dense<0.000000e+00> : vector<200xf32>
    %reduce_sum3A_69 = vector.multi_reduction <add>, %add3A_57, %reduce_sum3A_68 [1] : vector<200x128xf32> to vector<200xf32>
    %broadcast_in_dim3A_70 = vector.shape_cast %reduce_sum3A_69 : vector<200xf32> to vector<200x1xf32>
    %div3A_71 = arith.constant 1.280000e+02 : f32
    %div3A_72 = vector.broadcast %div3A_71 : f32 to vector<200x1xf32>
    %div3A_73 = arith.divf %broadcast_in_dim3A_70, %div3A_72 : vector<200x1xf32>
    %sub3A = vector.broadcast %div3A_73 : vector<200x1xf32> to vector<200x128xf32>
    %sub3A_74 = arith.subf %add3A_57, %sub3A : vector<200x128xf32>
    %square3A = arith.mulf %sub3A_74, %sub3A_74 : vector<200x128xf32>
    %convert_element_type3A_75 = arith.sitofp %jit3A : i32 to f32
    %sub3A_76 = arith.constant 1.280000e+02 : f32
    %sub3A_77 = arith.subf %sub3A_76, %convert_element_type3A_75 : f32
    %reduce_sum3A_78 = arith.constant dense<0.000000e+00> : vector<200xf32>
    %reduce_sum3A_79 = vector.multi_reduction <add>, %square3A, %reduce_sum3A_78 [1] : vector<200x128xf32> to vector<200xf32>
    %broadcast_in_dim3A_80 = vector.shape_cast %reduce_sum3A_79 : vector<200xf32> to vector<200x1xf32>
    %div3A_81 = vector.broadcast %sub3A_77 : f32 to vector<200x1xf32>
    %div3A_82 = arith.divf %broadcast_in_dim3A_80, %div3A_81 : vector<200x1xf32>
    %gt3A = arith.constant 0.000000e+00 : f32
    %gt3A_83 = arith.cmpf ogt, %sub3A_77, %gt3A : f32
    %jit3A_84 = arith.constant 0x7FC00000 : f32
    %broadcast_in_dim3A_85 = vector.broadcast %jit3A_84 : f32 to vector<200x1xf32>
    %select_n3A = arith.select %gt3A_83, %div3A_82, %broadcast_in_dim3A_85 : vector<200x1xf32>
    %sub3A_86 = vector.broadcast %div3A_67 : vector<200x1xf32> to vector<200x128xf32>
    %sub3A_87 = arith.subf %add3A_57, %sub3A_86 : vector<200x128xf32>
    %add3A_88 = arith.constant 9.99999974E-6 : f32
    %add3A_89 = vector.broadcast %add3A_88 : f32 to vector<200x1xf32>
    %add3A_90 = arith.addf %select_n3A, %add3A_89 : vector<200x1xf32>
    %sqrt3A = math.sqrt %add3A_90 : vector<200x1xf32>
    %div3A_91 = vector.broadcast %sqrt3A : vector<200x1xf32> to vector<200x128xf32>
    %div3A_92 = arith.divf %sub3A_87, %div3A_91 : vector<200x128xf32>
    %mul3A_93 = vector.broadcast %get3A_60 : vector<1x128xf32> to vector<200x128xf32>
    %mul3A_94 = arith.mulf %div3A_92, %mul3A_93 : vector<200x128xf32>
    %add3A_95 = vector.broadcast %get3A_63 : vector<1x128xf32> to vector<200x128xf32>
    %add3A_96 = arith.addf %mul3A_94, %add3A_95 : vector<200x128xf32>
    %swap3A = arith.constant 0 : index
    %swap3A_97 = arith.constant 0 : index
    %swap3A_98 = vector.load %arg11[%swap3A, %swap3A_97] : memref<200x128xf32, #tpu.memory_space<vmem>>, vector<200x128xf32>
    tpu.vector_store %arg11[%swap3A, %swap3A_97], %add3A_96 {strides = array<i32>} : memref<200x128xf32, #tpu.memory_space<vmem>>, vector<200x128xf32>,
    return
  }
  func.func @transform_0(%arg0: i32) -> (i32, i32) {
    %c0_i32 = arith.constant 0 : i32
    %c0_i32_0 = arith.constant 0 : i32
    return %arg0, %c0_i32 : i32, i32
  }
  func.func @transform_1(%arg0: i32) -> (i32, i32) {
    %c0_i32 = arith.constant 0 : i32
    %c0_i32_0 = arith.constant 0 : i32
    return %arg0, %c0_i32 : i32, i32
  }
  func.func @transform_2(%arg0: i32) -> (i32, i32) {
    %c0_i32 = arith.constant 0 : i32
    %c0_i32_0 = arith.constant 0 : i32
    return %arg0, %c0_i32 : i32, i32
  }
  func.func @transform_3(%arg0: i32) -> (i32, i32) {
    %c0_i32 = arith.constant 0 : i32
    %c0_i32_0 = arith.constant 0 : i32
    return %arg0, %c0_i32 : i32, i32
  }
  func.func @transform_4(%arg0: i32) -> (i32, i32) {
    %c0_i32 = arith.constant 0 : i32
    %c0_i32_0 = arith.constant 0 : i32
    return %arg0, %c0_i32 : i32, i32
  }
  func.func @transform_5(%arg0: i32) -> (i32, i32) {
    %c0_i32 = arith.constant 0 : i32
    %c0_i32_0 = arith.constant 0 : i32
    %c0_i32_1 = arith.constant 0 : i32
    return %c0_i32, %c0_i32_0 : i32, i32
  }
  func.func @transform_6(%arg0: i32) -> (i32, i32) {
    %c0_i32 = arith.constant 0 : i32
    %c0_i32_0 = arith.constant 0 : i32
    %c0_i32_1 = arith.constant 0 : i32
    return %c0_i32, %c0_i32_0 : i32, i32
  }
  func.func @transform_7(%arg0: i32) -> (i32, i32) {
    %c0_i32 = arith.constant 0 : i32
    %c0_i32_0 = arith.constant 0 : i32
    %c0_i32_1 = arith.constant 0 : i32
    return %c0_i32, %c0_i32_0 : i32, i32
  }
  func.func @transform_8(%arg0: i32) -> (i32, i32) {
    %c0_i32 = arith.constant 0 : i32
    %c0_i32_0 = arith.constant 0 : i32
    %c0_i32_1 = arith.constant 0 : i32
    return %c0_i32, %c0_i32_0 : i32, i32
  }
  func.func @transform_9(%arg0: i32) -> (i32, i32) {
    %c0_i32 = arith.constant 0 : i32
    %c0_i32_0 = arith.constant 0 : i32
    %c0_i32_1 = arith.constant 0 : i32
    return %c0_i32, %c0_i32_0 : i32, i32
  }
  func.func @transform_10(%arg0: i32) -> (i32, i32) {
    %c0_i32 = arith.constant 0 : i32
    %c0_i32_0 = arith.constant 0 : i32
    return %arg0, %c0_i32 : i32, i32
  }
}

</mosaic_0001>

<sc_bundles>
// kernel: kernel.11.cloned.1.call-start
scs
__scs_entry_jumppad:
0x0: {  	(pc) =	sbr.rel $0x88, $3  }
0x1: {  	(tag) =	ssettag $0x0;
	lr =	simm.s32 $0x1  }
0x2: {  	[smem:$0x3F81] =	sst lr;
	_ =	strace $0xD0000000  }
0x3: {  	_ = 	snop  }
0x4: {  	_ = 	snop  }
0x5: {  	_ = 	snop  }
0x6: {  	_ = 	snop  }
0x7: {  	_ = 	snop  }
__scs_overlays_trampoline_lowered:
0x8: {  	[smem:$0x3F90] =	sst s0  }
0x9: {  	[smem:$0x3F91] =	sst s1  }
0xa: {  	[smem:$0x3F92] =	sst s2  }
0xb: {  	[smem:$0x3F93] =	sst s3  }
0xc: {  	[smem:$0x3F94] =	sst s4  }
0xd: {  	[smem:$0x3F95] =	sst s5  }
0xe: {  	[smem:$0x3F96] =	sst s6  }
0xf: {  	[smem:$0x3F97] =	sst s7  }
0x10: {  	[smem:$0x3F98] =	sst s8  }
0x11: {  	[smem:$0x3F99] =	sst s9;
	s0 =	simm.s32 @!p0 $0x0  }
0x12: {  	s1 =	sld [smem:$0x3F7F];
	s0 =	simm.s32 @p0 $0x1  }
0x13: {  	[smem:$0x3F9A] =	sst s0;
	s0 =	simm.s32 @!p1 $0x0  }
0x14: {  	s2 =	sld [smem:$0x3F7E];
	s0 =	simm.s32 @p1 $0x1  }
0x15: {  	[smem:$0x3F9B] =	sst s0;
	s0 =	simm.s32 @!p2 $0x0  }
0x16: {  	s3 =	sld [smem:$0x3FDB];
	s0 =	simm.s32 @p2 $0x1  }
0x17: {  	s4 =	simm.s32 $0x1BF5;
	[smem:$0x3F9D] =	sst s0  }
0x18: {  	s0 =	sld [smem:$0x3F80];
	_ =	swait.ge [sflag:s4], $0x0  }
0x19: {  	s7 =	sld [smem:$0x3F81]  }
0x1a: {  	s8 =	sadd.s32 $0xFFFFE003, lr  }
0x1b: {  	s9 =	sadd.s32 $0xFFFFFEF7, lr;
	s5 =	simm.s32 $0xFFFFFFFF;
	p2 =	slt.u32 s8, $0xFFFFF086  }
0x1c: {  	p1 =	slt.u32 s9, $0xF7A;
	s5 =	simm.s32 @!p2 $0x0  }
0x1d: {  	s5 =	simm.s32 @p1 $0x1;
	p0 =	seq.s32 s7, s2  }
0x1e: {  	s7 =	smul.u32 @!p0 $0xF7A, s2;
	p2 =	seq.s32 @!p0 s5, $0x0  }
0x1f: {  	s9 =	smul.u32 $0xF7A, s1;
	s8 =	simm.s32 @!p0 $0x1BF5;
	p2 =	por !p2, p0  }
0x20: {  	[sflag:s8] =	ssyncset.s32 @!p0 $0xFFFFF086;
	s6 =	sadd.s32 @!p0 s3, s7;
	s7 =	simm.s32 @!p0 $0x108  }
0x21: {  	s3 =	sadd.s32 s3, s9;
	s6 =	sadd.s32 @!p0 $0x88, s6;
	s7 =	simm.s32 @p2 $0x1082  }
0x22: {  	[simem:s7], [sflag:s8] =	dma.local @!p0 [hbm:s6], $0xF7A  }
0x23: {  	s9 =	sor.u32 $0xD0000000, s2;
	s6 =	simm.s32 $0x108;
	_ =	swait.ge @!p0 [sflag:s8], $0x0  }
0x24: {  	s3 =	sadd.s32 $0x88, s3;
	s6 =	simm.s32 @!p1 $0x1082;
	[sflag:s4] =	ssyncset.s32 $0xFFFFF086  }
0x25: {  	[simem:s6], [sflag:s4] =	dma.local [hbm:s3], $0xF7A  }
0x26: {  	[smem:$0x3F81] =	sst s1;
	(tag) =	ssettag s2;
	_ =	strace s9  }
0x27: {  	s1 =	sld [smem:$0x3F91]  }
0x28: {  	s2 =	sld [smem:$0x3F92]  }
0x29: {  	s4 =	sld [smem:$0x3F94]  }
0x2a: {  	p0 =	seq.s32 s5, $0x0;
	s5 =	sld [smem:$0x3F95]  }
0x2b: {  	s6 =	sld [smem:$0x3F96]  }
0x2c: {  	s7 =	sld [smem:$0x3F97]  }
0x2d: {  	s3 =	simm.s32 $0x108;
	s8 =	sld [smem:$0x3F98]  }
0x2e: {  	s3 =	simm.s32 @!p0 $0x1082;
	s9 =	sld [smem:$0x3F99]  }
0x2f: {  	lr =	sadd.s32 s0, s3;
	s0 =	sld [smem:$0x3F90]  }
0x30: {  	s3 =	sld [smem:$0x3F93]  }
0x31: {  	[smem:$0x3F9C] =	sst s10  }
0x32: {  	s10 =	sld [smem:$0x3F9A];
	_ =	sdelay $0x3  }
0x33: {  	p0 =	seq.s32 s10, $0x1;
	s10 =	sld [smem:$0x3F9C];
	_ =	sdelay $0x3  }
0x34: {  	[smem:$0x3F9C] =	sst s10  }
0x35: {  	s10 =	sld [smem:$0x3F9B];
	_ =	sdelay $0x3  }
0x36: {  	p1 =	seq.s32 s10, $0x1;
	s10 =	sld [smem:$0x3F9C];
	_ =	sdelay $0x3  }
0x37: {  	[smem:$0x3F9C] =	sst s10  }
0x38: {  	s10 =	sld [smem:$0x3F9D]  }
0x39: {  	_ = 	snop;
	(pc) =	sbr.ind lr, $3  }
0x3a: {  	_ = 	snop  }
0x3b: {  	_ = 	snop  }
0x3c: {  	p2 =	seq.s32 s10, $0x1;
	s10 =	sld [smem:$0x3F9C]  }
0x3d: {  	_ =	shalt  }
0x3e: {  	_ =	shalt  }
0x3f: {  	_ =	shalt  }
0x40: {  	_ =	shalt  }
0x41: {  	_ =	shalt  }
0x42: {  	_ =	shalt  }
0x43: {  	_ =	shalt  }
0x44: {  	_ =	shalt  }
0x45: {  	_ =	shalt  }
0x46: {  	_ =	shalt  }
0x47: {  	_ =	shalt  }
0x48: {  	_ =	shalt  }
0x49: {  	_ =	shalt  }
0x4a: {  	_ =	shalt  }
0x4b: {  	_ =	shalt  }
0x4c: {  	_ =	shalt  }
0x4d: {  	_ =	shalt  }
0x4e: {  	_ =	shalt  }
0x4f: {  	_ =	shalt  }
0x50: {  	_ =	shalt  }
0x51: {  	_ =	shalt  }
0x52: {  	_ =	shalt  }
0x53: {  	_ =	shalt  }
0x54: {  	_ =	shalt  }
0x55: {  	_ =	shalt  }
0x56: {  	_ =	shalt  }
0x57: {  	_ =	shalt  }
0x58: {  	_ =	shalt  }
0x59: {  	_ =	shalt  }
0x5a: {  	_ =	shalt  }
0x5b: {  	_ =	shalt  }
0x5c: {  	_ =	shalt  }
0x5d: {  	_ =	shalt  }
0x5e: {  	_ =	shalt  }
0x5f: {  	_ =	shalt  }
0x60: {  	_ =	shalt  }
0x61: {  	_ =	shalt  }
0x62: {  	_ =	shalt  }
0x63: {  	_ =	shalt  }
0x64: {  	_ =	shalt  }
0x65: {  	_ =	shalt  }
0x66: {  	_ =	shalt  }
0x67: {  	_ =	shalt  }
0x68: {  	_ =	shalt  }
0x69: {  	_ =	shalt  }
0x6a: {  	_ =	shalt  }
0x6b: {  	_ =	shalt  }
0x6c: {  	_ =	shalt  }
0x6d: {  	_ =	shalt  }
0x6e: {  	_ =	shalt  }
0x6f: {  	_ =	shalt  }
0x70: {  	_ =	shalt  }
0x71: {  	_ =	shalt  }
0x72: {  	_ =	shalt  }
0x73: {  	_ =	shalt  }
0x74: {  	_ =	shalt  }
0x75: {  	_ =	shalt  }
0x76: {  	_ =	shalt  }
0x77: {  	_ =	shalt  }
0x78: {  	_ =	shalt  }
0x79: {  	_ =	shalt  }
0x7a: {  	_ =	shalt  }
0x7b: {  	_ =	shalt  }
0x7c: {  	_ =	shalt  }
0x7d: {  	_ =	shalt  }
0x7e: {  	_ =	shalt  }
0x7f: {  	_ =	shalt  }
0x80: {  	_ =	shalt  }
0x81: {  	_ =	shalt  }
0x82: {  	_ =	shalt  }
0x83: {  	_ =	shalt  }
0x84: {  	_ =	shalt  }
0x85: {  	_ =	shalt  }
0x86: {  	_ =	shalt  }
0x87: {  	_ =	shalt  }
.Lfunc_end0:
.L_simem_size_0:
called_computation_lowered:
.L_overlay_start_0:
0x88: {  	s2 =	sld [smem:$0x3FD9]  }
0x89: {  	s3 =	sld [smem:$0x3FFE];
	_ =	sdelay $0x1  }
0x8a: {  	s1 =	srdreg.scid  }
0x8b: {  	s0 =	sand.u32 $0x1, s1  }
0x8c: {  	s16 =	sshll.u32 s0, $0xA;
	s2 =	sadd.s32 s3, s2  }
0x8d: {  	s2 =	sadd.s32 s2, s16  }
0x8e: {  	[smem:$0x3FA8] =	sst s2  }
0x8f: {  	_ = 	snop  }
0x90: {  	(tm) =	ssettm $0x1  }
0x91: {  	s17 =	sld [smem:$0x3FFB];
	_ =	sdelay $0x3  }
0x92: {  	_ =	strace s17  }
0x93: {  	s2 =	sld [smem:$0x3FFC];
	_ =	sdelay $0x3  }
0x94: {  	_ =	strace s2  }
0x95: {  	s2 =	sld [smem:$0x3FFD];
	_ =	sdelay $0x3  }
0x96: {  	_ =	strace s2  }
0x97: {  	_ =	strace $0x8FFFFFFF  }
0x98: {  	s18 =	sld [smem:$0x3FDB];
	_ =	sdelay $0x1  }
0x99: {  	s19 =	simm.s32 $_scs_section_size  }
0x9a: {  	s4 =	simm.s32 $_size__tile_overlayer_lowered;
	s5 =	simm.s32 $_tile_overlayer_lowered  }
0x9b: {  	s22 =	simm.s32 $0x1BFF;
	s21 =	sshll.u32 s5, $0x1;
	s2 =	sadd.s32 s19, s18  }
0x9c: {  	s6 =	simm.s32 $0x0;
	s20 =	sshll.u32 s4, $0x1;
	s4 =	sadd.s32 s21, s2  }
0x9d: {  	[timem:s6], [sflag:s22] =	dma.local [hbm:s4], s20  }
0x9e: {  	_ =	swait.ge [sflag:s22], s20  }
0x9f: {  	s3 =	ssub.s32 $0x0, s20;
	[sflag:s22] =	ssyncset.done $0x0  }
0xa0: {  	[sflag:s22] =	ssyncadd.s32 s3;
	_ =	sdelay $0x1  }
0xa1: {  	s23 =	simm.s32 $0x1B8B  }
0xa2: {  	_ =	swait.ge [sflag:s23], $0x1  }
0xa3: {  	[sflag:s23] =	ssyncset.done $0x0  }
0xa4: {  	s25 =	simm.s32 $0x1B8E;
	s24 =	sld [smem:$0x3FFE];
	[sflag:s23] =	ssyncadd.s32 $0xFFFFFFFF  }
0xa5: {  	s26 =	simm.s32 $execute0_lowered;
	[smem:$0x3FD2] =	sst s25  }
0xa6: {  	s4 =	sshll.u32 s26, $0x1;
	_ =	strace $0x80000046;
	[dreg:$0x1] =	wrdreg $0xFFFFFFFF  }
0xa7: {  	s28 =	simm.s32 $_size_execute0_lowered;
	s2 =	sadd.s32 s2, s4;
	[dreg:$0x0] =	wrdreg $0x0  }
0xa8: {  	s4 =	sshll.u32 s28, $0x1;
	[dreg:$0x2] =	wrdreg s2  }
0xa9: {  	[dreg:$0x3] =	wrdreg s4  }
0xaa: {  	[dreg:$0x4] =	wrdreg $0xC0  }
0xab: {  	_ =	task [dreg:s6], $0x5FFFF  }
0xac: {  	[dreg:$0x1] =	wrdreg $0xFFFFFFFF  }
0xad: {  	[dreg:$0x0] =	wrdreg $0x60  }
0xae: {  	[dreg:$0x2] =	wrdreg s24  }
0xaf: {  	[dreg:$0x3] =	wrdreg $0x9  }
0xb0: {  	_ =	task.clear_ibuf [dreg:s6], $0x4FFFF;
	_ =	strace $0x90000046  }
0xb1: {  	s29 =	simm.s32 $0x9;
	_ =	strace $0x80000048  }
0xb2: {  	_ =	swait.ge [sflag:s29], $0x1  }
0xb3: {  	[sflag:s29] =	ssyncadd.s32 $0xFFFFFFFF  }
0xb4: {  	_ =	strace $0x90000048  }
0xb5: {  	_ =	sfence  }
0xb6: {  	s30 =	sld [smem:$0x0];
	_ =	sdelay $0x2  }
0xb7: {  	s31 =	sshll.u32 s1, $0xD;
	s1 =	sshrl.u32 s1, $0x2  }
0xb8: {  	s3 =	sand.u32 $0x4000, s31;
	s1 =	sadd.s32 s1, s30  }
0xb9: {  	s0 =	sor.u32 s3, s0;
	s1 =	sshll.u32 s1, $0x11  }
0xba: {  	s0 =	sor.u32 s1, s0  }
0xbb: {  	s0 =	sadd.s32 $0x8F2B, s0  }
0xbc: {  	[sflag:s0] =	ssyncadd.remote.s32 $0x1  }
0xbd: {  	_ =	sfence.sel $0xFFFF  }
0xbe: {  	[dreg:$0x0] =	wrdreg $0xFFFFFFFF;
	(pc) =	sbr.abs _section_cstart, $3  }
0xbf: {  	[dreg:$0x1] =	wrdreg $0xFFFFFFFF  }
0xc0: {  	_ =	task.clear_ibuf [dreg:s6], $0x2FFFF;
	_ =	strace $0x9FFFFFFF  }
0xc1: {  	(tm) =	ssettm $0x7FFFFFFF  }
tec
execute0_lowered:
.L_overlay_start_1:
0x0: {  	(tag) =	ssettag $0x1  }
0x1: {  	s1 =	srdreg.scid  }
0x2: {  	s0 =	stileid.u32;
	s4 =	rddreg [dreg:$0x0]  }
0x3: {  	s2 =	simm.s32 $0x0;
	s11 =	simm.s32 $0x2E90;
	s12 =	simm.s32 $0x1  }
0x4: {  	s13 =	simm.s32 $0x2;
	s14 =	simm.s32 $0x26C0;
	s15 =	simm.s32 $0x0  }
0x5: {  	s5 =	sand.u32 $0x1, s1;
	s3 =	sshll.u32 s0, $0x1;
	s1 =	rddreg [dreg:$0x1]  }
0x6: {  	[smem:$0x7FF] =	sst s2;
	s10 =	smul.u32 $0xEA60, s0;
	s6 =	sor.u32 s5, s3  }
0x7: {  	s9 =	sadd.s32 $0x41200, s4;
	_ =	strace $0x80000047;
	s7 =	smul.u32 $0x2710, s6  }
0x8: {  	s3 =	sadd.s32 $0x2FE00, s4;
	s8 =	ssub.s32 $0x2, s5;
	s6 =	smul.u32 $0x3A980, s6  }
0x9: {  	s30 =	smul.u32 $0x7530, s5;
	s29 =	sshrl.u32 s8, $0x1;
	s31 =	sadd.s32 s10, s9  }
0xa: {  	s10 =	simm.s32 $0x2710;
	s7 =	sshrl.u32 s7, $0x3;
	s6 =	sshrl.u32 s6, $0x3  }
0xb: {  	s8 =	ssub.s32 s8, s29;
	s7 =	sadd.s32 s7, s4;
	s6 =	sadd.s32 s9, s6  }
0xc: {  	s9 =	simm.s32 $0x50;
	s4 =	sadd.s32 $0x37400, s7;
	s5 =	sadd.s32 $0x7440, s6  }
0xd: {  	s6 =	smax.u32 s8, $0x1;
	s7 =	sadd.s32 s30, s31;
	s8 =	simm.s32 $0x3  }
.LBB2_1:
0xe: {  	[tilespmem:s2], [sflag:$0x3] =	stream.linear.gather [hbm4b:s4+s2], $0x2710, $0x38;
	[tilespmem:$0x3610] =	vst v63  }
0xf: {  	_ =	swait.ge [sflag:s8], $0x2710  }
0x10: {  	[sflag:s8] =	ssyncset.done $0x0  }
0x11: {  	s16 =	simm.s32 $0x0;
	[sflag:s8] =	ssyncadd.s32 $0xFFFFD8F0  }
0x12: {  	[tilespmem:s10], [sflag:$0x1] =	stream.indirect.gather [hbm4b:s3+s9], $0x18, s16, s9, $0xb8;
	[tilespmem:$0x3610] =	vst v63  }
0x13: {  	_ = 	snop  }
0x14: {  	[tilespmem:s11], [sflag:$0x2] =	stream.indirect.gather [hbm4b:s3+s9], $0x18, s9, s9, $0xb8;
	[tilespmem:$0x3610] =	vst v63  }
0x15: {  	_ =	swait.ge [sflag:s12], $0x780  }
0x16: {  	[sflag:s12] =	ssyncset.done $0x0  }
0x17: {  	s31 =	sadd.s32 $0x0, s7;
	[sflag:s12] =	ssyncadd.s32 $0xFFFFF880  }
0x18: {  	[hbm4b:s31+s2] =	stream.linear.scatter [tilespmem:s10], [sflag:$0x3], $0x780, $0x38;
	[tilespmem:$0x3610] =	vst v63  }
0x19: {  	_ =	swait.ge [sflag:s8], $0x780  }
0x1a: {  	[sflag:s8] =	ssyncset.done $0x0  }
0x1b: {  	[sflag:s8] =	ssyncadd.s32 $0xFFFFF880  }
0x1c: {  	_ =	swait.ge [sflag:s13], $0x780  }
0x1d: {  	[sflag:s13] =	ssyncset.done $0x0  }
0x1e: {  	s16 =	sadd.s32 $0xF0, s31;
	[sflag:s13] =	ssyncadd.s32 $0xFFFFF880  }
0x1f: {  	[hbm4b:s16+s2] =	stream.linear.scatter [tilespmem:s11], [sflag:$0x3], $0x780, $0x38;
	[tilespmem:$0x3610] =	vst v63  }
0x20: {  	s18 =	simm.s32 $0x3C0;
	_ =	swait.ge [sflag:s8], $0x780  }
0x21: {  	s17 =	simm.s32 $0xF0;
	s16 =	simm.s32 $0x1E0;
	[sflag:s8] =	ssyncset.done $0x0  }
.LBB2_2:
0x22: {  	p0 =	sne.s32 s18, $0x7260;
	s19 =	sadd.s32 $0xFFFFFFB0, s17;
	[sflag:s8] =	ssyncadd.s32 $0xFFFFF880  }
0x23: {  	[tilespmem:s10], [sflag:$0x1] =	stream.indirect.gather [hbm4b:s3+s9], $0x18, s19, s9, $0xb8;
	[tilespmem:$0x3610] =	vst v63  }
0x24: {  	s19 =	smov.u32 s18;
	s18 =	sadd.s32 $0x1E0, s18  }
0x25: {  	[tilespmem:s11], [sflag:$0x2] =	stream.indirect.gather [hbm4b:s3+s9], $0x18, s17, s9, $0xb8;
	[tilespmem:$0x3610] =	vst v63  }
0x26: {  	_ =	swait.ge [sflag:s12], $0x780  }
0x27: {  	[sflag:s12] =	ssyncset.done $0x0  }
0x28: {  	s20 =	sadd.s32 s16, s7;
	s16 =	smov.u32 s19;
	[sflag:s12] =	ssyncadd.s32 $0xFFFFF880  }
0x29: {  	[hbm4b:s20+s2] =	stream.linear.scatter [tilespmem:s10], [sflag:$0x3], $0x780, $0x38;
	[tilespmem:$0x3610] =	vst v63  }
0x2a: {  	_ =	swait.ge [sflag:s8], $0x780  }
0x2b: {  	[sflag:s8] =	ssyncset.done $0x0  }
0x2c: {  	[sflag:s8] =	ssyncadd.s32 $0xFFFFF880  }
0x2d: {  	_ =	swait.ge [sflag:s13], $0x780  }
.Ltmp0:
0x2e: {  	[sflag:s13] =	ssyncset.done $0x0;
	(pc) =	sbr.rel @p0 .LBB2_2-.Ltmp0, $4  }
0x2f: {  	s19 =	sadd.s32 $0xF0, s20;
	[sflag:s13] =	ssyncadd.s32 $0xFFFFF880  }
0x30: {  	[hbm4b:s19+s2] =	stream.linear.scatter [tilespmem:s11], [sflag:$0x3], $0x780, $0x38;
	[tilespmem:$0x3610] =	vst v63  }
0x31: {  	_ =	swait.ge [sflag:s8], $0x780  }
0x32: {  	s17 =	sadd.s32 $0xA0, s17;
	[sflag:s8] =	ssyncset.done $0x0  }
0x33: {  	s18 =	sadd.s32 $0xFFFFFFB0, s17;
	[sflag:s8] =	ssyncadd.s32 $0xFFFFF880  }
0x34: {  	[tilespmem:s10], [sflag:$0x1] =	stream.indirect.gather [hbm4b:s3+s9], $0x18, s18, s9, $0xb8;
	[tilespmem:$0x3610] =	vst v63  }
0x35: {  	_ = 	snop  }
0x36: {  	[tilespmem:s11], [sflag:$0x2] =	stream.indirect.gather [hbm4b:s3+s9], $0x18, s17, s9, $0xb8;
	[tilespmem:$0x3610] =	vst v63  }
0x37: {  	_ =	swait.ge [sflag:s12], $0x780  }
0x38: {  	[sflag:s12] =	ssyncset.done $0x0  }
0x39: {  	s16 =	sadd.s32 s16, s7;
	[sflag:s12] =	ssyncadd.s32 $0xFFFFF880  }
0x3a: {  	[hbm4b:s16+s2] =	stream.linear.scatter [tilespmem:s10], [sflag:$0x3], $0x780, $0x38;
	[tilespmem:$0x3610] =	vst v63  }
0x3b: {  	_ =	swait.ge [sflag:s8], $0x780  }
0x3c: {  	[sflag:s8] =	ssyncset.done $0x0  }
0x3d: {  	[sflag:s8] =	ssyncadd.s32 $0xFFFFF880  }
0x3e: {  	_ =	swait.ge [sflag:s13], $0x780  }
0x3f: {  	[sflag:s13] =	ssyncset.done $0x0  }
0x40: {  	s16 =	sadd.s32 $0xF0, s16;
	[sflag:s13] =	ssyncadd.s32 $0xFFFFF880  }
0x41: {  	[hbm4b:s16+s2] =	stream.linear.scatter [tilespmem:s11], [sflag:$0x3], $0x780, $0x38;
	[tilespmem:$0x3610] =	vst v63  }
0x42: {  	_ =	swait.ge [sflag:s8], $0x780  }
0x43: {  	[sflag:s8] =	ssyncset.done $0x0  }
0x44: {  	[sflag:s8] =	ssyncadd.s32 $0xFFFFF880  }
0x45: {  	[tilespmem:s10], [sflag:$0x1] =	stream.indirect.gather [hbm4b:s3+s9], $0x18, s14, s9, $0xb8;
	[tilespmem:$0x3610] =	vst v63  }
0x46: {  	s15 =	sadd.s32 $0x1, s15;
	_ =	swait.ge [sflag:s12], $0x780  }
0x47: {  	p0 =	sne.s32 s15, s6;
	[sflag:s12] =	ssyncset.done $0x0  }
.Ltmp1:
0x48: {  	[sflag:s12] =	ssyncadd.s32 $0xFFFFF880;
	(pc) =	sbr.rel @p0 .LBB2_1-.Ltmp1, $4  }
0x49: {  	[hbm4b:s5+s2] =	stream.linear.scatter [tilespmem:s10], [sflag:$0x3], $0x780, $0x38;
	[tilespmem:$0x3610] =	vst v63  }
0x4a: {  	_ =	swait.ge [sflag:s8], $0x780  }
0x4b: {  	[sflag:s8] =	ssyncset.done $0x0  }
0x4c: {  	[sflag:s8] =	ssyncadd.s32 $0xFFFFF880  }
0x4d: {  	_ =	sfence.sel $0x180000  }
0x4e: {  	[bflag:$0x0] =	sbarrier.arrive $0xFFFF  }
0x4f: {  	p0 =	sne.s32 s0, $0x0;
	_ =	strace $0x90000047  }
0x50: {  	s0 =	sadd.s32 @!p0 $0x100000, s1;
	[bflag:$0x2] =	sbarrier.arrive $0xFFFF  }
0x51: {  	[sflag:s0] =	ssyncadd.tile.s32 @!p0 $0x1;
	_ =	shalt  }
.Lfunc_end2:
_tile_overlayer_lowered:
.L_overlay_start_2:
0x52: {  	(tag) =	ssettag $0x2  }
0x53: {  	s0 =	rddreg [dreg:$0x0];
	s2 =	stileid.u32  }
0x54: {  	s1 =	rddreg [dreg:$0x1];
	p0 =	sne.s32 s2, $0x0  }
0x55: {  	s3 =	rddreg [dreg:$0x2];
	[bflag:$0x3] =	sbarrier.arrive $0xFFFF;
	s2 =	simm.s32 @!p0 $0x1C03  }
0x56: {  	[timem:s3], [sflag:s2] =	dma.local @!p0 [hbm:s0], s1  }
0x57: {  	s0 =	simm.s32 @!p0 $0x3  }
0x58: {  	_ =	swait.ge @!p0 [sflag:s0], s1  }
0x59: {  	s1 =	ssub.s32 @!p0 $0x0, s1;
	[sflag:s0] =	ssyncset.done @!p0 $0x0  }
0x5a: {  	[sflag:s0] =	ssyncadd.s32 @!p0 s1  }
0x5b: {  	[bflag:$0x3] =	sbarrier.arrive $0xFFFF  }
0x5c: {  	_ =	shalt  }

// kernel: kernel.14.cloned.1.call-start
scs
__scs_entry_jumppad:
0x0: {  	(pc) =	sbr.rel $0x88, $3  }
0x1: {  	(tag) =	ssettag $0x0;
	lr =	simm.s32 $0x1  }
0x2: {  	[smem:$0x3F81] =	sst lr;
	_ =	strace $0xD0000000  }
0x3: {  	_ = 	snop  }
0x4: {  	_ = 	snop  }
0x5: {  	_ = 	snop  }
0x6: {  	_ = 	snop  }
0x7: {  	_ = 	snop  }
__scs_overlays_trampoline_lowered:
0x8: {  	[smem:$0x3F90] =	sst s0  }
0x9: {  	[smem:$0x3F91] =	sst s1  }
0xa: {  	[smem:$0x3F92] =	sst s2  }
0xb: {  	[smem:$0x3F93] =	sst s3  }
0xc: {  	[smem:$0x3F94] =	sst s4  }
0xd: {  	[smem:$0x3F95] =	sst s5  }
0xe: {  	[smem:$0x3F96] =	sst s6  }
0xf: {  	[smem:$0x3F97] =	sst s7  }
0x10: {  	[smem:$0x3F98] =	sst s8  }
0x11: {  	[smem:$0x3F99] =	sst s9;
	s0 =	simm.s32 @!p0 $0x0  }
0x12: {  	s1 =	sld [smem:$0x3F7F];
	s0 =	simm.s32 @p0 $0x1  }
0x13: {  	[smem:$0x3F9A] =	sst s0;
	s0 =	simm.s32 @!p1 $0x0  }
0x14: {  	s2 =	sld [smem:$0x3F7E];
	s0 =	simm.s32 @p1 $0x1  }
0x15: {  	[smem:$0x3F9B] =	sst s0;
	s0 =	simm.s32 @!p2 $0x0  }
0x16: {  	s3 =	sld [smem:$0x3FDB];
	s0 =	simm.s32 @p2 $0x1  }
0x17: {  	s4 =	simm.s32 $0x1BF5;
	[smem:$0x3F9D] =	sst s0  }
0x18: {  	s0 =	sld [smem:$0x3F80];
	_ =	swait.ge [sflag:s4], $0x0  }
0x19: {  	s7 =	sld [smem:$0x3F81]  }
0x1a: {  	s8 =	sadd.s32 $0xFFFFE003, lr  }
0x1b: {  	s9 =	sadd.s32 $0xFFFFFEF7, lr;
	s5 =	simm.s32 $0xFFFFFFFF;
	p2 =	slt.u32 s8, $0xFFFFF086  }
0x1c: {  	p1 =	slt.u32 s9, $0xF7A;
	s5 =	simm.s32 @!p2 $0x0  }
0x1d: {  	s5 =	simm.s32 @p1 $0x1;
	p0 =	seq.s32 s7, s2  }
0x1e: {  	s7 =	smul.u32 @!p0 $0xF7A, s2;
	p2 =	seq.s32 @!p0 s5, $0x0  }
0x1f: {  	s9 =	smul.u32 $0xF7A, s1;
	s8 =	simm.s32 @!p0 $0x1BF5;
	p2 =	por !p2, p0  }
0x20: {  	[sflag:s8] =	ssyncset.s32 @!p0 $0xFFFFF086;
	s6 =	sadd.s32 @!p0 s3, s7;
	s7 =	simm.s32 @!p0 $0x108  }
0x21: {  	s3 =	sadd.s32 s3, s9;
	s6 =	sadd.s32 @!p0 $0x88, s6;
	s7 =	simm.s32 @p2 $0x1082  }
0x22: {  	[simem:s7], [sflag:s8] =	dma.local @!p0 [hbm:s6], $0xF7A  }
0x23: {  	s9 =	sor.u32 $0xD0000000, s2;
	s6 =	simm.s32 $0x108;
	_ =	swait.ge @!p0 [sflag:s8], $0x0  }
0x24: {  	s3 =	sadd.s32 $0x88, s3;
	s6 =	simm.s32 @!p1 $0x1082;
	[sflag:s4] =	ssyncset.s32 $0xFFFFF086  }
0x25: {  	[simem:s6], [sflag:s4] =	dma.local [hbm:s3], $0xF7A  }
0x26: {  	[smem:$0x3F81] =	sst s1;
	(tag) =	ssettag s2;
	_ =	strace s9  }
0x27: {  	s1 =	sld [smem:$0x3F91]  }
0x28: {  	s2 =	sld [smem:$0x3F92]  }
0x29: {  	s4 =	sld [smem:$0x3F94]  }
0x2a: {  	p0 =	seq.s32 s5, $0x0;
	s5 =	sld [smem:$0x3F95]  }
0x2b: {  	s6 =	sld [smem:$0x3F96]  }
0x2c: {  	s7 =	sld [smem:$0x3F97]  }
0x2d: {  	s3 =	simm.s32 $0x108;
	s8 =	sld [smem:$0x3F98]  }
0x2e: {  	s3 =	simm.s32 @!p0 $0x1082;
	s9 =	sld [smem:$0x3F99]  }
0x2f: {  	lr =	sadd.s32 s0, s3;
	s0 =	sld [smem:$0x3F90]  }
0x30: {  	s3 =	sld [smem:$0x3F93]  }
0x31: {  	[smem:$0x3F9C] =	sst s10  }
0x32: {  	s10 =	sld [smem:$0x3F9A];
	_ =	sdelay $0x3  }
0x33: {  	p0 =	seq.s32 s10, $0x1;
	s10 =	sld [smem:$0x3F9C];
	_ =	sdelay $0x3  }
0x34: {  	[smem:$0x3F9C] =	sst s10  }
0x35: {  	s10 =	sld [smem:$0x3F9B];
	_ =	sdelay $0x3  }
0x36: {  	p1 =	seq.s32 s10, $0x1;
	s10 =	sld [smem:$0x3F9C];
	_ =	sdelay $0x3  }
0x37: {  	[smem:$0x3F9C] =	sst s10  }
0x38: {  	s10 =	sld [smem:$0x3F9D]  }
0x39: {  	_ = 	snop;
	(pc) =	sbr.ind lr, $3  }
0x3a: {  	_ = 	snop  }
0x3b: {  	_ = 	snop  }
0x3c: {  	p2 =	seq.s32 s10, $0x1;
	s10 =	sld [smem:$0x3F9C]  }
0x3d: {  	_ =	shalt  }
0x3e: {  	_ =	shalt  }
0x3f: {  	_ =	shalt  }
0x40: {  	_ =	shalt  }
0x41: {  	_ =	shalt  }
0x42: {  	_ =	shalt  }
0x43: {  	_ =	shalt  }
0x44: {  	_ =	shalt  }
0x45: {  	_ =	shalt  }
0x46: {  	_ =	shalt  }
0x47: {  	_ =	shalt  }
0x48: {  	_ =	shalt  }
0x49: {  	_ =	shalt  }
0x4a: {  	_ =	shalt  }
0x4b: {  	_ =	shalt  }
0x4c: {  	_ =	shalt  }
0x4d: {  	_ =	shalt  }
0x4e: {  	_ =	shalt  }
0x4f: {  	_ =	shalt  }
0x50: {  	_ =	shalt  }
0x51: {  	_ =	shalt  }
0x52: {  	_ =	shalt  }
0x53: {  	_ =	shalt  }
0x54: {  	_ =	shalt  }
0x55: {  	_ =	shalt  }
0x56: {  	_ =	shalt  }
0x57: {  	_ =	shalt  }
0x58: {  	_ =	shalt  }
0x59: {  	_ =	shalt  }
0x5a: {  	_ =	shalt  }
0x5b: {  	_ =	shalt  }
0x5c: {  	_ =	shalt  }
0x5d: {  	_ =	shalt  }
0x5e: {  	_ =	shalt  }
0x5f: {  	_ =	shalt  }
0x60: {  	_ =	shalt  }
0x61: {  	_ =	shalt  }
0x62: {  	_ =	shalt  }
0x63: {  	_ =	shalt  }
0x64: {  	_ =	shalt  }
0x65: {  	_ =	shalt  }
0x66: {  	_ =	shalt  }
0x67: {  	_ =	shalt  }
0x68: {  	_ =	shalt  }
0x69: {  	_ =	shalt  }
0x6a: {  	_ =	shalt  }
0x6b: {  	_ =	shalt  }
0x6c: {  	_ =	shalt  }
0x6d: {  	_ =	shalt  }
0x6e: {  	_ =	shalt  }
0x6f: {  	_ =	shalt  }
0x70: {  	_ =	shalt  }
0x71: {  	_ =	shalt  }
0x72: {  	_ =	shalt  }
0x73: {  	_ =	shalt  }
0x74: {  	_ =	shalt  }
0x75: {  	_ =	shalt  }
0x76: {  	_ =	shalt  }
0x77: {  	_ =	shalt  }
0x78: {  	_ =	shalt  }
0x79: {  	_ =	shalt  }
0x7a: {  	_ =	shalt  }
0x7b: {  	_ =	shalt  }
0x7c: {  	_ =	shalt  }
0x7d: {  	_ =	shalt  }
0x7e: {  	_ =	shalt  }
0x7f: {  	_ =	shalt  }
0x80: {  	_ =	shalt  }
0x81: {  	_ =	shalt  }
0x82: {  	_ =	shalt  }
0x83: {  	_ =	shalt  }
0x84: {  	_ =	shalt  }
0x85: {  	_ =	shalt  }
0x86: {  	_ =	shalt  }
0x87: {  	_ =	shalt  }
.Lfunc_end0:
.L_simem_size_0:
called_computation.1_lowered:
.L_overlay_start_0:
0x88: {  	s2 =	sld [smem:$0x3FD9]  }
0x89: {  	s3 =	sld [smem:$0x3FFE];
	_ =	sdelay $0x1  }
0x8a: {  	s1 =	srdreg.scid  }
0x8b: {  	s0 =	sand.u32 $0x1, s1  }
0x8c: {  	s17 =	sshll.u32 s0, $0xA;
	s2 =	sadd.s32 s3, s2  }
0x8d: {  	s2 =	sadd.s32 s2, s17  }
0x8e: {  	[smem:$0x3FA8] =	sst s2  }
0x8f: {  	_ = 	snop  }
0x90: {  	(tm) =	ssettm $0x1  }
0x91: {  	s18 =	sld [smem:$0x3FFB];
	_ =	sdelay $0x3  }
0x92: {  	_ =	strace s18  }
0x93: {  	s2 =	sld [smem:$0x3FFC];
	_ =	sdelay $0x3  }
0x94: {  	_ =	strace s2  }
0x95: {  	s2 =	sld [smem:$0x3FFD];
	_ =	sdelay $0x3  }
0x96: {  	_ =	strace s2  }
0x97: {  	_ =	strace $0x8FFFFFFF  }
0x98: {  	s19 =	sld [smem:$0x3FDB];
	_ =	sdelay $0x1  }
0x99: {  	s20 =	simm.s32 $_scs_section_size  }
0x9a: {  	s4 =	simm.s32 $_size__tile_overlayer_lowered;
	s5 =	simm.s32 $_tile_overlayer_lowered  }
0x9b: {  	s6 =	simm.s32 $0x1BFF;
	s21 =	sshll.u32 s5, $0x1;
	s3 =	sadd.s32 s20, s19  }
0x9c: {  	s22 =	simm.s32 $0x0;
	s4 =	sshll.u32 s4, $0x1;
	s5 =	sadd.s32 s21, s3  }
0x9d: {  	[timem:s22], [sflag:s6] =	dma.local [hbm:s5], s4  }
0x9e: {  	_ =	swait.ge [sflag:s6], s4  }
0x9f: {  	s4 =	ssub.s32 $0x0, s4;
	[sflag:s6] =	ssyncset.done $0x0  }
0xa0: {  	[sflag:s6] =	ssyncadd.s32 s4;
	_ =	sdelay $0x1  }
0xa1: {  	s23 =	simm.s32 $0x1B8B  }
0xa2: {  	_ =	swait.ge [sflag:s23], $0x1  }
0xa3: {  	[sflag:s23] =	ssyncset.done $0x0  }
0xa4: {  	[sflag:s23] =	ssyncadd.s32 $0xFFFFFFFF  }
0xa5: {  	s4 =	sld [smem:$0x0]  }
0xa6: {  	s5 =	sand.u32 $0xFFFFFFFE, s1  }
0xa7: {  	p0 =	sne.s32 s1, s5  }
0xa8: {  	s5 =	sshll.u32 @p0 s5, $0xE  }
0xa9: {  	s5 =	sadd.s32 @p0 $0x11B8D, s5;
	s6 =	sshll.u32 @p0 s4, $0x11  }
0xaa: {  	s5 =	sor.u32 @p0 s6, s5  }
0xab: {  	[sflag:s5] =	ssyncadd.remote.s32 @p0 $0x1;
	_ =	sdelay $0x1  }
0xac: {  	s5 =	simm.s32 @p0 $0x1B8D  }
0xad: {  	_ =	swait.eq @p0 [sflag:s5], $0x1  }
0xae: {  	[sflag:s5] =	ssyncadd.s32 @p0 $0xFFFFFFFF  }
0xaf: {  	s6 =	sshll.u32 @!p0 s1, $0xE  }
0xb0: {  	s6 =	sor.u32 @!p0 $0x4000, s6;
	s5 =	simm.s32 @!p0 $0x1B8D  }
0xb1: {  	s4 =	sshll.u32 @!p0 s4, $0x11;
	s6 =	sadd.s32 @!p0 $0x11B8D, s6;
	_ =	swait.eq @!p0 [sflag:s5], $0x1  }
0xb2: {  	s4 =	sor.u32 @!p0 s4, s6;
	[sflag:s5] =	ssyncadd.s32 @!p0 $0xFFFFFFFF  }
0xb3: {  	s25 =	simm.s32 $0x1B8E;
	s24 =	sld [smem:$0x3FFE];
	[sflag:s4] =	ssyncadd.remote.s32 @!p0 $0x1  }
0xb4: {  	s26 =	simm.s32 $execute0_lowered;
	[smem:$0x3FD2] =	sst s25  }
0xb5: {  	s5 =	sshll.u32 s26, $0x1;
	_ =	strace $0x80000049;
	[dreg:$0x1] =	wrdreg $0xFFFFFFFF  }
0xb6: {  	s28 =	simm.s32 $_size_execute0_lowered;
	s3 =	sadd.s32 s3, s5;
	[dreg:$0x0] =	wrdreg $0x0  }
0xb7: {  	s5 =	sshll.u32 s28, $0x1;
	[dreg:$0x2] =	wrdreg s3  }
0xb8: {  	[dreg:$0x3] =	wrdreg s5  }
0xb9: {  	[dreg:$0x4] =	wrdreg $0xC0  }
0xba: {  	_ =	task [dreg:s22], $0x5FFFF  }
0xbb: {  	[dreg:$0x1] =	wrdreg $0xFFFFFFFF  }
0xbc: {  	[dreg:$0x0] =	wrdreg $0x60  }
0xbd: {  	[dreg:$0x2] =	wrdreg s24  }
0xbe: {  	[dreg:$0x3] =	wrdreg $0xA  }
0xbf: {  	_ =	task.clear_ibuf [dreg:s22], $0x4FFFF;
	_ =	strace $0x90000049  }
0xc0: {  	s29 =	simm.s32 $0xA;
	_ =	strace $0x8000004B  }
0xc1: {  	_ =	swait.ge [sflag:s29], $0x1  }
0xc2: {  	[sflag:s29] =	ssyncadd.s32 $0xFFFFFFFF  }
0xc3: {  	_ =	strace $0x9000004B  }
0xc4: {  	_ =	sfence  }
0xc5: {  	s30 =	sld [smem:$0x0];
	_ =	sdelay $0x2  }
0xc6: {  	s31 =	sshll.u32 s1, $0xD;
	s1 =	sshrl.u32 s1, $0x2  }
0xc7: {  	s4 =	sand.u32 $0x4000, s31;
	s1 =	sadd.s32 s1, s30  }
0xc8: {  	s0 =	sor.u32 s4, s0;
	s1 =	sshll.u32 s1, $0x11  }
0xc9: {  	s0 =	sor.u32 s1, s0  }
0xca: {  	s0 =	sadd.s32 $0x8F2B, s0  }
0xcb: {  	[sflag:s0] =	ssyncadd.remote.s32 $0x1  }
0xcc: {  	_ =	sfence.sel $0xFFFF  }
0xcd: {  	[dreg:$0x0] =	wrdreg $0xFFFFFFFF;
	(pc) =	sbr.abs _section_cstart, $3  }
0xce: {  	[dreg:$0x1] =	wrdreg $0xFFFFFFFF  }
0xcf: {  	_ =	task.clear_ibuf [dreg:s22], $0x2FFFF;
	_ =	strace $0x9FFFFFFF  }
0xd0: {  	(tm) =	ssettm $0x7FFFFFFF  }
0xd1: {  	_ =	shalt  }
tec
execute0_lowered:
.L_overlay_start_1:
0x0: {  	(tag) =	ssettag $0x1  }
0x1: {  	s1 =	srdreg.scid  }
0x2: {  	s0 =	stileid.u32;
	s4 =	rddreg [dreg:$0x0]  }
0x3: {  	s2 =	simm.s32 $0x0;
	s13 =	simm.s32 $0x1;
	s14 =	simm.s32 $0x2  }
0x4: {  	s15 =	simm.s32 $0x26C0;
	s16 =	simm.s32 $0x0;
	s9 =	smul.u32 $0x4E20, s0  }
0x5: {  	s6 =	sand.u32 $0x1, s1;
	s1 =	rddreg [dreg:$0x1];
	s29 =	smul.u32 $0x4E200, s0  }
0x6: {  	s3 =	sshll.u32 s0, $0x1;
	[smem:$0x7FF] =	sst s2;
	s11 =	smul.u32 $0x2710, s6  }
0x7: {  	s12 =	sadd.s32 $0x154200, s4;
	s3 =	sor.u32 s6, s3;
	s30 =	smul.u32 $0x27100, s6  }
0x8: {  	_ =	strace $0x8000004A;
	s8 =	ssub.s32 $0x2, s6;
	s5 =	smul.u32 $0x2710, s3  }
0x9: {  	s7 =	smul.u32 $0x271000, s3;
	s3 =	sadd.s32 $0x12D000, s4;
	s10 =	sshrl.u32 s8, $0x1  }
0xa: {  	s31 =	sadd.s32 s29, s12;
	s8 =	ssub.s32 s8, s10;
	s28 =	sadd.s32 s11, s9  }
0xb: {  	s9 =	simm.s32 $0x3;
	s10 =	simm.s32 $0x50;
	s11 =	simm.s32 $0x2710  }
0xc: {  	s5 =	sshrl.u32 s5, $0x3;
	s26 =	sshrl.u32 s7, $0x4;
	s7 =	sshll.u32 s28, $0x4  }
0xd: {  	s6 =	smax.u32 s8, $0x1;
	s8 =	sadd.s32 s30, s31;
	s5 =	sadd.s32 s5, s4  }
0xe: {  	s7 =	sadd.s32 s12, s7;
	s4 =	sadd.s32 $0x37400, s5;
	s5 =	sadd.s32 s12, s26  }
0xf: {  	s7 =	sadd.s32 $0x500, s7;
	s12 =	simm.s32 $0x4F10;
	s5 =	sadd.s32 $0x26C00, s5  }
.LBB2_1:
0x10: {  	[tilespmem:s2], [sflag:$0x3] =	stream.linear.gather [hbm4b:s4+s2], $0x2710, $0x38;
	[tilespmem:$0x7710] =	vst v63  }
0x11: {  	_ =	swait.ge [sflag:s9], $0x2710  }
0x12: {  	[sflag:s9] =	ssyncset.done $0x0  }
0x13: {  	s17 =	simm.s32 $0x0;
	[sflag:s9] =	ssyncadd.s32 $0xFFFFD8F0  }
0x14: {  	[tilespmem:s11], [sflag:$0x1] =	stream.indirect.gather [hbm4b:s3+s10], $0x80, s17, s10, $0xb8;
	[tilespmem:$0x7710] =	vst v63  }
0x15: {  	_ = 	snop  }
0x16: {  	[tilespmem:s12], [sflag:$0x2] =	stream.indirect.gather [hbm4b:s3+s10], $0x80, s10, s10, $0xb8;
	[tilespmem:$0x7710] =	vst v63  }
0x17: {  	_ =	swait.ge [sflag:s13], $0x2800  }
0x18: {  	[sflag:s13] =	ssyncset.done $0x0  }
0x19: {  	s30 =	sadd.s32 $0x0, s8;
	[sflag:s13] =	ssyncadd.s32 $0xFFFFD800  }
0x1a: {  	[hbm4b:s30+s2] =	stream.linear.scatter [tilespmem:s11], [sflag:$0x3], $0x2800, $0x38;
	[tilespmem:$0x7710] =	vst v63  }
0x1b: {  	_ =	swait.ge [sflag:s9], $0x2800  }
0x1c: {  	[sflag:s9] =	ssyncset.done $0x0  }
0x1d: {  	[sflag:s9] =	ssyncadd.s32 $0xFFFFD800  }
0x1e: {  	_ =	swait.ge [sflag:s14], $0x2800  }
0x1f: {  	[sflag:s14] =	ssyncset.done $0x0  }
0x20: {  	s31 =	sadd.s32 $0x0, s7;
	[sflag:s14] =	ssyncadd.s32 $0xFFFFD800  }
0x21: {  	[hbm4b:s31+s2] =	stream.linear.scatter [tilespmem:s12], [sflag:$0x3], $0x2800, $0x38;
	[tilespmem:$0x7710] =	vst v63  }
0x22: {  	s19 =	simm.s32 $0x1400;
	_ =	swait.ge [sflag:s9], $0x2800  }
0x23: {  	s18 =	simm.s32 $0xF0;
	s17 =	simm.s32 $0xA00;
	[sflag:s9] =	ssyncset.done $0x0  }
.LBB2_2:
0x24: {  	p0 =	sne.s32 s19, $0x26200;
	s20 =	sadd.s32 $0xFFFFFFB0, s18;
	[sflag:s9] =	ssyncadd.s32 $0xFFFFD800  }
0x25: {  	[tilespmem:s11], [sflag:$0x1] =	stream.indirect.gather [hbm4b:s3+s10], $0x80, s20, s10, $0xb8;
	[tilespmem:$0x7710] =	vst v63  }
0x26: {  	s20 =	smov.u32 s19;
	s19 =	sadd.s32 $0xA00, s19  }
0x27: {  	[tilespmem:s12], [sflag:$0x2] =	stream.indirect.gather [hbm4b:s3+s10], $0x80, s18, s10, $0xb8;
	[tilespmem:$0x7710] =	vst v63  }
0x28: {  	_ =	swait.ge [sflag:s13], $0x2800  }
0x29: {  	[sflag:s13] =	ssyncset.done $0x0  }
0x2a: {  	s21 =	sadd.s32 s17, s8;
	[sflag:s13] =	ssyncadd.s32 $0xFFFFD800  }
0x2b: {  	[hbm4b:s21+s2] =	stream.linear.scatter [tilespmem:s11], [sflag:$0x3], $0x2800, $0x38;
	[tilespmem:$0x7710] =	vst v63  }
0x2c: {  	_ =	swait.ge [sflag:s9], $0x2800  }
0x2d: {  	[sflag:s9] =	ssyncset.done $0x0  }
0x2e: {  	[sflag:s9] =	ssyncadd.s32 $0xFFFFD800  }
0x2f: {  	_ =	swait.ge [sflag:s14], $0x2800  }
.Ltmp0:
0x30: {  	[sflag:s14] =	ssyncset.done $0x0;
	(pc) =	sbr.rel @p0 .LBB2_2-.Ltmp0, $4  }
0x31: {  	s21 =	sadd.s32 s17, s7;
	s17 =	smov.u32 s20;
	[sflag:s14] =	ssyncadd.s32 $0xFFFFD800  }
0x32: {  	[hbm4b:s21+s2] =	stream.linear.scatter [tilespmem:s12], [sflag:$0x3], $0x2800, $0x38;
	[tilespmem:$0x7710] =	vst v63  }
0x33: {  	_ =	swait.ge [sflag:s9], $0x2800  }
0x34: {  	s18 =	sadd.s32 $0xA0, s18;
	[sflag:s9] =	ssyncset.done $0x0  }
0x35: {  	s19 =	sadd.s32 $0xFFFFFFB0, s18;
	[sflag:s9] =	ssyncadd.s32 $0xFFFFD800  }
0x36: {  	[tilespmem:s11], [sflag:$0x1] =	stream.indirect.gather [hbm4b:s3+s10], $0x80, s19, s10, $0xb8;
	[tilespmem:$0x7710] =	vst v63  }
0x37: {  	_ = 	snop  }
0x38: {  	[tilespmem:s12], [sflag:$0x2] =	stream.indirect.gather [hbm4b:s3+s10], $0x80, s18, s10, $0xb8;
	[tilespmem:$0x7710] =	vst v63  }
0x39: {  	_ =	swait.ge [sflag:s13], $0x2800  }
0x3a: {  	[sflag:s13] =	ssyncset.done $0x0  }
0x3b: {  	s30 =	sadd.s32 s17, s8;
	[sflag:s13] =	ssyncadd.s32 $0xFFFFD800  }
0x3c: {  	[hbm4b:s30+s2] =	stream.linear.scatter [tilespmem:s11], [sflag:$0x3], $0x2800, $0x38;
	[tilespmem:$0x7710] =	vst v63  }
0x3d: {  	_ =	swait.ge [sflag:s9], $0x2800  }
0x3e: {  	[sflag:s9] =	ssyncset.done $0x0  }
0x3f: {  	[sflag:s9] =	ssyncadd.s32 $0xFFFFD800  }
0x40: {  	_ =	swait.ge [sflag:s14], $0x2800  }
0x41: {  	[sflag:s14] =	ssyncset.done $0x0  }
0x42: {  	s31 =	sadd.s32 s17, s7;
	[sflag:s14] =	ssyncadd.s32 $0xFFFFD800  }
0x43: {  	[hbm4b:s31+s2] =	stream.linear.scatter [tilespmem:s12], [sflag:$0x3], $0x2800, $0x38;
	[tilespmem:$0x7710] =	vst v63  }
0x44: {  	_ =	swait.ge [sflag:s9], $0x2800  }
0x45: {  	[sflag:s9] =	ssyncset.done $0x0  }
0x46: {  	[sflag:s9] =	ssyncadd.s32 $0xFFFFD800  }
0x47: {  	[tilespmem:s11], [sflag:$0x1] =	stream.indirect.gather [hbm4b:s3+s10], $0x80, s15, s10, $0xb8;
	[tilespmem:$0x7710] =	vst v63  }
0x48: {  	s16 =	sadd.s32 $0x1, s16;
	_ =	swait.ge [sflag:s13], $0x2800  }
0x49: {  	p0 =	sne.s32 s16, s6;
	[sflag:s13] =	ssyncset.done $0x0  }
.Ltmp1:
0x4a: {  	[sflag:s13] =	ssyncadd.s32 $0xFFFFD800;
	(pc) =	sbr.rel @p0 .LBB2_1-.Ltmp1, $4  }
0x4b: {  	[hbm4b:s5+s2] =	stream.linear.scatter [tilespmem:s11], [sflag:$0x3], $0x2800, $0x38;
	[tilespmem:$0x7710] =	vst v63  }
0x4c: {  	_ =	swait.ge [sflag:s9], $0x2800  }
0x4d: {  	[sflag:s9] =	ssyncset.done $0x0  }
0x4e: {  	[sflag:s9] =	ssyncadd.s32 $0xFFFFD800  }
0x4f: {  	_ =	sfence.sel $0x180000  }
0x50: {  	[bflag:$0x0] =	sbarrier.arrive $0xFFFF  }
0x51: {  	p0 =	sne.s32 s0, $0x0;
	_ =	strace $0x9000004A  }
0x52: {  	s0 =	sadd.s32 @!p0 $0x100000, s1;
	[bflag:$0x2] =	sbarrier.arrive $0xFFFF  }
0x53: {  	[sflag:s0] =	ssyncadd.tile.s32 @!p0 $0x1;
	_ =	shalt  }
.Lfunc_end2:
_tile_overlayer_lowered:
.L_overlay_start_2:
0x54: {  	(tag) =	ssettag $0x2  }
0x55: {  	s0 =	rddreg [dreg:$0x0];
	s2 =	stileid.u32  }
0x56: {  	s1 =	rddreg [dreg:$0x1];
	p0 =	sne.s32 s2, $0x0  }
0x57: {  	s3 =	rddreg [dreg:$0x2];
	[bflag:$0x3] =	sbarrier.arrive $0xFFFF;
	s2 =	simm.s32 @!p0 $0x1C03  }
0x58: {  	[timem:s3], [sflag:s2] =	dma.local @!p0 [hbm:s0], s1  }
0x59: {  	s0 =	simm.s32 @!p0 $0x3  }
0x5a: {  	_ =	swait.ge @!p0 [sflag:s0], s1  }
0x5b: {  	s1 =	ssub.s32 @!p0 $0x0, s1;
	[sflag:s0] =	ssyncset.done @!p0 $0x0  }
0x5c: {  	[sflag:s0] =	ssyncadd.s32 @!p0 s1  }
0x5d: {  	[bflag:$0x3] =	sbarrier.arrive $0xFFFF  }
0x5e: {  	_ =	shalt  }

// kernel: kernel.17.cloned.1.call-start
scs
__scs_entry_jumppad:
0x0: {  	(pc) =	sbr.rel $0x88, $3  }
0x1: {  	(tag) =	ssettag $0x0;
	lr =	simm.s32 $0x1  }
0x2: {  	[smem:$0x3F81] =	sst lr;
	_ =	strace $0xD0000000  }
0x3: {  	_ = 	snop  }
0x4: {  	_ = 	snop  }
0x5: {  	_ = 	snop  }
0x6: {  	_ = 	snop  }
0x7: {  	_ = 	snop  }
__scs_overlays_trampoline_lowered:
0x8: {  	[smem:$0x3F90] =	sst s0  }
0x9: {  	[smem:$0x3F91] =	sst s1  }
0xa: {  	[smem:$0x3F92] =	sst s2  }
0xb: {  	[smem:$0x3F93] =	sst s3  }
0xc: {  	[smem:$0x3F94] =	sst s4  }
0xd: {  	[smem:$0x3F95] =	sst s5  }
0xe: {  	[smem:$0x3F96] =	sst s6  }
0xf: {  	[smem:$0x3F97] =	sst s7  }
0x10: {  	[smem:$0x3F98] =	sst s8  }
0x11: {  	[smem:$0x3F99] =	sst s9;
	s0 =	simm.s32 @!p0 $0x0  }
0x12: {  	s1 =	sld [smem:$0x3F7F];
	s0 =	simm.s32 @p0 $0x1  }
0x13: {  	[smem:$0x3F9A] =	sst s0;
	s0 =	simm.s32 @!p1 $0x0  }
0x14: {  	s2 =	sld [smem:$0x3F7E];
	s0 =	simm.s32 @p1 $0x1  }
0x15: {  	[smem:$0x3F9B] =	sst s0;
	s0 =	simm.s32 @!p2 $0x0  }
0x16: {  	s3 =	sld [smem:$0x3FDB];
	s0 =	simm.s32 @p2 $0x1  }
0x17: {  	s4 =	simm.s32 $0x1BF5;
	[smem:$0x3F9D] =	sst s0  }
0x18: {  	s0 =	sld [smem:$0x3F80];
	_ =	swait.ge [sflag:s4], $0x0  }
0x19: {  	s7 =	sld [smem:$0x3F81]  }
0x1a: {  	s8 =	sadd.s32 $0xFFFFE003, lr  }
0x1b: {  	s9 =	sadd.s32 $0xFFFFFEF7, lr;
	s5 =	simm.s32 $0xFFFFFFFF;
	p2 =	slt.u32 s8, $0xFFFFF086  }
0x1c: {  	p1 =	slt.u32 s9, $0xF7A;
	s5 =	simm.s32 @!p2 $0x0  }
0x1d: {  	s5 =	simm.s32 @p1 $0x1;
	p0 =	seq.s32 s7, s2  }
0x1e: {  	s7 =	smul.u32 @!p0 $0xF7A, s2;
	p2 =	seq.s32 @!p0 s5, $0x0  }
0x1f: {  	s9 =	smul.u32 $0xF7A, s1;
	s8 =	simm.s32 @!p0 $0x1BF5;
	p2 =	por !p2, p0  }
0x20: {  	[sflag:s8] =	ssyncset.s32 @!p0 $0xFFFFF086;
	s6 =	sadd.s32 @!p0 s3, s7;
	s7 =	simm.s32 @!p0 $0x108  }
0x21: {  	s3 =	sadd.s32 s3, s9;
	s6 =	sadd.s32 @!p0 $0x88, s6;
	s7 =	simm.s32 @p2 $0x1082  }
0x22: {  	[simem:s7], [sflag:s8] =	dma.local @!p0 [hbm:s6], $0xF7A  }
0x23: {  	s9 =	sor.u32 $0xD0000000, s2;
	s6 =	simm.s32 $0x108;
	_ =	swait.ge @!p0 [sflag:s8], $0x0  }
0x24: {  	s3 =	sadd.s32 $0x88, s3;
	s6 =	simm.s32 @!p1 $0x1082;
	[sflag:s4] =	ssyncset.s32 $0xFFFFF086  }
0x25: {  	[simem:s6], [sflag:s4] =	dma.local [hbm:s3], $0xF7A  }
0x26: {  	[smem:$0x3F81] =	sst s1;
	(tag) =	ssettag s2;
	_ =	strace s9  }
0x27: {  	s1 =	sld [smem:$0x3F91]  }
0x28: {  	s2 =	sld [smem:$0x3F92]  }
0x29: {  	s4 =	sld [smem:$0x3F94]  }
0x2a: {  	p0 =	seq.s32 s5, $0x0;
	s5 =	sld [smem:$0x3F95]  }
0x2b: {  	s6 =	sld [smem:$0x3F96]  }
0x2c: {  	s7 =	sld [smem:$0x3F97]  }
0x2d: {  	s3 =	simm.s32 $0x108;
	s8 =	sld [smem:$0x3F98]  }
0x2e: {  	s3 =	simm.s32 @!p0 $0x1082;
	s9 =	sld [smem:$0x3F99]  }
0x2f: {  	lr =	sadd.s32 s0, s3;
	s0 =	sld [smem:$0x3F90]  }
0x30: {  	s3 =	sld [smem:$0x3F93]  }
0x31: {  	[smem:$0x3F9C] =	sst s10  }
0x32: {  	s10 =	sld [smem:$0x3F9A];
	_ =	sdelay $0x3  }
0x33: {  	p0 =	seq.s32 s10, $0x1;
	s10 =	sld [smem:$0x3F9C];
	_ =	sdelay $0x3  }
0x34: {  	[smem:$0x3F9C] =	sst s10  }
0x35: {  	s10 =	sld [smem:$0x3F9B];
	_ =	sdelay $0x3  }
0x36: {  	p1 =	seq.s32 s10, $0x1;
	s10 =	sld [smem:$0x3F9C];
	_ =	sdelay $0x3  }
0x37: {  	[smem:$0x3F9C] =	sst s10  }
0x38: {  	s10 =	sld [smem:$0x3F9D]  }
0x39: {  	_ = 	snop;
	(pc) =	sbr.ind lr, $3  }
0x3a: {  	_ = 	snop  }
0x3b: {  	_ = 	snop  }
0x3c: {  	p2 =	seq.s32 s10, $0x1;
	s10 =	sld [smem:$0x3F9C]  }
0x3d: {  	_ =	shalt  }
0x3e: {  	_ =	shalt  }
0x3f: {  	_ =	shalt  }
0x40: {  	_ =	shalt  }
0x41: {  	_ =	shalt  }
0x42: {  	_ =	shalt  }
0x43: {  	_ =	shalt  }
0x44: {  	_ =	shalt  }
0x45: {  	_ =	shalt  }
0x46: {  	_ =	shalt  }
0x47: {  	_ =	shalt  }
0x48: {  	_ =	shalt  }
0x49: {  	_ =	shalt  }
0x4a: {  	_ =	shalt  }
0x4b: {  	_ =	shalt  }
0x4c: {  	_ =	shalt  }
0x4d: {  	_ =	shalt  }
0x4e: {  	_ =	shalt  }
0x4f: {  	_ =	shalt  }
0x50: {  	_ =	shalt  }
0x51: {  	_ =	shalt  }
0x52: {  	_ =	shalt  }
0x53: {  	_ =	shalt  }
0x54: {  	_ =	shalt  }
0x55: {  	_ =	shalt  }
0x56: {  	_ =	shalt  }
0x57: {  	_ =	shalt  }
0x58: {  	_ =	shalt  }
0x59: {  	_ =	shalt  }
0x5a: {  	_ =	shalt  }
0x5b: {  	_ =	shalt  }
0x5c: {  	_ =	shalt  }
0x5d: {  	_ =	shalt  }
0x5e: {  	_ =	shalt  }
0x5f: {  	_ =	shalt  }
0x60: {  	_ =	shalt  }
0x61: {  	_ =	shalt  }
0x62: {  	_ =	shalt  }
0x63: {  	_ =	shalt  }
0x64: {  	_ =	shalt  }
0x65: {  	_ =	shalt  }
0x66: {  	_ =	shalt  }
0x67: {  	_ =	shalt  }
0x68: {  	_ =	shalt  }
0x69: {  	_ =	shalt  }
0x6a: {  	_ =	shalt  }
0x6b: {  	_ =	shalt  }
0x6c: {  	_ =	shalt  }
0x6d: {  	_ =	shalt  }
0x6e: {  	_ =	shalt  }
0x6f: {  	_ =	shalt  }
0x70: {  	_ =	shalt  }
0x71: {  	_ =	shalt  }
0x72: {  	_ =	shalt  }
0x73: {  	_ =	shalt  }
0x74: {  	_ =	shalt  }
0x75: {  	_ =	shalt  }
0x76: {  	_ =	shalt  }
0x77: {  	_ =	shalt  }
0x78: {  	_ =	shalt  }
0x79: {  	_ =	shalt  }
0x7a: {  	_ =	shalt  }
0x7b: {  	_ =	shalt  }
0x7c: {  	_ =	shalt  }
0x7d: {  	_ =	shalt  }
0x7e: {  	_ =	shalt  }
0x7f: {  	_ =	shalt  }
0x80: {  	_ =	shalt  }
0x81: {  	_ =	shalt  }
0x82: {  	_ =	shalt  }
0x83: {  	_ =	shalt  }
0x84: {  	_ =	shalt  }
0x85: {  	_ =	shalt  }
0x86: {  	_ =	shalt  }
0x87: {  	_ =	shalt  }
.Lfunc_end0:
.L_simem_size_0:
called_computation.2_lowered:
.L_overlay_start_0:
0x88: {  	s2 =	sld [smem:$0x3FD9]  }
0x89: {  	s3 =	sld [smem:$0x3FFE];
	_ =	sdelay $0x1  }
0x8a: {  	s1 =	srdreg.scid  }
0x8b: {  	s0 =	sand.u32 $0x1, s1  }
0x8c: {  	s16 =	sshll.u32 s0, $0xA;
	s2 =	sadd.s32 s3, s2  }
0x8d: {  	s2 =	sadd.s32 s2, s16  }
0x8e: {  	[smem:$0x3FA8] =	sst s2  }
0x8f: {  	_ = 	snop  }
0x90: {  	(tm) =	ssettm $0x1  }
0x91: {  	s17 =	sld [smem:$0x3FFB];
	_ =	sdelay $0x3  }
0x92: {  	_ =	strace s17  }
0x93: {  	s2 =	sld [smem:$0x3FFC];
	_ =	sdelay $0x3  }
0x94: {  	_ =	strace s2  }
0x95: {  	s2 =	sld [smem:$0x3FFD];
	_ =	sdelay $0x3  }
0x96: {  	_ =	strace s2  }
0x97: {  	_ =	strace $0x8FFFFFFF  }
0x98: {  	s18 =	sld [smem:$0x3FDB];
	_ =	sdelay $0x1  }
0x99: {  	s19 =	simm.s32 $_scs_section_size  }
0x9a: {  	s4 =	simm.s32 $_size__tile_overlayer_lowered;
	s5 =	simm.s32 $_tile_overlayer_lowered  }
0x9b: {  	s22 =	simm.s32 $0x1BFF;
	s21 =	sshll.u32 s5, $0x1;
	s2 =	sadd.s32 s19, s18  }
0x9c: {  	s6 =	simm.s32 $0x0;
	s20 =	sshll.u32 s4, $0x1;
	s4 =	sadd.s32 s21, s2  }
0x9d: {  	[timem:s6], [sflag:s22] =	dma.local [hbm:s4], s20  }
0x9e: {  	_ =	swait.ge [sflag:s22], s20  }
0x9f: {  	s3 =	ssub.s32 $0x0, s20;
	[sflag:s22] =	ssyncset.done $0x0  }
0xa0: {  	[sflag:s22] =	ssyncadd.s32 s3;
	_ =	sdelay $0x1  }
0xa1: {  	s23 =	simm.s32 $0x1B8B  }
0xa2: {  	_ =	swait.ge [sflag:s23], $0x1  }
0xa3: {  	[sflag:s23] =	ssyncset.done $0x0  }
0xa4: {  	s25 =	simm.s32 $0x1B8E;
	s24 =	sld [smem:$0x3FFE];
	[sflag:s23] =	ssyncadd.s32 $0xFFFFFFFF  }
0xa5: {  	s26 =	simm.s32 $execute0_lowered;
	[smem:$0x3FD2] =	sst s25  }
0xa6: {  	s4 =	sshll.u32 s26, $0x1;
	_ =	strace $0x8000004C;
	[dreg:$0x1] =	wrdreg $0xFFFFFFFF  }
0xa7: {  	s28 =	simm.s32 $_size_execute0_lowered;
	s2 =	sadd.s32 s2, s4;
	[dreg:$0x0] =	wrdreg $0x0  }
0xa8: {  	s4 =	sshll.u32 s28, $0x1;
	[dreg:$0x2] =	wrdreg s2  }
0xa9: {  	[dreg:$0x3] =	wrdreg s4  }
0xaa: {  	[dreg:$0x4] =	wrdreg $0xC0  }
0xab: {  	_ =	task [dreg:s6], $0x5FFFF  }
0xac: {  	[dreg:$0x1] =	wrdreg $0xFFFFFFFF  }
0xad: {  	[dreg:$0x0] =	wrdreg $0x60  }
0xae: {  	[dreg:$0x2] =	wrdreg s24  }
0xaf: {  	[dreg:$0x3] =	wrdreg $0x9  }
0xb0: {  	_ =	task.clear_ibuf [dreg:s6], $0x4FFFF;
	_ =	strace $0x9000004C  }
0xb1: {  	s29 =	simm.s32 $0x9;
	_ =	strace $0x8000004E  }
0xb2: {  	_ =	swait.ge [sflag:s29], $0x1  }
0xb3: {  	[sflag:s29] =	ssyncadd.s32 $0xFFFFFFFF  }
0xb4: {  	_ =	strace $0x9000004E  }
0xb5: {  	_ =	sfence  }
0xb6: {  	s30 =	sld [smem:$0x0];
	_ =	sdelay $0x2  }
0xb7: {  	s31 =	sshll.u32 s1, $0xD;
	s1 =	sshrl.u32 s1, $0x2  }
0xb8: {  	s3 =	sand.u32 $0x4000, s31;
	s1 =	sadd.s32 s1, s30  }
0xb9: {  	s0 =	sor.u32 s3, s0;
	s1 =	sshll.u32 s1, $0x11  }
0xba: {  	s0 =	sor.u32 s1, s0  }
0xbb: {  	s0 =	sadd.s32 $0x8F2B, s0  }
0xbc: {  	[sflag:s0] =	ssyncadd.remote.s32 $0x1  }
0xbd: {  	_ =	sfence.sel $0xFFFF  }
0xbe: {  	[dreg:$0x0] =	wrdreg $0xFFFFFFFF;
	(pc) =	sbr.abs _section_cstart, $3  }
0xbf: {  	[dreg:$0x1] =	wrdreg $0xFFFFFFFF  }
0xc0: {  	_ =	task.clear_ibuf [dreg:s6], $0x2FFFF;
	_ =	strace $0x9FFFFFFF  }
0xc1: {  	(tm) =	ssettm $0x7FFFFFFF  }
tec
execute0_lowered:
.L_overlay_start_1:
0x0: {  	(tag) =	ssettag $0x1  }
0x1: {  	s1 =	srdreg.scid  }
0x2: {  	s0 =	stileid.u32;
	s4 =	rddreg [dreg:$0x0]  }
0x3: {  	s2 =	simm.s32 $0x0;
	s13 =	simm.s32 $0x1;
	s14 =	simm.s32 $0x2  }
0x4: {  	s15 =	simm.s32 $0x26C0;
	s16 =	simm.s32 $0x0;
	s9 =	smul.u32 $0x4E20, s0  }
0x5: {  	s6 =	sand.u32 $0x1, s1;
	s1 =	rddreg [dreg:$0x1];
	s29 =	smul.u32 $0x4E200, s0  }
0x6: {  	s3 =	sshll.u32 s0, $0x1;
	[smem:$0x7FF] =	sst s2;
	s11 =	smul.u32 $0x2710, s6  }
0x7: {  	s12 =	sadd.s32 $0x41200, s4;
	s3 =	sor.u32 s6, s3;
	s30 =	smul.u32 $0x27100, s6  }
0x8: {  	_ =	strace $0x8000004D;
	s8 =	ssub.s32 $0x2, s6;
	s5 =	smul.u32 $0x2710, s3  }
0x9: {  	s7 =	smul.u32 $0x271000, s3;
	s3 =	sadd.s32 $0x6B0600, s4;
	s10 =	sshrl.u32 s8, $0x1  }
0xa: {  	s31 =	sadd.s32 s29, s12;
	s8 =	ssub.s32 s8, s10;
	s28 =	sadd.s32 s11, s9  }
0xb: {  	s9 =	simm.s32 $0x3;
	s10 =	simm.s32 $0x50;
	s11 =	simm.s32 $0x2710  }
0xc: {  	s5 =	sshrl.u32 s5, $0x3;
	s26 =	sshrl.u32 s7, $0x4;
	s7 =	sshll.u32 s28, $0x4  }
0xd: {  	s6 =	smax.u32 s8, $0x1;
	s8 =	sadd.s32 s30, s31;
	s5 =	sadd.s32 s5, s4  }
0xe: {  	s7 =	sadd.s32 s12, s7;
	s4 =	sadd.s32 $0x37400, s5;
	s5 =	sadd.s32 s12, s26  }
0xf: {  	s7 =	sadd.s32 $0x500, s7;
	s12 =	simm.s32 $0x4F10;
	s5 =	sadd.s32 $0x26C00, s5  }
.LBB2_1:
0x10: {  	[tilespmem:s2], [sflag:$0x3] =	stream.linear.gather [hbm4b:s4+s2], $0x2710, $0x38;
	[tilespmem:$0x7710] =	vst v63  }
0x11: {  	_ =	swait.ge [sflag:s9], $0x2710  }
0x12: {  	[sflag:s9] =	ssyncset.done $0x0  }
0x13: {  	s17 =	simm.s32 $0x0;
	[sflag:s9] =	ssyncadd.s32 $0xFFFFD8F0  }
0x14: {  	[tilespmem:s11], [sflag:$0x1] =	stream.indirect.gather [hbm4b:s3+s10], $0x80, s17, s10, $0xb8;
	[tilespmem:$0x7710] =	vst v63  }
0x15: {  	_ = 	snop  }
0x16: {  	[tilespmem:s12], [sflag:$0x2] =	stream.indirect.gather [hbm4b:s3+s10], $0x80, s10, s10, $0xb8;
	[tilespmem:$0x7710] =	vst v63  }
0x17: {  	_ =	swait.ge [sflag:s13], $0x2800  }
0x18: {  	[sflag:s13] =	ssyncset.done $0x0  }
0x19: {  	s30 =	sadd.s32 $0x0, s8;
	[sflag:s13] =	ssyncadd.s32 $0xFFFFD800  }
0x1a: {  	[hbm4b:s30+s2] =	stream.linear.scatter [tilespmem:s11], [sflag:$0x3], $0x2800, $0x38;
	[tilespmem:$0x7710] =	vst v63  }
0x1b: {  	_ =	swait.ge [sflag:s9], $0x2800  }
0x1c: {  	[sflag:s9] =	ssyncset.done $0x0  }
0x1d: {  	[sflag:s9] =	ssyncadd.s32 $0xFFFFD800  }
0x1e: {  	_ =	swait.ge [sflag:s14], $0x2800  }
0x1f: {  	[sflag:s14] =	ssyncset.done $0x0  }
0x20: {  	s31 =	sadd.s32 $0x0, s7;
	[sflag:s14] =	ssyncadd.s32 $0xFFFFD800  }
0x21: {  	[hbm4b:s31+s2] =	stream.linear.scatter [tilespmem:s12], [sflag:$0x3], $0x2800, $0x38;
	[tilespmem:$0x7710] =	vst v63  }
0x22: {  	s19 =	simm.s32 $0x1400;
	_ =	swait.ge [sflag:s9], $0x2800  }
0x23: {  	s18 =	simm.s32 $0xF0;
	s17 =	simm.s32 $0xA00;
	[sflag:s9] =	ssyncset.done $0x0  }
.LBB2_2:
0x24: {  	p0 =	sne.s32 s19, $0x26200;
	s20 =	sadd.s32 $0xFFFFFFB0, s18;
	[sflag:s9] =	ssyncadd.s32 $0xFFFFD800  }
0x25: {  	[tilespmem:s11], [sflag:$0x1] =	stream.indirect.gather [hbm4b:s3+s10], $0x80, s20, s10, $0xb8;
	[tilespmem:$0x7710] =	vst v63  }
0x26: {  	s20 =	smov.u32 s19;
	s19 =	sadd.s32 $0xA00, s19  }
0x27: {  	[tilespmem:s12], [sflag:$0x2] =	stream.indirect.gather [hbm4b:s3+s10], $0x80, s18, s10, $0xb8;
	[tilespmem:$0x7710] =	vst v63  }
0x28: {  	_ =	swait.ge [sflag:s13], $0x2800  }
0x29: {  	[sflag:s13] =	ssyncset.done $0x0  }
0x2a: {  	s21 =	sadd.s32 s17, s8;
	[sflag:s13] =	ssyncadd.s32 $0xFFFFD800  }
0x2b: {  	[hbm4b:s21+s2] =	stream.linear.scatter [tilespmem:s11], [sflag:$0x3], $0x2800, $0x38;
	[tilespmem:$0x7710] =	vst v63  }
0x2c: {  	_ =	swait.ge [sflag:s9], $0x2800  }
0x2d: {  	[sflag:s9] =	ssyncset.done $0x0  }
0x2e: {  	[sflag:s9] =	ssyncadd.s32 $0xFFFFD800  }
0x2f: {  	_ =	swait.ge [sflag:s14], $0x2800  }
.Ltmp0:
0x30: {  	[sflag:s14] =	ssyncset.done $0x0;
	(pc) =	sbr.rel @p0 .LBB2_2-.Ltmp0, $4  }
0x31: {  	s21 =	sadd.s32 s17, s7;
	s17 =	smov.u32 s20;
	[sflag:s14] =	ssyncadd.s32 $0xFFFFD800  }
0x32: {  	[hbm4b:s21+s2] =	stream.linear.scatter [tilespmem:s12], [sflag:$0x3], $0x2800, $0x38;
	[tilespmem:$0x7710] =	vst v63  }
0x33: {  	_ =	swait.ge [sflag:s9], $0x2800  }
0x34: {  	s18 =	sadd.s32 $0xA0, s18;
	[sflag:s9] =	ssyncset.done $0x0  }
0x35: {  	s19 =	sadd.s32 $0xFFFFFFB0, s18;
	[sflag:s9] =	ssyncadd.s32 $0xFFFFD800  }
0x36: {  	[tilespmem:s11], [sflag:$0x1] =	stream.indirect.gather [hbm4b:s3+s10], $0x80, s19, s10, $0xb8;
	[tilespmem:$0x7710] =	vst v63  }
0x37: {  	_ = 	snop  }
0x38: {  	[tilespmem:s12], [sflag:$0x2] =	stream.indirect.gather [hbm4b:s3+s10], $0x80, s18, s10, $0xb8;
	[tilespmem:$0x7710] =	vst v63  }
0x39: {  	_ =	swait.ge [sflag:s13], $0x2800  }
0x3a: {  	[sflag:s13] =	ssyncset.done $0x0  }
0x3b: {  	s30 =	sadd.s32 s17, s8;
	[sflag:s13] =	ssyncadd.s32 $0xFFFFD800  }
0x3c: {  	[hbm4b:s30+s2] =	stream.linear.scatter [tilespmem:s11], [sflag:$0x3], $0x2800, $0x38;
	[tilespmem:$0x7710] =	vst v63  }
0x3d: {  	_ =	swait.ge [sflag:s9], $0x2800  }
0x3e: {  	[sflag:s9] =	ssyncset.done $0x0  }
0x3f: {  	[sflag:s9] =	ssyncadd.s32 $0xFFFFD800  }
0x40: {  	_ =	swait.ge [sflag:s14], $0x2800  }
0x41: {  	[sflag:s14] =	ssyncset.done $0x0  }
0x42: {  	s31 =	sadd.s32 s17, s7;
	[sflag:s14] =	ssyncadd.s32 $0xFFFFD800  }
0x43: {  	[hbm4b:s31+s2] =	stream.linear.scatter [tilespmem:s12], [sflag:$0x3], $0x2800, $0x38;
	[tilespmem:$0x7710] =	vst v63  }
0x44: {  	_ =	swait.ge [sflag:s9], $0x2800  }
0x45: {  	[sflag:s9] =	ssyncset.done $0x0  }
0x46: {  	[sflag:s9] =	ssyncadd.s32 $0xFFFFD800  }
0x47: {  	[tilespmem:s11], [sflag:$0x1] =	stream.indirect.gather [hbm4b:s3+s10], $0x80, s15, s10, $0xb8;
	[tilespmem:$0x7710] =	vst v63  }
0x48: {  	s16 =	sadd.s32 $0x1, s16;
	_ =	swait.ge [sflag:s13], $0x2800  }
0x49: {  	p0 =	sne.s32 s16, s6;
	[sflag:s13] =	ssyncset.done $0x0  }
.Ltmp1:
0x4a: {  	[sflag:s13] =	ssyncadd.s32 $0xFFFFD800;
	(pc) =	sbr.rel @p0 .LBB2_1-.Ltmp1, $4  }
0x4b: {  	[hbm4b:s5+s2] =	stream.linear.scatter [tilespmem:s11], [sflag:$0x3], $0x2800, $0x38;
	[tilespmem:$0x7710] =	vst v63  }
0x4c: {  	_ =	swait.ge [sflag:s9], $0x2800  }
0x4d: {  	[sflag:s9] =	ssyncset.done $0x0  }
0x4e: {  	[sflag:s9] =	ssyncadd.s32 $0xFFFFD800  }
0x4f: {  	_ =	sfence.sel $0x180000  }
0x50: {  	[bflag:$0x0] =	sbarrier.arrive $0xFFFF  }
0x51: {  	p0 =	sne.s32 s0, $0x0;
	_ =	strace $0x9000004D  }
0x52: {  	s0 =	sadd.s32 @!p0 $0x100000, s1;
	[bflag:$0x2] =	sbarrier.arrive $0xFFFF  }
0x53: {  	[sflag:s0] =	ssyncadd.tile.s32 @!p0 $0x1;
	_ =	shalt  }
.Lfunc_end2:
_tile_overlayer_lowered:
.L_overlay_start_2:
0x54: {  	(tag) =	ssettag $0x2  }
0x55: {  	s0 =	rddreg [dreg:$0x0];
	s2 =	stileid.u32  }
0x56: {  	s1 =	rddreg [dreg:$0x1];
	p0 =	sne.s32 s2, $0x0  }
0x57: {  	s3 =	rddreg [dreg:$0x2];
	[bflag:$0x3] =	sbarrier.arrive $0xFFFF;
	s2 =	simm.s32 @!p0 $0x1C03  }
0x58: {  	[timem:s3], [sflag:s2] =	dma.local @!p0 [hbm:s0], s1  }
0x59: {  	s0 =	simm.s32 @!p0 $0x3  }
0x5a: {  	_ =	swait.ge @!p0 [sflag:s0], s1  }
0x5b: {  	s1 =	ssub.s32 @!p0 $0x0, s1;
	[sflag:s0] =	ssyncset.done @!p0 $0x0  }
0x5c: {  	[sflag:s0] =	ssyncadd.s32 @!p0 s1  }
0x5d: {  	[bflag:$0x3] =	sbarrier.arrive $0xFFFF  }
0x5e: {  	_ =	shalt  }

</sc_bundles>
